<compile_context>
chip_gen: v7x
topology: tpu7x:2x2x1
jax: 0.10.2.dev20260603
libtpu: 0.0.44.dev20260713+nightly
codegen_flags: <defaults>
</compile_context>

<pallas_src>
import functools

import jax
import jax.numpy as jnp
from jax import lax
from jax.experimental import pallas as pl
from jax.experimental.pallas import tpu as pltpu
from jax.experimental.pallas import tpu_sc as plsc


def kernel(features, nodes):
    V, D = features.shape
    (B,) = nodes.shape
    nodes = nodes.astype(jnp.int32)

    info = plsc.get_sparse_core_info()
    nc, ns = info.num_cores, info.num_subcores
    nw = nc * ns
    assert B % nw == 0
    b_per_w = B // nw

    chunk = 416
    n_chunks = b_per_w // chunk
    assert b_per_w % chunk == 0 and n_chunks % 2 == 0 and n_chunks >= 4
    assert chunk % 16 == 0

    mesh = plsc.VectorSubcoreMesh(core_axis_name="c", subcore_axis_name="s")

    @functools.partial(
        pl.kernel,
        mesh=mesh,
        out_type=jax.ShapeDtypeStruct((1, B, D), features.dtype),
        scratch_types=[
            pltpu.VMEM((chunk,), jnp.int32),
            pltpu.VMEM((chunk,), jnp.int32),
            pltpu.VMEM((chunk, D), features.dtype),
            pltpu.VMEM((chunk, D), features.dtype),
            pltpu.SemaphoreType.DMA,
            pltpu.SemaphoreType.DMA,
            pltpu.SemaphoreType.DMA,
            pltpu.SemaphoreType.DMA,
        ],
    )
    def gather_kernel(table_hbm, idx_hbm, out_hbm, idx_a, idx_b, rows_a,
                      rows_b, isem_a, isem_b, gsem_a, gsem_b):
        wid = lax.axis_index("s") * nc + lax.axis_index("c")
        base = wid * b_per_w

        def idx_start(idx_s, isem, g):
            off = base + g * chunk
            pltpu.async_copy(idx_hbm.at[pl.ds(off, chunk)], idx_s, isem)

        def idx_wait(idx_s, isem):
            pltpu.make_async_copy(idx_hbm.at[pl.ds(0, chunk)], idx_s,
                                  isem).wait()

        def issue_rows(idx_s, rows_v, gsem):
            def issue(b, carry):
                idx16 = idx_s[pl.ds(b * 16, 16)]
                rs = [idx16[k] for k in range(16)]
                for k in range(16):
                    pltpu.async_copy(
                        table_hbm.at[0, pl.ds(rs[k], 1)],
                        rows_v.at[pl.ds(b * 16 + k, 1)],
                        gsem,
                    )
                return carry

            lax.fori_loop(0, chunk // 16, issue, 0)

        def finish(rows_v, gsem, g):
            pltpu.make_async_copy(table_hbm.at[0, pl.ds(0, chunk)], rows_v,
                                  gsem).wait()
            off = base + g * chunk
            pltpu.sync_copy(rows_v, out_hbm.at[0, pl.ds(off, chunk)])

        idx_start(idx_a, isem_a, 0)
        idx_start(idx_b, isem_b, 1)
        idx_wait(idx_a, isem_a)
        issue_rows(idx_a, rows_a, gsem_a)

        def body(t, carry):
            g = 2 * t
            idx_wait(idx_b, isem_b)
            issue_rows(idx_b, rows_b, gsem_b)
            idx_start(idx_a, isem_a, g + 2)
            finish(rows_a, gsem_a, g)
            idx_wait(idx_a, isem_a)
            issue_rows(idx_a, rows_a, gsem_a)
            idx_start(idx_b, isem_b, g + 3)
            finish(rows_b, gsem_b, g + 1)
            return carry

        lax.fori_loop(0, (n_chunks - 2) // 2, body, 0)
        idx_wait(idx_b, isem_b)
        issue_rows(idx_b, rows_b, gsem_b)
        finish(rows_a, gsem_a, n_chunks - 2)
        finish(rows_b, gsem_b, n_chunks - 1)

    out3 = gather_kernel(features.reshape(1, V, D), nodes)
    return out3.reshape(B, D)

# --- scband reference (transcript-rebuilt; emitter-appended) ---
"""Pipeline reference for scband-raw-feature-60103772340410 (READ-ONLY COPY).

The authoritative reference and input builder live on the scoring server;
editing this copy changes nothing except your own understanding.
"""

import jax, jax.numpy as jnp
import numpy as np

NUM_NODES = 1000000
FEAT_DIM = 64
NUM_LOOKUPS = 425984


def setup_inputs(seed: int = 0) -> dict:
    key = jax.random.key(seed)
    k_feat, k_idx = jax.random.split(key)
    features = jax.random.normal(k_feat, (NUM_NODES, FEAT_DIM), dtype=jnp.float32)
    nodes = jax.random.randint(k_idx, (NUM_LOOKUPS,), 0, NUM_NODES, dtype=jnp.int64 if jax.config.jax_enable_x64 else jnp.int32)
    return {"features": features, "nodes": nodes}


def reference(features, nodes):
    # Faithful translation of tf.gather(self.features, nodes)
    return jnp.take(features, nodes, axis=0)

if __name__ == "__main__":
    import jax
    _d = setup_inputs()
    print(jax.jit(kernel)(*tuple(_d.values())))

</pallas_src>

<mosaic_0001>
#map = affine_map<(d0, d1) -> (0, 0, 0)>
#map1 = affine_map<(d0, d1) -> (0)>
module attributes {stable_mosaic.version = 14 : i64} {
  func.func @gather_kernel(%arg0: i32, %arg1: i32, %arg2: memref<1x1000000x64xf32, #tpu.memory_space<hbm>>, %arg3: memref<425984xi32, #tpu.memory_space<hbm>>, %arg4: memref<1x425984x64xf32, #tpu.memory_space<hbm>>, %arg5: memref<416xi32, #tpu.memory_space<vmem>>, %arg6: memref<416xi32, #tpu.memory_space<vmem>>, %arg7: memref<416x64xf32, #tpu.memory_space<vmem>>, %arg8: memref<416x64xf32, #tpu.memory_space<vmem>>, %arg9: memref<!tpu.dma_semaphore, #tpu.memory_space<semaphore_mem>>, %arg10: memref<!tpu.dma_semaphore, #tpu.memory_space<semaphore_mem>>, %arg11: memref<!tpu.dma_semaphore, #tpu.memory_space<semaphore_mem>>, %arg12: memref<!tpu.dma_semaphore, #tpu.memory_space<semaphore_mem>>) attributes {dimension_semantics = [#tpu.dimension_semantics<core_parallel>, #tpu.dimension_semantics<subcore_parallel>], iteration_bounds = array<i64: 2, 16>, scalar_prefetch = 0 : i64, scratch_operands = 8 : i64, tpu.core_type = #tpu.core_type<sc_vector_subcore>, window_params = [{transform_indices = #map}, {transform_indices = #map1}, {transform_indices = #map}]} {
    %mul3A = arith.constant 2 : i32
    %mul3A_0 = arith.muli %arg1, %mul3A : i32
    %add3A = arith.addi %mul3A_0, %arg0 : i32
    %mul3A_1 = arith.constant 13312 : i32
    %mul3A_2 = arith.muli %add3A, %mul3A_1 : i32
    %add3A_3 = arith.constant 0 : i32
    %add3A_4 = arith.addi %mul3A_2, %add3A_3 : i32
    %dma_start3A = tpu.memref_slice %arg3[%add3A_4] : memref<425984xi32, #tpu.memory_space<hbm>> -> memref<416xi32, #tpu.memory_space<hbm>>
    %dma_start3A_5 = tpu.memref_slice %arg3[%add3A_4] : memref<425984xi32, #tpu.memory_space<hbm>> -> memref<416xi32, #tpu.memory_space<hbm>>
    tpu.enqueue_dma source(%dma_start3A_5 : memref<416xi32, #tpu.memory_space<hbm>>) target(%arg5 : memref<416xi32, #tpu.memory_space<vmem>>) target_semaphore(%arg9 : memref<!tpu.dma_semaphore, #tpu.memory_space<semaphore_mem>>)
    %add3A_6 = arith.constant 416 : i32
    %add3A_7 = arith.addi %mul3A_2, %add3A_6 : i32
    %dma_start3A_8 = tpu.memref_slice %arg3[%add3A_7] : memref<425984xi32, #tpu.memory_space<hbm>> -> memref<416xi32, #tpu.memory_space<hbm>>
    %dma_start3A_9 = tpu.memref_slice %arg3[%add3A_7] : memref<425984xi32, #tpu.memory_space<hbm>> -> memref<416xi32, #tpu.memory_space<hbm>>
    tpu.enqueue_dma source(%dma_start3A_9 : memref<416xi32, #tpu.memory_space<hbm>>) target(%arg6 : memref<416xi32, #tpu.memory_space<vmem>>) target_semaphore(%arg10 : memref<!tpu.dma_semaphore, #tpu.memory_space<semaphore_mem>>)
    %dma_wait3A = arith.constant 0 : i32
    %dma_wait3A_10 = tpu.memref_slice %arg3[%dma_wait3A] : memref<425984xi32, #tpu.memory_space<hbm>> -> memref<416xi32, #tpu.memory_space<hbm>>
    %dma_wait3A_11 = arith.constant 0 : i32
    %dma_wait3A_12 = tpu.memref_slice %arg3[%dma_wait3A_11] : memref<425984xi32, #tpu.memory_space<hbm>> -> memref<416xi32, #tpu.memory_space<hbm>>
    tpu.wait_dma2 semaphore(%arg9 : memref<!tpu.dma_semaphore, #tpu.memory_space<semaphore_mem>>) src(%dma_wait3A_12 : memref<416xi32, #tpu.memory_space<hbm>>) dst(%arg5 : memref<416xi32, #tpu.memory_space<vmem>>)
    %scan3A = arith.constant 0 : i32
    %scan3A_13 = arith.constant 0 : i32
    %scan3A_14 = arith.constant 26 : i32
    %scan3A_15 = arith.addi %scan3A_13, %scan3A_14 : i32
    %scan3A_16 = arith.constant 1 : i32
    scf.for %scan3A_57 = %scan3A_13 to %scan3A_15 step %scan3A_16  : i32 {
      %mul3A_58 = arith.constant 16 : i32
      %mul3A_59 = arith.muli %scan3A_57, %mul3A_58 : i32
      %get3A = arith.index_cast %mul3A_59 : i32 to index
      %get3A_60 = tpu.vector_load %arg5[%get3A] {strides = array<i32>} : memref<416xi32, #tpu.memory_space<vmem>>, vector<16xi32>,
      %get3A_61 = vector.shape_cast %get3A_60 : vector<16xi32> to vector<16xi32>
      %slice3A = vector.extract_strided_slice %get3A_61 {offsets = [0], sizes = [1], strides = [1]} : vector<16xi32> to vector<1xi32>
      %squeeze3A = vector.extract %slice3A[0] : i32 from vector<1xi32>
      %slice3A_62 = vector.extract_strided_slice %get3A_61 {offsets = [1], sizes = [1], strides = [1]} : vector<16xi32> to vector<1xi32>
      %squeeze3A_63 = vector.extract %slice3A_62[0] : i32 from vector<1xi32>
      %slice3A_64 = vector.extract_strided_slice %get3A_61 {offsets = [2], sizes = [1], strides = [1]} : vector<16xi32> to vector<1xi32>
      %squeeze3A_65 = vector.extract %slice3A_64[0] : i32 from vector<1xi32>
      %slice3A_66 = vector.extract_strided_slice %get3A_61 {offsets = [3], sizes = [1], strides = [1]} : vector<16xi32> to vector<1xi32>
      %squeeze3A_67 = vector.extract %slice3A_66[0] : i32 from vector<1xi32>
      %slice3A_68 = vector.extract_strided_slice %get3A_61 {offsets = [4], sizes = [1], strides = [1]} : vector<16xi32> to vector<1xi32>
      %squeeze3A_69 = vector.extract %slice3A_68[0] : i32 from vector<1xi32>
      %slice3A_70 = vector.extract_strided_slice %get3A_61 {offsets = [5], sizes = [1], strides = [1]} : vector<16xi32> to vector<1xi32>
      %squeeze3A_71 = vector.extract %slice3A_70[0] : i32 from vector<1xi32>
      %slice3A_72 = vector.extract_strided_slice %get3A_61 {offsets = [6], sizes = [1], strides = [1]} : vector<16xi32> to vector<1xi32>
      %squeeze3A_73 = vector.extract %slice3A_72[0] : i32 from vector<1xi32>
      %slice3A_74 = vector.extract_strided_slice %get3A_61 {offsets = [7], sizes = [1], strides = [1]} : vector<16xi32> to vector<1xi32>
      %squeeze3A_75 = vector.extract %slice3A_74[0] : i32 from vector<1xi32>
      %slice3A_76 = vector.extract_strided_slice %get3A_61 {offsets = [8], sizes = [1], strides = [1]} : vector<16xi32> to vector<1xi32>
      %squeeze3A_77 = vector.extract %slice3A_76[0] : i32 from vector<1xi32>
      %slice3A_78 = vector.extract_strided_slice %get3A_61 {offsets = [9], sizes = [1], strides = [1]} : vector<16xi32> to vector<1xi32>
      %squeeze3A_79 = vector.extract %slice3A_78[0] : i32 from vector<1xi32>
      %slice3A_80 = vector.extract_strided_slice %get3A_61 {offsets = [10], sizes = [1], strides = [1]} : vector<16xi32> to vector<1xi32>
      %squeeze3A_81 = vector.extract %slice3A_80[0] : i32 from vector<1xi32>
      %slice3A_82 = vector.extract_strided_slice %get3A_61 {offsets = [11], sizes = [1], strides = [1]} : vector<16xi32> to vector<1xi32>
      %squeeze3A_83 = vector.extract %slice3A_82[0] : i32 from vector<1xi32>
      %slice3A_84 = vector.extract_strided_slice %get3A_61 {offsets = [12], sizes = [1], strides = [1]} : vector<16xi32> to vector<1xi32>
      %squeeze3A_85 = vector.extract %slice3A_84[0] : i32 from vector<1xi32>
      %slice3A_86 = vector.extract_strided_slice %get3A_61 {offsets = [13], sizes = [1], strides = [1]} : vector<16xi32> to vector<1xi32>
      %squeeze3A_87 = vector.extract %slice3A_86[0] : i32 from vector<1xi32>
      %slice3A_88 = vector.extract_strided_slice %get3A_61 {offsets = [14], sizes = [1], strides = [1]} : vector<16xi32> to vector<1xi32>
      %squeeze3A_89 = vector.extract %slice3A_88[0] : i32 from vector<1xi32>
      %slice3A_90 = vector.extract_strided_slice %get3A_61 {offsets = [15], sizes = [1], strides = [1]} : vector<16xi32> to vector<1xi32>
      %squeeze3A_91 = vector.extract %slice3A_90[0] : i32 from vector<1xi32>
      %mul3A_92 = arith.constant 16 : i32
      %mul3A_93 = arith.muli %scan3A_57, %mul3A_92 : i32
      %add3A_94 = arith.constant 0 : i32
      %add3A_95 = arith.addi %mul3A_93, %add3A_94 : i32
      %dma_start3A_96 = arith.constant 0 : i32
      %dma_start3A_97 = arith.constant 0 : i32
      %dma_start3A_98 = tpu.memref_slice %arg7[%add3A_95, %dma_start3A_97] : memref<416x64xf32, #tpu.memory_space<vmem>> -> memref<1x64xf32, #tpu.memory_space<vmem>>
      %dma_start3A_99 = arith.constant 0 : i32
      %dma_start3A_100 = tpu.memref_slice %arg2[%dma_start3A_96, %squeeze3A, %dma_start3A_99] : memref<1x1000000x64xf32, #tpu.memory_space<hbm>> -> memref<1x1x64xf32, #tpu.memory_space<hbm>>
      %dma_start3A_101 = tpu.memref_squeeze %dma_start3A_100 : memref<1x1x64xf32, #tpu.memory_space<hbm>> -> memref<1x64xf32, #tpu.memory_space<hbm>>
      %dma_start3A_102 = arith.constant 0 : i32
      %dma_start3A_103 = tpu.memref_slice %arg7[%add3A_95, %dma_start3A_102] : memref<416x64xf32, #tpu.memory_space<vmem>> -> memref<1x64xf32, #tpu.memory_space<vmem>>
      %dma_start3A_104 = arith.constant 0 : i32
      %dma_start3A_105 = tpu.memref_slice %arg2[%dma_start3A_96, %squeeze3A, %dma_start3A_104] : memref<1x1000000x64xf32, #tpu.memory_space<hbm>> -> memref<1x1x64xf32, #tpu.memory_space<hbm>>
      %dma_start3A_106 = tpu.memref_squeeze %dma_start3A_105 : memref<1x1x64xf32, #tpu.memory_space<hbm>> -> memref<1x64xf32, #tpu.memory_space<hbm>>
      tpu.enqueue_dma source(%dma_start3A_106 : memref<1x64xf32, #tpu.memory_space<hbm>>) target(%dma_start3A_103 : memref<1x64xf32, #tpu.memory_space<vmem>>) target_semaphore(%arg11 : memref<!tpu.dma_semaphore, #tpu.memory_space<semaphore_mem>>)
      %mul3A_107 = arith.constant 16 : i32
      %mul3A_108 = arith.muli %scan3A_57, %mul3A_107 : i32
      %add3A_109 = arith.constant 1 : i32
      %add3A_110 = arith.addi %mul3A_108, %add3A_109 : i32
      %dma_start3A_111 = arith.constant 0 : i32
      %dma_start3A_112 = arith.constant 0 : i32
      %dma_start3A_113 = tpu.memref_slice %arg7[%add3A_110, %dma_start3A_112] : memref<416x64xf32, #tpu.memory_space<vmem>> -> memref<1x64xf32, #tpu.memory_space<vmem>>
      %dma_start3A_114 = arith.constant 0 : i32
      %dma_start3A_115 = tpu.memref_slice %arg2[%dma_start3A_111, %squeeze3A_63, %dma_start3A_114] : memref<1x1000000x64xf32, #tpu.memory_space<hbm>> -> memref<1x1x64xf32, #tpu.memory_space<hbm>>
      %dma_start3A_116 = tpu.memref_squeeze %dma_start3A_115 : memref<1x1x64xf32, #tpu.memory_space<hbm>> -> memref<1x64xf32, #tpu.memory_space<hbm>>
      %dma_start3A_117 = arith.constant 0 : i32
      %dma_start3A_118 = tpu.memref_slice %arg7[%add3A_110, %dma_start3A_117] : memref<416x64xf32, #tpu.memory_space<vmem>> -> memref<1x64xf32, #tpu.memory_space<vmem>>
      %dma_start3A_119 = arith.constant 0 : i32
      %dma_start3A_120 = tpu.memref_slice %arg2[%dma_start3A_111, %squeeze3A_63, %dma_start3A_119] : memref<1x1000000x64xf32, #tpu.memory_space<hbm>> -> memref<1x1x64xf32, #tpu.memory_space<hbm>>
      %dma_start3A_121 = tpu.memref_squeeze %dma_start3A_120 : memref<1x1x64xf32, #tpu.memory_space<hbm>> -> memref<1x64xf32, #tpu.memory_space<hbm>>
      tpu.enqueue_dma source(%dma_start3A_121 : memref<1x64xf32, #tpu.memory_space<hbm>>) target(%dma_start3A_118 : memref<1x64xf32, #tpu.memory_space<vmem>>) target_semaphore(%arg11 : memref<!tpu.dma_semaphore, #tpu.memory_space<semaphore_mem>>)
      %mul3A_122 = arith.constant 16 : i32
      %mul3A_123 = arith.muli %scan3A_57, %mul3A_122 : i32
      %add3A_124 = arith.constant 2 : i32
      %add3A_125 = arith.addi %mul3A_123, %add3A_124 : i32
      %dma_start3A_126 = arith.constant 0 : i32
      %dma_start3A_127 = arith.constant 0 : i32
      %dma_start3A_128 = tpu.memref_slice %arg7[%add3A_125, %dma_start3A_127] : memref<416x64xf32, #tpu.memory_space<vmem>> -> memref<1x64xf32, #tpu.memory_space<vmem>>
      %dma_start3A_129 = arith.constant 0 : i32
      %dma_start3A_130 = tpu.memref_slice %arg2[%dma_start3A_126, %squeeze3A_65, %dma_start3A_129] : memref<1x1000000x64xf32, #tpu.memory_space<hbm>> -> memref<1x1x64xf32, #tpu.memory_space<hbm>>
      %dma_start3A_131 = tpu.memref_squeeze %dma_start3A_130 : memref<1x1x64xf32, #tpu.memory_space<hbm>> -> memref<1x64xf32, #tpu.memory_space<hbm>>
      %dma_start3A_132 = arith.constant 0 : i32
      %dma_start3A_133 = tpu.memref_slice %arg7[%add3A_125, %dma_start3A_132] : memref<416x64xf32, #tpu.memory_space<vmem>> -> memref<1x64xf32, #tpu.memory_space<vmem>>
      %dma_start3A_134 = arith.constant 0 : i32
      %dma_start3A_135 = tpu.memref_slice %arg2[%dma_start3A_126, %squeeze3A_65, %dma_start3A_134] : memref<1x1000000x64xf32, #tpu.memory_space<hbm>> -> memref<1x1x64xf32, #tpu.memory_space<hbm>>
      %dma_start3A_136 = tpu.memref_squeeze %dma_start3A_135 : memref<1x1x64xf32, #tpu.memory_space<hbm>> -> memref<1x64xf32, #tpu.memory_space<hbm>>
      tpu.enqueue_dma source(%dma_start3A_136 : memref<1x64xf32, #tpu.memory_space<hbm>>) target(%dma_start3A_133 : memref<1x64xf32, #tpu.memory_space<vmem>>) target_semaphore(%arg11 : memref<!tpu.dma_semaphore, #tpu.memory_space<semaphore_mem>>)
      %mul3A_137 = arith.constant 16 : i32
      %mul3A_138 = arith.muli %scan3A_57, %mul3A_137 : i32
      %add3A_139 = arith.constant 3 : i32
      %add3A_140 = arith.addi %mul3A_138, %add3A_139 : i32
      %dma_start3A_141 = arith.constant 0 : i32
      %dma_start3A_142 = arith.constant 0 : i32
      %dma_start3A_143 = tpu.memref_slice %arg7[%add3A_140, %dma_start3A_142] : memref<416x64xf32, #tpu.memory_space<vmem>> -> memref<1x64xf32, #tpu.memory_space<vmem>>
      %dma_start3A_144 = arith.constant 0 : i32
      %dma_start3A_145 = tpu.memref_slice %arg2[%dma_start3A_141, %squeeze3A_67, %dma_start3A_144] : memref<1x1000000x64xf32, #tpu.memory_space<hbm>> -> memref<1x1x64xf32, #tpu.memory_space<hbm>>
      %dma_start3A_146 = tpu.memref_squeeze %dma_start3A_145 : memref<1x1x64xf32, #tpu.memory_space<hbm>> -> memref<1x64xf32, #tpu.memory_space<hbm>>
      %dma_start3A_147 = arith.constant 0 : i32
      %dma_start3A_148 = tpu.memref_slice %arg7[%add3A_140, %dma_start3A_147] : memref<416x64xf32, #tpu.memory_space<vmem>> -> memref<1x64xf32, #tpu.memory_space<vmem>>
      %dma_start3A_149 = arith.constant 0 : i32
      %dma_start3A_150 = tpu.memref_slice %arg2[%dma_start3A_141, %squeeze3A_67, %dma_start3A_149] : memref<1x1000000x64xf32, #tpu.memory_space<hbm>> -> memref<1x1x64xf32, #tpu.memory_space<hbm>>
      %dma_start3A_151 = tpu.memref_squeeze %dma_start3A_150 : memref<1x1x64xf32, #tpu.memory_space<hbm>> -> memref<1x64xf32, #tpu.memory_space<hbm>>
      tpu.enqueue_dma source(%dma_start3A_151 : memref<1x64xf32, #tpu.memory_space<hbm>>) target(%dma_start3A_148 : memref<1x64xf32, #tpu.memory_space<vmem>>) target_semaphore(%arg11 : memref<!tpu.dma_semaphore, #tpu.memory_space<semaphore_mem>>)
      %mul3A_152 = arith.constant 16 : i32
      %mul3A_153 = arith.muli %scan3A_57, %mul3A_152 : i32
      %add3A_154 = arith.constant 4 : i32
      %add3A_155 = arith.addi %mul3A_153, %add3A_154 : i32
      %dma_start3A_156 = arith.constant 0 : i32
      %dma_start3A_157 = arith.constant 0 : i32
      %dma_start3A_158 = tpu.memref_slice %arg7[%add3A_155, %dma_start3A_157] : memref<416x64xf32, #tpu.memory_space<vmem>> -> memref<1x64xf32, #tpu.memory_space<vmem>>
      %dma_start3A_159 = arith.constant 0 : i32
      %dma_start3A_160 = tpu.memref_slice %arg2[%dma_start3A_156, %squeeze3A_69, %dma_start3A_159] : memref<1x1000000x64xf32, #tpu.memory_space<hbm>> -> memref<1x1x64xf32, #tpu.memory_space<hbm>>
      %dma_start3A_161 = tpu.memref_squeeze %dma_start3A_160 : memref<1x1x64xf32, #tpu.memory_space<hbm>> -> memref<1x64xf32, #tpu.memory_space<hbm>>
      %dma_start3A_162 = arith.constant 0 : i32
      %dma_start3A_163 = tpu.memref_slice %arg7[%add3A_155, %dma_start3A_162] : memref<416x64xf32, #tpu.memory_space<vmem>> -> memref<1x64xf32, #tpu.memory_space<vmem>>
      %dma_start3A_164 = arith.constant 0 : i32
      %dma_start3A_165 = tpu.memref_slice %arg2[%dma_start3A_156, %squeeze3A_69, %dma_start3A_164] : memref<1x1000000x64xf32, #tpu.memory_space<hbm>> -> memref<1x1x64xf32, #tpu.memory_space<hbm>>
      %dma_start3A_166 = tpu.memref_squeeze %dma_start3A_165 : memref<1x1x64xf32, #tpu.memory_space<hbm>> -> memref<1x64xf32, #tpu.memory_space<hbm>>
      tpu.enqueue_dma source(%dma_start3A_166 : memref<1x64xf32, #tpu.memory_space<hbm>>) target(%dma_start3A_163 : memref<1x64xf32, #tpu.memory_space<vmem>>) target_semaphore(%arg11 : memref<!tpu.dma_semaphore, #tpu.memory_space<semaphore_mem>>)
      %mul3A_167 = arith.constant 16 : i32
      %mul3A_168 = arith.muli %scan3A_57, %mul3A_167 : i32
      %add3A_169 = arith.constant 5 : i32
      %add3A_170 = arith.addi %mul3A_168, %add3A_169 : i32
      %dma_start3A_171 = arith.constant 0 : i32
      %dma_start3A_172 = arith.constant 0 : i32
      %dma_start3A_173 = tpu.memref_slice %arg7[%add3A_170, %dma_start3A_172] : memref<416x64xf32, #tpu.memory_space<vmem>> -> memref<1x64xf32, #tpu.memory_space<vmem>>
      %dma_start3A_174 = arith.constant 0 : i32
      %dma_start3A_175 = tpu.memref_slice %arg2[%dma_start3A_171, %squeeze3A_71, %dma_start3A_174] : memref<1x1000000x64xf32, #tpu.memory_space<hbm>> -> memref<1x1x64xf32, #tpu.memory_space<hbm>>
      %dma_start3A_176 = tpu.memref_squeeze %dma_start3A_175 : memref<1x1x64xf32, #tpu.memory_space<hbm>> -> memref<1x64xf32, #tpu.memory_space<hbm>>
      %dma_start3A_177 = arith.constant 0 : i32
      %dma_start3A_178 = tpu.memref_slice %arg7[%add3A_170, %dma_start3A_177] : memref<416x64xf32, #tpu.memory_space<vmem>> -> memref<1x64xf32, #tpu.memory_space<vmem>>
      %dma_start3A_179 = arith.constant 0 : i32
      %dma_start3A_180 = tpu.memref_slice %arg2[%dma_start3A_171, %squeeze3A_71, %dma_start3A_179] : memref<1x1000000x64xf32, #tpu.memory_space<hbm>> -> memref<1x1x64xf32, #tpu.memory_space<hbm>>
      %dma_start3A_181 = tpu.memref_squeeze %dma_start3A_180 : memref<1x1x64xf32, #tpu.memory_space<hbm>> -> memref<1x64xf32, #tpu.memory_space<hbm>>
      tpu.enqueue_dma source(%dma_start3A_181 : memref<1x64xf32, #tpu.memory_space<hbm>>) target(%dma_start3A_178 : memref<1x64xf32, #tpu.memory_space<vmem>>) target_semaphore(%arg11 : memref<!tpu.dma_semaphore, #tpu.memory_space<semaphore_mem>>)
      %mul3A_182 = arith.constant 16 : i32
      %mul3A_183 = arith.muli %scan3A_57, %mul3A_182 : i32
      %add3A_184 = arith.constant 6 : i32
      %add3A_185 = arith.addi %mul3A_183, %add3A_184 : i32
      %dma_start3A_186 = arith.constant 0 : i32
      %dma_start3A_187 = arith.constant 0 : i32
      %dma_start3A_188 = tpu.memref_slice %arg7[%add3A_185, %dma_start3A_187] : memref<416x64xf32, #tpu.memory_space<vmem>> -> memref<1x64xf32, #tpu.memory_space<vmem>>
      %dma_start3A_189 = arith.constant 0 : i32
      %dma_start3A_190 = tpu.memref_slice %arg2[%dma_start3A_186, %squeeze3A_73, %dma_start3A_189] : memref<1x1000000x64xf32, #tpu.memory_space<hbm>> -> memref<1x1x64xf32, #tpu.memory_space<hbm>>
      %dma_start3A_191 = tpu.memref_squeeze %dma_start3A_190 : memref<1x1x64xf32, #tpu.memory_space<hbm>> -> memref<1x64xf32, #tpu.memory_space<hbm>>
      %dma_start3A_192 = arith.constant 0 : i32
      %dma_start3A_193 = tpu.memref_slice %arg7[%add3A_185, %dma_start3A_192] : memref<416x64xf32, #tpu.memory_space<vmem>> -> memref<1x64xf32, #tpu.memory_space<vmem>>
      %dma_start3A_194 = arith.constant 0 : i32
      %dma_start3A_195 = tpu.memref_slice %arg2[%dma_start3A_186, %squeeze3A_73, %dma_start3A_194] : memref<1x1000000x64xf32, #tpu.memory_space<hbm>> -> memref<1x1x64xf32, #tpu.memory_space<hbm>>
      %dma_start3A_196 = tpu.memref_squeeze %dma_start3A_195 : memref<1x1x64xf32, #tpu.memory_space<hbm>> -> memref<1x64xf32, #tpu.memory_space<hbm>>
      tpu.enqueue_dma source(%dma_start3A_196 : memref<1x64xf32, #tpu.memory_space<hbm>>) target(%dma_start3A_193 : memref<1x64xf32, #tpu.memory_space<vmem>>) target_semaphore(%arg11 : memref<!tpu.dma_semaphore, #tpu.memory_space<semaphore_mem>>)
      %mul3A_197 = arith.constant 16 : i32
      %mul3A_198 = arith.muli %scan3A_57, %mul3A_197 : i32
      %add3A_199 = arith.constant 7 : i32
      %add3A_200 = arith.addi %mul3A_198, %add3A_199 : i32
      %dma_start3A_201 = arith.constant 0 : i32
      %dma_start3A_202 = arith.constant 0 : i32
      %dma_start3A_203 = tpu.memref_slice %arg7[%add3A_200, %dma_start3A_202] : memref<416x64xf32, #tpu.memory_space<vmem>> -> memref<1x64xf32, #tpu.memory_space<vmem>>
      %dma_start3A_204 = arith.constant 0 : i32
      %dma_start3A_205 = tpu.memref_slice %arg2[%dma_start3A_201, %squeeze3A_75, %dma_start3A_204] : memref<1x1000000x64xf32, #tpu.memory_space<hbm>> -> memref<1x1x64xf32, #tpu.memory_space<hbm>>
      %dma_start3A_206 = tpu.memref_squeeze %dma_start3A_205 : memref<1x1x64xf32, #tpu.memory_space<hbm>> -> memref<1x64xf32, #tpu.memory_space<hbm>>
      %dma_start3A_207 = arith.constant 0 : i32
      %dma_start3A_208 = tpu.memref_slice %arg7[%add3A_200, %dma_start3A_207] : memref<416x64xf32, #tpu.memory_space<vmem>> -> memref<1x64xf32, #tpu.memory_space<vmem>>
      %dma_start3A_209 = arith.constant 0 : i32
      %dma_start3A_210 = tpu.memref_slice %arg2[%dma_start3A_201, %squeeze3A_75, %dma_start3A_209] : memref<1x1000000x64xf32, #tpu.memory_space<hbm>> -> memref<1x1x64xf32, #tpu.memory_space<hbm>>
      %dma_start3A_211 = tpu.memref_squeeze %dma_start3A_210 : memref<1x1x64xf32, #tpu.memory_space<hbm>> -> memref<1x64xf32, #tpu.memory_space<hbm>>
      tpu.enqueue_dma source(%dma_start3A_211 : memref<1x64xf32, #tpu.memory_space<hbm>>) target(%dma_start3A_208 : memref<1x64xf32, #tpu.memory_space<vmem>>) target_semaphore(%arg11 : memref<!tpu.dma_semaphore, #tpu.memory_space<semaphore_mem>>)
      %mul3A_212 = arith.constant 16 : i32
      %mul3A_213 = arith.muli %scan3A_57, %mul3A_212 : i32
      %add3A_214 = arith.constant 8 : i32
      %add3A_215 = arith.addi %mul3A_213, %add3A_214 : i32
      %dma_start3A_216 = arith.constant 0 : i32
      %dma_start3A_217 = arith.constant 0 : i32
      %dma_start3A_218 = tpu.memref_slice %arg7[%add3A_215, %dma_start3A_217] : memref<416x64xf32, #tpu.memory_space<vmem>> -> memref<1x64xf32, #tpu.memory_space<vmem>>
      %dma_start3A_219 = arith.constant 0 : i32
      %dma_start3A_220 = tpu.memref_slice %arg2[%dma_start3A_216, %squeeze3A_77, %dma_start3A_219] : memref<1x1000000x64xf32, #tpu.memory_space<hbm>> -> memref<1x1x64xf32, #tpu.memory_space<hbm>>
      %dma_start3A_221 = tpu.memref_squeeze %dma_start3A_220 : memref<1x1x64xf32, #tpu.memory_space<hbm>> -> memref<1x64xf32, #tpu.memory_space<hbm>>
      %dma_start3A_222 = arith.constant 0 : i32
      %dma_start3A_223 = tpu.memref_slice %arg7[%add3A_215, %dma_start3A_222] : memref<416x64xf32, #tpu.memory_space<vmem>> -> memref<1x64xf32, #tpu.memory_space<vmem>>
      %dma_start3A_224 = arith.constant 0 : i32
      %dma_start3A_225 = tpu.memref_slice %arg2[%dma_start3A_216, %squeeze3A_77, %dma_start3A_224] : memref<1x1000000x64xf32, #tpu.memory_space<hbm>> -> memref<1x1x64xf32, #tpu.memory_space<hbm>>
      %dma_start3A_226 = tpu.memref_squeeze %dma_start3A_225 : memref<1x1x64xf32, #tpu.memory_space<hbm>> -> memref<1x64xf32, #tpu.memory_space<hbm>>
      tpu.enqueue_dma source(%dma_start3A_226 : memref<1x64xf32, #tpu.memory_space<hbm>>) target(%dma_start3A_223 : memref<1x64xf32, #tpu.memory_space<vmem>>) target_semaphore(%arg11 : memref<!tpu.dma_semaphore, #tpu.memory_space<semaphore_mem>>)
      %mul3A_227 = arith.constant 16 : i32
      %mul3A_228 = arith.muli %scan3A_57, %mul3A_227 : i32
      %add3A_229 = arith.constant 9 : i32
      %add3A_230 = arith.addi %mul3A_228, %add3A_229 : i32
      %dma_start3A_231 = arith.constant 0 : i32
      %dma_start3A_232 = arith.constant 0 : i32
      %dma_start3A_233 = tpu.memref_slice %arg7[%add3A_230, %dma_start3A_232] : memref<416x64xf32, #tpu.memory_space<vmem>> -> memref<1x64xf32, #tpu.memory_space<vmem>>
      %dma_start3A_234 = arith.constant 0 : i32
      %dma_start3A_235 = tpu.memref_slice %arg2[%dma_start3A_231, %squeeze3A_79, %dma_start3A_234] : memref<1x1000000x64xf32, #tpu.memory_space<hbm>> -> memref<1x1x64xf32, #tpu.memory_space<hbm>>
      %dma_start3A_236 = tpu.memref_squeeze %dma_start3A_235 : memref<1x1x64xf32, #tpu.memory_space<hbm>> -> memref<1x64xf32, #tpu.memory_space<hbm>>
      %dma_start3A_237 = arith.constant 0 : i32
      %dma_start3A_238 = tpu.memref_slice %arg7[%add3A_230, %dma_start3A_237] : memref<416x64xf32, #tpu.memory_space<vmem>> -> memref<1x64xf32, #tpu.memory_space<vmem>>
      %dma_start3A_239 = arith.constant 0 : i32
      %dma_start3A_240 = tpu.memref_slice %arg2[%dma_start3A_231, %squeeze3A_79, %dma_start3A_239] : memref<1x1000000x64xf32, #tpu.memory_space<hbm>> -> memref<1x1x64xf32, #tpu.memory_space<hbm>>
      %dma_start3A_241 = tpu.memref_squeeze %dma_start3A_240 : memref<1x1x64xf32, #tpu.memory_space<hbm>> -> memref<1x64xf32, #tpu.memory_space<hbm>>
      tpu.enqueue_dma source(%dma_start3A_241 : memref<1x64xf32, #tpu.memory_space<hbm>>) target(%dma_start3A_238 : memref<1x64xf32, #tpu.memory_space<vmem>>) target_semaphore(%arg11 : memref<!tpu.dma_semaphore, #tpu.memory_space<semaphore_mem>>)
      %mul3A_242 = arith.constant 16 : i32
      %mul3A_243 = arith.muli %scan3A_57, %mul3A_242 : i32
      %add3A_244 = arith.constant 10 : i32
      %add3A_245 = arith.addi %mul3A_243, %add3A_244 : i32
      %dma_start3A_246 = arith.constant 0 : i32
      %dma_start3A_247 = arith.constant 0 : i32
      %dma_start3A_248 = tpu.memref_slice %arg7[%add3A_245, %dma_start3A_247] : memref<416x64xf32, #tpu.memory_space<vmem>> -> memref<1x64xf32, #tpu.memory_space<vmem>>
      %dma_start3A_249 = arith.constant 0 : i32
      %dma_start3A_250 = tpu.memref_slice %arg2[%dma_start3A_246, %squeeze3A_81, %dma_start3A_249] : memref<1x1000000x64xf32, #tpu.memory_space<hbm>> -> memref<1x1x64xf32, #tpu.memory_space<hbm>>
      %dma_start3A_251 = tpu.memref_squeeze %dma_start3A_250 : memref<1x1x64xf32, #tpu.memory_space<hbm>> -> memref<1x64xf32, #tpu.memory_space<hbm>>
      %dma_start3A_252 = arith.constant 0 : i32
      %dma_start3A_253 = tpu.memref_slice %arg7[%add3A_245, %dma_start3A_252] : memref<416x64xf32, #tpu.memory_space<vmem>> -> memref<1x64xf32, #tpu.memory_space<vmem>>
      %dma_start3A_254 = arith.constant 0 : i32
      %dma_start3A_255 = tpu.memref_slice %arg2[%dma_start3A_246, %squeeze3A_81, %dma_start3A_254] : memref<1x1000000x64xf32, #tpu.memory_space<hbm>> -> memref<1x1x64xf32, #tpu.memory_space<hbm>>
      %dma_start3A_256 = tpu.memref_squeeze %dma_start3A_255 : memref<1x1x64xf32, #tpu.memory_space<hbm>> -> memref<1x64xf32, #tpu.memory_space<hbm>>
      tpu.enqueue_dma source(%dma_start3A_256 : memref<1x64xf32, #tpu.memory_space<hbm>>) target(%dma_start3A_253 : memref<1x64xf32, #tpu.memory_space<vmem>>) target_semaphore(%arg11 : memref<!tpu.dma_semaphore, #tpu.memory_space<semaphore_mem>>)
      %mul3A_257 = arith.constant 16 : i32
      %mul3A_258 = arith.muli %scan3A_57, %mul3A_257 : i32
      %add3A_259 = arith.constant 11 : i32
      %add3A_260 = arith.addi %mul3A_258, %add3A_259 : i32
      %dma_start3A_261 = arith.constant 0 : i32
      %dma_start3A_262 = arith.constant 0 : i32
      %dma_start3A_263 = tpu.memref_slice %arg7[%add3A_260, %dma_start3A_262] : memref<416x64xf32, #tpu.memory_space<vmem>> -> memref<1x64xf32, #tpu.memory_space<vmem>>
      %dma_start3A_264 = arith.constant 0 : i32
      %dma_start3A_265 = tpu.memref_slice %arg2[%dma_start3A_261, %squeeze3A_83, %dma_start3A_264] : memref<1x1000000x64xf32, #tpu.memory_space<hbm>> -> memref<1x1x64xf32, #tpu.memory_space<hbm>>
      %dma_start3A_266 = tpu.memref_squeeze %dma_start3A_265 : memref<1x1x64xf32, #tpu.memory_space<hbm>> -> memref<1x64xf32, #tpu.memory_space<hbm>>
      %dma_start3A_267 = arith.constant 0 : i32
      %dma_start3A_268 = tpu.memref_slice %arg7[%add3A_260, %dma_start3A_267] : memref<416x64xf32, #tpu.memory_space<vmem>> -> memref<1x64xf32, #tpu.memory_space<vmem>>
      %dma_start3A_269 = arith.constant 0 : i32
      %dma_start3A_270 = tpu.memref_slice %arg2[%dma_start3A_261, %squeeze3A_83, %dma_start3A_269] : memref<1x1000000x64xf32, #tpu.memory_space<hbm>> -> memref<1x1x64xf32, #tpu.memory_space<hbm>>
      %dma_start3A_271 = tpu.memref_squeeze %dma_start3A_270 : memref<1x1x64xf32, #tpu.memory_space<hbm>> -> memref<1x64xf32, #tpu.memory_space<hbm>>
      tpu.enqueue_dma source(%dma_start3A_271 : memref<1x64xf32, #tpu.memory_space<hbm>>) target(%dma_start3A_268 : memref<1x64xf32, #tpu.memory_space<vmem>>) target_semaphore(%arg11 : memref<!tpu.dma_semaphore, #tpu.memory_space<semaphore_mem>>)
      %mul3A_272 = arith.constant 16 : i32
      %mul3A_273 = arith.muli %scan3A_57, %mul3A_272 : i32
      %add3A_274 = arith.constant 12 : i32
      %add3A_275 = arith.addi %mul3A_273, %add3A_274 : i32
      %dma_start3A_276 = arith.constant 0 : i32
      %dma_start3A_277 = arith.constant 0 : i32
      %dma_start3A_278 = tpu.memref_slice %arg7[%add3A_275, %dma_start3A_277] : memref<416x64xf32, #tpu.memory_space<vmem>> -> memref<1x64xf32, #tpu.memory_space<vmem>>
      %dma_start3A_279 = arith.constant 0 : i32
      %dma_start3A_280 = tpu.memref_slice %arg2[%dma_start3A_276, %squeeze3A_85, %dma_start3A_279] : memref<1x1000000x64xf32, #tpu.memory_space<hbm>> -> memref<1x1x64xf32, #tpu.memory_space<hbm>>
      %dma_start3A_281 = tpu.memref_squeeze %dma_start3A_280 : memref<1x1x64xf32, #tpu.memory_space<hbm>> -> memref<1x64xf32, #tpu.memory_space<hbm>>
      %dma_start3A_282 = arith.constant 0 : i32
      %dma_start3A_283 = tpu.memref_slice %arg7[%add3A_275, %dma_start3A_282] : memref<416x64xf32, #tpu.memory_space<vmem>> -> memref<1x64xf32, #tpu.memory_space<vmem>>
      %dma_start3A_284 = arith.constant 0 : i32
      %dma_start3A_285 = tpu.memref_slice %arg2[%dma_start3A_276, %squeeze3A_85, %dma_start3A_284] : memref<1x1000000x64xf32, #tpu.memory_space<hbm>> -> memref<1x1x64xf32, #tpu.memory_space<hbm>>
      %dma_start3A_286 = tpu.memref_squeeze %dma_start3A_285 : memref<1x1x64xf32, #tpu.memory_space<hbm>> -> memref<1x64xf32, #tpu.memory_space<hbm>>
      tpu.enqueue_dma source(%dma_start3A_286 : memref<1x64xf32, #tpu.memory_space<hbm>>) target(%dma_start3A_283 : memref<1x64xf32, #tpu.memory_space<vmem>>) target_semaphore(%arg11 : memref<!tpu.dma_semaphore, #tpu.memory_space<semaphore_mem>>)
      %mul3A_287 = arith.constant 16 : i32
      %mul3A_288 = arith.muli %scan3A_57, %mul3A_287 : i32
      %add3A_289 = arith.constant 13 : i32
      %add3A_290 = arith.addi %mul3A_288, %add3A_289 : i32
      %dma_start3A_291 = arith.constant 0 : i32
      %dma_start3A_292 = arith.constant 0 : i32
      %dma_start3A_293 = tpu.memref_slice %arg7[%add3A_290, %dma_start3A_292] : memref<416x64xf32, #tpu.memory_space<vmem>> -> memref<1x64xf32, #tpu.memory_space<vmem>>
      %dma_start3A_294 = arith.constant 0 : i32
      %dma_start3A_295 = tpu.memref_slice %arg2[%dma_start3A_291, %squeeze3A_87, %dma_start3A_294] : memref<1x1000000x64xf32, #tpu.memory_space<hbm>> -> memref<1x1x64xf32, #tpu.memory_space<hbm>>
      %dma_start3A_296 = tpu.memref_squeeze %dma_start3A_295 : memref<1x1x64xf32, #tpu.memory_space<hbm>> -> memref<1x64xf32, #tpu.memory_space<hbm>>
      %dma_start3A_297 = arith.constant 0 : i32
      %dma_start3A_298 = tpu.memref_slice %arg7[%add3A_290, %dma_start3A_297] : memref<416x64xf32, #tpu.memory_space<vmem>> -> memref<1x64xf32, #tpu.memory_space<vmem>>
      %dma_start3A_299 = arith.constant 0 : i32
      %dma_start3A_300 = tpu.memref_slice %arg2[%dma_start3A_291, %squeeze3A_87, %dma_start3A_299] : memref<1x1000000x64xf32, #tpu.memory_space<hbm>> -> memref<1x1x64xf32, #tpu.memory_space<hbm>>
      %dma_start3A_301 = tpu.memref_squeeze %dma_start3A_300 : memref<1x1x64xf32, #tpu.memory_space<hbm>> -> memref<1x64xf32, #tpu.memory_space<hbm>>
      tpu.enqueue_dma source(%dma_start3A_301 : memref<1x64xf32, #tpu.memory_space<hbm>>) target(%dma_start3A_298 : memref<1x64xf32, #tpu.memory_space<vmem>>) target_semaphore(%arg11 : memref<!tpu.dma_semaphore, #tpu.memory_space<semaphore_mem>>)
      %mul3A_302 = arith.constant 16 : i32
      %mul3A_303 = arith.muli %scan3A_57, %mul3A_302 : i32
      %add3A_304 = arith.constant 14 : i32
      %add3A_305 = arith.addi %mul3A_303, %add3A_304 : i32
      %dma_start3A_306 = arith.constant 0 : i32
      %dma_start3A_307 = arith.constant 0 : i32
      %dma_start3A_308 = tpu.memref_slice %arg7[%add3A_305, %dma_start3A_307] : memref<416x64xf32, #tpu.memory_space<vmem>> -> memref<1x64xf32, #tpu.memory_space<vmem>>
      %dma_start3A_309 = arith.constant 0 : i32
      %dma_start3A_310 = tpu.memref_slice %arg2[%dma_start3A_306, %squeeze3A_89, %dma_start3A_309] : memref<1x1000000x64xf32, #tpu.memory_space<hbm>> -> memref<1x1x64xf32, #tpu.memory_space<hbm>>
      %dma_start3A_311 = tpu.memref_squeeze %dma_start3A_310 : memref<1x1x64xf32, #tpu.memory_space<hbm>> -> memref<1x64xf32, #tpu.memory_space<hbm>>
      %dma_start3A_312 = arith.constant 0 : i32
      %dma_start3A_313 = tpu.memref_slice %arg7[%add3A_305, %dma_start3A_312] : memref<416x64xf32, #tpu.memory_space<vmem>> -> memref<1x64xf32, #tpu.memory_space<vmem>>
      %dma_start3A_314 = arith.constant 0 : i32
      %dma_start3A_315 = tpu.memref_slice %arg2[%dma_start3A_306, %squeeze3A_89, %dma_start3A_314] : memref<1x1000000x64xf32, #tpu.memory_space<hbm>> -> memref<1x1x64xf32, #tpu.memory_space<hbm>>
      %dma_start3A_316 = tpu.memref_squeeze %dma_start3A_315 : memref<1x1x64xf32, #tpu.memory_space<hbm>> -> memref<1x64xf32, #tpu.memory_space<hbm>>
      tpu.enqueue_dma source(%dma_start3A_316 : memref<1x64xf32, #tpu.memory_space<hbm>>) target(%dma_start3A_313 : memref<1x64xf32, #tpu.memory_space<vmem>>) target_semaphore(%arg11 : memref<!tpu.dma_semaphore, #tpu.memory_space<semaphore_mem>>)
      %mul3A_317 = arith.constant 16 : i32
      %mul3A_318 = arith.muli %scan3A_57, %mul3A_317 : i32
      %add3A_319 = arith.constant 15 : i32
      %add3A_320 = arith.addi %mul3A_318, %add3A_319 : i32
      %dma_start3A_321 = arith.constant 0 : i32
      %dma_start3A_322 = arith.constant 0 : i32
      %dma_start3A_323 = tpu.memref_slice %arg7[%add3A_320, %dma_start3A_322] : memref<416x64xf32, #tpu.memory_space<vmem>> -> memref<1x64xf32, #tpu.memory_space<vmem>>
      %dma_start3A_324 = arith.constant 0 : i32
      %dma_start3A_325 = tpu.memref_slice %arg2[%dma_start3A_321, %squeeze3A_91, %dma_start3A_324] : memref<1x1000000x64xf32, #tpu.memory_space<hbm>> -> memref<1x1x64xf32, #tpu.memory_space<hbm>>
      %dma_start3A_326 = tpu.memref_squeeze %dma_start3A_325 : memref<1x1x64xf32, #tpu.memory_space<hbm>> -> memref<1x64xf32, #tpu.memory_space<hbm>>
      %dma_start3A_327 = arith.constant 0 : i32
      %dma_start3A_328 = tpu.memref_slice %arg7[%add3A_320, %dma_start3A_327] : memref<416x64xf32, #tpu.memory_space<vmem>> -> memref<1x64xf32, #tpu.memory_space<vmem>>
      %dma_start3A_329 = arith.constant 0 : i32
      %dma_start3A_330 = tpu.memref_slice %arg2[%dma_start3A_321, %squeeze3A_91, %dma_start3A_329] : memref<1x1000000x64xf32, #tpu.memory_space<hbm>> -> memref<1x1x64xf32, #tpu.memory_space<hbm>>
      %dma_start3A_331 = tpu.memref_squeeze %dma_start3A_330 : memref<1x1x64xf32, #tpu.memory_space<hbm>> -> memref<1x64xf32, #tpu.memory_space<hbm>>
      tpu.enqueue_dma source(%dma_start3A_331 : memref<1x64xf32, #tpu.memory_space<hbm>>) target(%dma_start3A_328 : memref<1x64xf32, #tpu.memory_space<vmem>>) target_semaphore(%arg11 : memref<!tpu.dma_semaphore, #tpu.memory_space<semaphore_mem>>)
    }
    %scan3A_17 = arith.constant 26 : i32
    %scan3A_18 = arith.constant 0 : i32
    %scan3A_19 = arith.constant 0 : i32
    %scan3A_20 = arith.constant 15 : i32
    %scan3A_21 = arith.addi %scan3A_19, %scan3A_20 : i32
    %scan3A_22 = arith.constant 1 : i32
    scf.for %scan3A_57 = %scan3A_19 to %scan3A_21 step %scan3A_22  : i32 {
      %mul3A_58 = arith.constant 2 : i32
      %mul3A_59 = arith.muli %mul3A_58, %scan3A_57 : i32
      %dma_wait3A_60 = arith.constant 0 : i32
      %dma_wait3A_61 = tpu.memref_slice %arg3[%dma_wait3A_60] : memref<425984xi32, #tpu.memory_space<hbm>> -> memref<416xi32, #tpu.memory_space<hbm>>
      %dma_wait3A_62 = arith.constant 0 : i32
      %dma_wait3A_63 = tpu.memref_slice %arg3[%dma_wait3A_62] : memref<425984xi32, #tpu.memory_space<hbm>> -> memref<416xi32, #tpu.memory_space<hbm>>
      tpu.wait_dma2 semaphore(%arg10 : memref<!tpu.dma_semaphore, #tpu.memory_space<semaphore_mem>>) src(%dma_wait3A_63 : memref<416xi32, #tpu.memory_space<hbm>>) dst(%arg6 : memref<416xi32, #tpu.memory_space<vmem>>)
      %scan3A_64 = arith.constant 0 : i32
      %scan3A_65 = arith.constant 0 : i32
      %scan3A_66 = arith.constant 26 : i32
      %scan3A_67 = arith.addi %scan3A_65, %scan3A_66 : i32
      %scan3A_68 = arith.constant 1 : i32
      scf.for %scan3A_122 = %scan3A_65 to %scan3A_67 step %scan3A_68  : i32 {
        %mul3A_123 = arith.constant 16 : i32
        %mul3A_124 = arith.muli %scan3A_122, %mul3A_123 : i32
        %get3A = arith.index_cast %mul3A_124 : i32 to index
        %get3A_125 = tpu.vector_load %arg6[%get3A] {strides = array<i32>} : memref<416xi32, #tpu.memory_space<vmem>>, vector<16xi32>,
        %get3A_126 = vector.shape_cast %get3A_125 : vector<16xi32> to vector<16xi32>
        %slice3A = vector.extract_strided_slice %get3A_126 {offsets = [0], sizes = [1], strides = [1]} : vector<16xi32> to vector<1xi32>
        %squeeze3A = vector.extract %slice3A[0] : i32 from vector<1xi32>
        %slice3A_127 = vector.extract_strided_slice %get3A_126 {offsets = [1], sizes = [1], strides = [1]} : vector<16xi32> to vector<1xi32>
        %squeeze3A_128 = vector.extract %slice3A_127[0] : i32 from vector<1xi32>
        %slice3A_129 = vector.extract_strided_slice %get3A_126 {offsets = [2], sizes = [1], strides = [1]} : vector<16xi32> to vector<1xi32>
        %squeeze3A_130 = vector.extract %slice3A_129[0] : i32 from vector<1xi32>
        %slice3A_131 = vector.extract_strided_slice %get3A_126 {offsets = [3], sizes = [1], strides = [1]} : vector<16xi32> to vector<1xi32>
        %squeeze3A_132 = vector.extract %slice3A_131[0] : i32 from vector<1xi32>
        %slice3A_133 = vector.extract_strided_slice %get3A_126 {offsets = [4], sizes = [1], strides = [1]} : vector<16xi32> to vector<1xi32>
        %squeeze3A_134 = vector.extract %slice3A_133[0] : i32 from vector<1xi32>
        %slice3A_135 = vector.extract_strided_slice %get3A_126 {offsets = [5], sizes = [1], strides = [1]} : vector<16xi32> to vector<1xi32>
        %squeeze3A_136 = vector.extract %slice3A_135[0] : i32 from vector<1xi32>
        %slice3A_137 = vector.extract_strided_slice %get3A_126 {offsets = [6], sizes = [1], strides = [1]} : vector<16xi32> to vector<1xi32>
        %squeeze3A_138 = vector.extract %slice3A_137[0] : i32 from vector<1xi32>
        %slice3A_139 = vector.extract_strided_slice %get3A_126 {offsets = [7], sizes = [1], strides = [1]} : vector<16xi32> to vector<1xi32>
        %squeeze3A_140 = vector.extract %slice3A_139[0] : i32 from vector<1xi32>
        %slice3A_141 = vector.extract_strided_slice %get3A_126 {offsets = [8], sizes = [1], strides = [1]} : vector<16xi32> to vector<1xi32>
        %squeeze3A_142 = vector.extract %slice3A_141[0] : i32 from vector<1xi32>
        %slice3A_143 = vector.extract_strided_slice %get3A_126 {offsets = [9], sizes = [1], strides = [1]} : vector<16xi32> to vector<1xi32>
        %squeeze3A_144 = vector.extract %slice3A_143[0] : i32 from vector<1xi32>
        %slice3A_145 = vector.extract_strided_slice %get3A_126 {offsets = [10], sizes = [1], strides = [1]} : vector<16xi32> to vector<1xi32>
        %squeeze3A_146 = vector.extract %slice3A_145[0] : i32 from vector<1xi32>
        %slice3A_147 = vector.extract_strided_slice %get3A_126 {offsets = [11], sizes = [1], strides = [1]} : vector<16xi32> to vector<1xi32>
        %squeeze3A_148 = vector.extract %slice3A_147[0] : i32 from vector<1xi32>
        %slice3A_149 = vector.extract_strided_slice %get3A_126 {offsets = [12], sizes = [1], strides = [1]} : vector<16xi32> to vector<1xi32>
        %squeeze3A_150 = vector.extract %slice3A_149[0] : i32 from vector<1xi32>
        %slice3A_151 = vector.extract_strided_slice %get3A_126 {offsets = [13], sizes = [1], strides = [1]} : vector<16xi32> to vector<1xi32>
        %squeeze3A_152 = vector.extract %slice3A_151[0] : i32 from vector<1xi32>
        %slice3A_153 = vector.extract_strided_slice %get3A_126 {offsets = [14], sizes = [1], strides = [1]} : vector<16xi32> to vector<1xi32>
        %squeeze3A_154 = vector.extract %slice3A_153[0] : i32 from vector<1xi32>
        %slice3A_155 = vector.extract_strided_slice %get3A_126 {offsets = [15], sizes = [1], strides = [1]} : vector<16xi32> to vector<1xi32>
        %squeeze3A_156 = vector.extract %slice3A_155[0] : i32 from vector<1xi32>
        %mul3A_157 = arith.constant 16 : i32
        %mul3A_158 = arith.muli %scan3A_122, %mul3A_157 : i32
        %add3A_159 = arith.constant 0 : i32
        %add3A_160 = arith.addi %mul3A_158, %add3A_159 : i32
        %dma_start3A_161 = arith.constant 0 : i32
        %dma_start3A_162 = arith.constant 0 : i32
        %dma_start3A_163 = tpu.memref_slice %arg8[%add3A_160, %dma_start3A_162] : memref<416x64xf32, #tpu.memory_space<vmem>> -> memref<1x64xf32, #tpu.memory_space<vmem>>
        %dma_start3A_164 = arith.constant 0 : i32
        %dma_start3A_165 = tpu.memref_slice %arg2[%dma_start3A_161, %squeeze3A, %dma_start3A_164] : memref<1x1000000x64xf32, #tpu.memory_space<hbm>> -> memref<1x1x64xf32, #tpu.memory_space<hbm>>
        %dma_start3A_166 = tpu.memref_squeeze %dma_start3A_165 : memref<1x1x64xf32, #tpu.memory_space<hbm>> -> memref<1x64xf32, #tpu.memory_space<hbm>>
        %dma_start3A_167 = arith.constant 0 : i32
        %dma_start3A_168 = tpu.memref_slice %arg8[%add3A_160, %dma_start3A_167] : memref<416x64xf32, #tpu.memory_space<vmem>> -> memref<1x64xf32, #tpu.memory_space<vmem>>
        %dma_start3A_169 = arith.constant 0 : i32
        %dma_start3A_170 = tpu.memref_slice %arg2[%dma_start3A_161, %squeeze3A, %dma_start3A_169] : memref<1x1000000x64xf32, #tpu.memory_space<hbm>> -> memref<1x1x64xf32, #tpu.memory_space<hbm>>
        %dma_start3A_171 = tpu.memref_squeeze %dma_start3A_170 : memref<1x1x64xf32, #tpu.memory_space<hbm>> -> memref<1x64xf32, #tpu.memory_space<hbm>>
        tpu.enqueue_dma source(%dma_start3A_171 : memref<1x64xf32, #tpu.memory_space<hbm>>) target(%dma_start3A_168 : memref<1x64xf32, #tpu.memory_space<vmem>>) target_semaphore(%arg12 : memref<!tpu.dma_semaphore, #tpu.memory_space<semaphore_mem>>)
        %mul3A_172 = arith.constant 16 : i32
        %mul3A_173 = arith.muli %scan3A_122, %mul3A_172 : i32
        %add3A_174 = arith.constant 1 : i32
        %add3A_175 = arith.addi %mul3A_173, %add3A_174 : i32
        %dma_start3A_176 = arith.constant 0 : i32
        %dma_start3A_177 = arith.constant 0 : i32
        %dma_start3A_178 = tpu.memref_slice %arg8[%add3A_175, %dma_start3A_177] : memref<416x64xf32, #tpu.memory_space<vmem>> -> memref<1x64xf32, #tpu.memory_space<vmem>>
        %dma_start3A_179 = arith.constant 0 : i32
        %dma_start3A_180 = tpu.memref_slice %arg2[%dma_start3A_176, %squeeze3A_128, %dma_start3A_179] : memref<1x1000000x64xf32, #tpu.memory_space<hbm>> -> memref<1x1x64xf32, #tpu.memory_space<hbm>>
        %dma_start3A_181 = tpu.memref_squeeze %dma_start3A_180 : memref<1x1x64xf32, #tpu.memory_space<hbm>> -> memref<1x64xf32, #tpu.memory_space<hbm>>
        %dma_start3A_182 = arith.constant 0 : i32
        %dma_start3A_183 = tpu.memref_slice %arg8[%add3A_175, %dma_start3A_182] : memref<416x64xf32, #tpu.memory_space<vmem>> -> memref<1x64xf32, #tpu.memory_space<vmem>>
        %dma_start3A_184 = arith.constant 0 : i32
        %dma_start3A_185 = tpu.memref_slice %arg2[%dma_start3A_176, %squeeze3A_128, %dma_start3A_184] : memref<1x1000000x64xf32, #tpu.memory_space<hbm>> -> memref<1x1x64xf32, #tpu.memory_space<hbm>>
        %dma_start3A_186 = tpu.memref_squeeze %dma_start3A_185 : memref<1x1x64xf32, #tpu.memory_space<hbm>> -> memref<1x64xf32, #tpu.memory_space<hbm>>
        tpu.enqueue_dma source(%dma_start3A_186 : memref<1x64xf32, #tpu.memory_space<hbm>>) target(%dma_start3A_183 : memref<1x64xf32, #tpu.memory_space<vmem>>) target_semaphore(%arg12 : memref<!tpu.dma_semaphore, #tpu.memory_space<semaphore_mem>>)
        %mul3A_187 = arith.constant 16 : i32
        %mul3A_188 = arith.muli %scan3A_122, %mul3A_187 : i32
        %add3A_189 = arith.constant 2 : i32
        %add3A_190 = arith.addi %mul3A_188, %add3A_189 : i32
        %dma_start3A_191 = arith.constant 0 : i32
        %dma_start3A_192 = arith.constant 0 : i32
        %dma_start3A_193 = tpu.memref_slice %arg8[%add3A_190, %dma_start3A_192] : memref<416x64xf32, #tpu.memory_space<vmem>> -> memref<1x64xf32, #tpu.memory_space<vmem>>
        %dma_start3A_194 = arith.constant 0 : i32
        %dma_start3A_195 = tpu.memref_slice %arg2[%dma_start3A_191, %squeeze3A_130, %dma_start3A_194] : memref<1x1000000x64xf32, #tpu.memory_space<hbm>> -> memref<1x1x64xf32, #tpu.memory_space<hbm>>
        %dma_start3A_196 = tpu.memref_squeeze %dma_start3A_195 : memref<1x1x64xf32, #tpu.memory_space<hbm>> -> memref<1x64xf32, #tpu.memory_space<hbm>>
        %dma_start3A_197 = arith.constant 0 : i32
        %dma_start3A_198 = tpu.memref_slice %arg8[%add3A_190, %dma_start3A_197] : memref<416x64xf32, #tpu.memory_space<vmem>> -> memref<1x64xf32, #tpu.memory_space<vmem>>
        %dma_start3A_199 = arith.constant 0 : i32
        %dma_start3A_200 = tpu.memref_slice %arg2[%dma_start3A_191, %squeeze3A_130, %dma_start3A_199] : memref<1x1000000x64xf32, #tpu.memory_space<hbm>> -> memref<1x1x64xf32, #tpu.memory_space<hbm>>
        %dma_start3A_201 = tpu.memref_squeeze %dma_start3A_200 : memref<1x1x64xf32, #tpu.memory_space<hbm>> -> memref<1x64xf32, #tpu.memory_space<hbm>>
        tpu.enqueue_dma source(%dma_start3A_201 : memref<1x64xf32, #tpu.memory_space<hbm>>) target(%dma_start3A_198 : memref<1x64xf32, #tpu.memory_space<vmem>>) target_semaphore(%arg12 : memref<!tpu.dma_semaphore, #tpu.memory_space<semaphore_mem>>)
        %mul3A_202 = arith.constant 16 : i32
        %mul3A_203 = arith.muli %scan3A_122, %mul3A_202 : i32
        %add3A_204 = arith.constant 3 : i32
        %add3A_205 = arith.addi %mul3A_203, %add3A_204 : i32
        %dma_start3A_206 = arith.constant 0 : i32
        %dma_start3A_207 = arith.constant 0 : i32
        %dma_start3A_208 = tpu.memref_slice %arg8[%add3A_205, %dma_start3A_207] : memref<416x64xf32, #tpu.memory_space<vmem>> -> memref<1x64xf32, #tpu.memory_space<vmem>>
        %dma_start3A_209 = arith.constant 0 : i32
        %dma_start3A_210 = tpu.memref_slice %arg2[%dma_start3A_206, %squeeze3A_132, %dma_start3A_209] : memref<1x1000000x64xf32, #tpu.memory_space<hbm>> -> memref<1x1x64xf32, #tpu.memory_space<hbm>>
        %dma_start3A_211 = tpu.memref_squeeze %dma_start3A_210 : memref<1x1x64xf32, #tpu.memory_space<hbm>> -> memref<1x64xf32, #tpu.memory_space<hbm>>
        %dma_start3A_212 = arith.constant 0 : i32
        %dma_start3A_213 = tpu.memref_slice %arg8[%add3A_205, %dma_start3A_212] : memref<416x64xf32, #tpu.memory_space<vmem>> -> memref<1x64xf32, #tpu.memory_space<vmem>>
        %dma_start3A_214 = arith.constant 0 : i32
        %dma_start3A_215 = tpu.memref_slice %arg2[%dma_start3A_206, %squeeze3A_132, %dma_start3A_214] : memref<1x1000000x64xf32, #tpu.memory_space<hbm>> -> memref<1x1x64xf32, #tpu.memory_space<hbm>>
        %dma_start3A_216 = tpu.memref_squeeze %dma_start3A_215 : memref<1x1x64xf32, #tpu.memory_space<hbm>> -> memref<1x64xf32, #tpu.memory_space<hbm>>
        tpu.enqueue_dma source(%dma_start3A_216 : memref<1x64xf32, #tpu.memory_space<hbm>>) target(%dma_start3A_213 : memref<1x64xf32, #tpu.memory_space<vmem>>) target_semaphore(%arg12 : memref<!tpu.dma_semaphore, #tpu.memory_space<semaphore_mem>>)
        %mul3A_217 = arith.constant 16 : i32
        %mul3A_218 = arith.muli %scan3A_122, %mul3A_217 : i32
        %add3A_219 = arith.constant 4 : i32
        %add3A_220 = arith.addi %mul3A_218, %add3A_219 : i32
        %dma_start3A_221 = arith.constant 0 : i32
        %dma_start3A_222 = arith.constant 0 : i32
        %dma_start3A_223 = tpu.memref_slice %arg8[%add3A_220, %dma_start3A_222] : memref<416x64xf32, #tpu.memory_space<vmem>> -> memref<1x64xf32, #tpu.memory_space<vmem>>
        %dma_start3A_224 = arith.constant 0 : i32
        %dma_start3A_225 = tpu.memref_slice %arg2[%dma_start3A_221, %squeeze3A_134, %dma_start3A_224] : memref<1x1000000x64xf32, #tpu.memory_space<hbm>> -> memref<1x1x64xf32, #tpu.memory_space<hbm>>
        %dma_start3A_226 = tpu.memref_squeeze %dma_start3A_225 : memref<1x1x64xf32, #tpu.memory_space<hbm>> -> memref<1x64xf32, #tpu.memory_space<hbm>>
        %dma_start3A_227 = arith.constant 0 : i32
        %dma_start3A_228 = tpu.memref_slice %arg8[%add3A_220, %dma_start3A_227] : memref<416x64xf32, #tpu.memory_space<vmem>> -> memref<1x64xf32, #tpu.memory_space<vmem>>
        %dma_start3A_229 = arith.constant 0 : i32
        %dma_start3A_230 = tpu.memref_slice %arg2[%dma_start3A_221, %squeeze3A_134, %dma_start3A_229] : memref<1x1000000x64xf32, #tpu.memory_space<hbm>> -> memref<1x1x64xf32, #tpu.memory_space<hbm>>
        %dma_start3A_231 = tpu.memref_squeeze %dma_start3A_230 : memref<1x1x64xf32, #tpu.memory_space<hbm>> -> memref<1x64xf32, #tpu.memory_space<hbm>>
        tpu.enqueue_dma source(%dma_start3A_231 : memref<1x64xf32, #tpu.memory_space<hbm>>) target(%dma_start3A_228 : memref<1x64xf32, #tpu.memory_space<vmem>>) target_semaphore(%arg12 : memref<!tpu.dma_semaphore, #tpu.memory_space<semaphore_mem>>)
        %mul3A_232 = arith.constant 16 : i32
        %mul3A_233 = arith.muli %scan3A_122, %mul3A_232 : i32
        %add3A_234 = arith.constant 5 : i32
        %add3A_235 = arith.addi %mul3A_233, %add3A_234 : i32
        %dma_start3A_236 = arith.constant 0 : i32
        %dma_start3A_237 = arith.constant 0 : i32
        %dma_start3A_238 = tpu.memref_slice %arg8[%add3A_235, %dma_start3A_237] : memref<416x64xf32, #tpu.memory_space<vmem>> -> memref<1x64xf32, #tpu.memory_space<vmem>>
        %dma_start3A_239 = arith.constant 0 : i32
        %dma_start3A_240 = tpu.memref_slice %arg2[%dma_start3A_236, %squeeze3A_136, %dma_start3A_239] : memref<1x1000000x64xf32, #tpu.memory_space<hbm>> -> memref<1x1x64xf32, #tpu.memory_space<hbm>>
        %dma_start3A_241 = tpu.memref_squeeze %dma_start3A_240 : memref<1x1x64xf32, #tpu.memory_space<hbm>> -> memref<1x64xf32, #tpu.memory_space<hbm>>
        %dma_start3A_242 = arith.constant 0 : i32
        %dma_start3A_243 = tpu.memref_slice %arg8[%add3A_235, %dma_start3A_242] : memref<416x64xf32, #tpu.memory_space<vmem>> -> memref<1x64xf32, #tpu.memory_space<vmem>>
        %dma_start3A_244 = arith.constant 0 : i32
        %dma_start3A_245 = tpu.memref_slice %arg2[%dma_start3A_236, %squeeze3A_136, %dma_start3A_244] : memref<1x1000000x64xf32, #tpu.memory_space<hbm>> -> memref<1x1x64xf32, #tpu.memory_space<hbm>>
        %dma_start3A_246 = tpu.memref_squeeze %dma_start3A_245 : memref<1x1x64xf32, #tpu.memory_space<hbm>> -> memref<1x64xf32, #tpu.memory_space<hbm>>
        tpu.enqueue_dma source(%dma_start3A_246 : memref<1x64xf32, #tpu.memory_space<hbm>>) target(%dma_start3A_243 : memref<1x64xf32, #tpu.memory_space<vmem>>) target_semaphore(%arg12 : memref<!tpu.dma_semaphore, #tpu.memory_space<semaphore_mem>>)
        %mul3A_247 = arith.constant 16 : i32
        %mul3A_248 = arith.muli %scan3A_122, %mul3A_247 : i32
        %add3A_249 = arith.constant 6 : i32
        %add3A_250 = arith.addi %mul3A_248, %add3A_249 : i32
        %dma_start3A_251 = arith.constant 0 : i32
        %dma_start3A_252 = arith.constant 0 : i32
        %dma_start3A_253 = tpu.memref_slice %arg8[%add3A_250, %dma_start3A_252] : memref<416x64xf32, #tpu.memory_space<vmem>> -> memref<1x64xf32, #tpu.memory_space<vmem>>
        %dma_start3A_254 = arith.constant 0 : i32
        %dma_start3A_255 = tpu.memref_slice %arg2[%dma_start3A_251, %squeeze3A_138, %dma_start3A_254] : memref<1x1000000x64xf32, #tpu.memory_space<hbm>> -> memref<1x1x64xf32, #tpu.memory_space<hbm>>
        %dma_start3A_256 = tpu.memref_squeeze %dma_start3A_255 : memref<1x1x64xf32, #tpu.memory_space<hbm>> -> memref<1x64xf32, #tpu.memory_space<hbm>>
        %dma_start3A_257 = arith.constant 0 : i32
        %dma_start3A_258 = tpu.memref_slice %arg8[%add3A_250, %dma_start3A_257] : memref<416x64xf32, #tpu.memory_space<vmem>> -> memref<1x64xf32, #tpu.memory_space<vmem>>
        %dma_start3A_259 = arith.constant 0 : i32
        %dma_start3A_260 = tpu.memref_slice %arg2[%dma_start3A_251, %squeeze3A_138, %dma_start3A_259] : memref<1x1000000x64xf32, #tpu.memory_space<hbm>> -> memref<1x1x64xf32, #tpu.memory_space<hbm>>
        %dma_start3A_261 = tpu.memref_squeeze %dma_start3A_260 : memref<1x1x64xf32, #tpu.memory_space<hbm>> -> memref<1x64xf32, #tpu.memory_space<hbm>>
        tpu.enqueue_dma source(%dma_start3A_261 : memref<1x64xf32, #tpu.memory_space<hbm>>) target(%dma_start3A_258 : memref<1x64xf32, #tpu.memory_space<vmem>>) target_semaphore(%arg12 : memref<!tpu.dma_semaphore, #tpu.memory_space<semaphore_mem>>)
        %mul3A_262 = arith.constant 16 : i32
        %mul3A_263 = arith.muli %scan3A_122, %mul3A_262 : i32
        %add3A_264 = arith.constant 7 : i32
        %add3A_265 = arith.addi %mul3A_263, %add3A_264 : i32
        %dma_start3A_266 = arith.constant 0 : i32
        %dma_start3A_267 = arith.constant 0 : i32
        %dma_start3A_268 = tpu.memref_slice %arg8[%add3A_265, %dma_start3A_267] : memref<416x64xf32, #tpu.memory_space<vmem>> -> memref<1x64xf32, #tpu.memory_space<vmem>>
        %dma_start3A_269 = arith.constant 0 : i32
        %dma_start3A_270 = tpu.memref_slice %arg2[%dma_start3A_266, %squeeze3A_140, %dma_start3A_269] : memref<1x1000000x64xf32, #tpu.memory_space<hbm>> -> memref<1x1x64xf32, #tpu.memory_space<hbm>>
        %dma_start3A_271 = tpu.memref_squeeze %dma_start3A_270 : memref<1x1x64xf32, #tpu.memory_space<hbm>> -> memref<1x64xf32, #tpu.memory_space<hbm>>
        %dma_start3A_272 = arith.constant 0 : i32
        %dma_start3A_273 = tpu.memref_slice %arg8[%add3A_265, %dma_start3A_272] : memref<416x64xf32, #tpu.memory_space<vmem>> -> memref<1x64xf32, #tpu.memory_space<vmem>>
        %dma_start3A_274 = arith.constant 0 : i32
        %dma_start3A_275 = tpu.memref_slice %arg2[%dma_start3A_266, %squeeze3A_140, %dma_start3A_274] : memref<1x1000000x64xf32, #tpu.memory_space<hbm>> -> memref<1x1x64xf32, #tpu.memory_space<hbm>>
        %dma_start3A_276 = tpu.memref_squeeze %dma_start3A_275 : memref<1x1x64xf32, #tpu.memory_space<hbm>> -> memref<1x64xf32, #tpu.memory_space<hbm>>
        tpu.enqueue_dma source(%dma_start3A_276 : memref<1x64xf32, #tpu.memory_space<hbm>>) target(%dma_start3A_273 : memref<1x64xf32, #tpu.memory_space<vmem>>) target_semaphore(%arg12 : memref<!tpu.dma_semaphore, #tpu.memory_space<semaphore_mem>>)
        %mul3A_277 = arith.constant 16 : i32
        %mul3A_278 = arith.muli %scan3A_122, %mul3A_277 : i32
        %add3A_279 = arith.constant 8 : i32
        %add3A_280 = arith.addi %mul3A_278, %add3A_279 : i32
        %dma_start3A_281 = arith.constant 0 : i32
        %dma_start3A_282 = arith.constant 0 : i32
        %dma_start3A_283 = tpu.memref_slice %arg8[%add3A_280, %dma_start3A_282] : memref<416x64xf32, #tpu.memory_space<vmem>> -> memref<1x64xf32, #tpu.memory_space<vmem>>
        %dma_start3A_284 = arith.constant 0 : i32
        %dma_start3A_285 = tpu.memref_slice %arg2[%dma_start3A_281, %squeeze3A_142, %dma_start3A_284] : memref<1x1000000x64xf32, #tpu.memory_space<hbm>> -> memref<1x1x64xf32, #tpu.memory_space<hbm>>
        %dma_start3A_286 = tpu.memref_squeeze %dma_start3A_285 : memref<1x1x64xf32, #tpu.memory_space<hbm>> -> memref<1x64xf32, #tpu.memory_space<hbm>>
        %dma_start3A_287 = arith.constant 0 : i32
        %dma_start3A_288 = tpu.memref_slice %arg8[%add3A_280, %dma_start3A_287] : memref<416x64xf32, #tpu.memory_space<vmem>> -> memref<1x64xf32, #tpu.memory_space<vmem>>
        %dma_start3A_289 = arith.constant 0 : i32
        %dma_start3A_290 = tpu.memref_slice %arg2[%dma_start3A_281, %squeeze3A_142, %dma_start3A_289] : memref<1x1000000x64xf32, #tpu.memory_space<hbm>> -> memref<1x1x64xf32, #tpu.memory_space<hbm>>
        %dma_start3A_291 = tpu.memref_squeeze %dma_start3A_290 : memref<1x1x64xf32, #tpu.memory_space<hbm>> -> memref<1x64xf32, #tpu.memory_space<hbm>>
        tpu.enqueue_dma source(%dma_start3A_291 : memref<1x64xf32, #tpu.memory_space<hbm>>) target(%dma_start3A_288 : memref<1x64xf32, #tpu.memory_space<vmem>>) target_semaphore(%arg12 : memref<!tpu.dma_semaphore, #tpu.memory_space<semaphore_mem>>)
        %mul3A_292 = arith.constant 16 : i32
        %mul3A_293 = arith.muli %scan3A_122, %mul3A_292 : i32
        %add3A_294 = arith.constant 9 : i32
        %add3A_295 = arith.addi %mul3A_293, %add3A_294 : i32
        %dma_start3A_296 = arith.constant 0 : i32
        %dma_start3A_297 = arith.constant 0 : i32
        %dma_start3A_298 = tpu.memref_slice %arg8[%add3A_295, %dma_start3A_297] : memref<416x64xf32, #tpu.memory_space<vmem>> -> memref<1x64xf32, #tpu.memory_space<vmem>>
        %dma_start3A_299 = arith.constant 0 : i32
        %dma_start3A_300 = tpu.memref_slice %arg2[%dma_start3A_296, %squeeze3A_144, %dma_start3A_299] : memref<1x1000000x64xf32, #tpu.memory_space<hbm>> -> memref<1x1x64xf32, #tpu.memory_space<hbm>>
        %dma_start3A_301 = tpu.memref_squeeze %dma_start3A_300 : memref<1x1x64xf32, #tpu.memory_space<hbm>> -> memref<1x64xf32, #tpu.memory_space<hbm>>
        %dma_start3A_302 = arith.constant 0 : i32
        %dma_start3A_303 = tpu.memref_slice %arg8[%add3A_295, %dma_start3A_302] : memref<416x64xf32, #tpu.memory_space<vmem>> -> memref<1x64xf32, #tpu.memory_space<vmem>>
        %dma_start3A_304 = arith.constant 0 : i32
        %dma_start3A_305 = tpu.memref_slice %arg2[%dma_start3A_296, %squeeze3A_144, %dma_start3A_304] : memref<1x1000000x64xf32, #tpu.memory_space<hbm>> -> memref<1x1x64xf32, #tpu.memory_space<hbm>>
        %dma_start3A_306 = tpu.memref_squeeze %dma_start3A_305 : memref<1x1x64xf32, #tpu.memory_space<hbm>> -> memref<1x64xf32, #tpu.memory_space<hbm>>
        tpu.enqueue_dma source(%dma_start3A_306 : memref<1x64xf32, #tpu.memory_space<hbm>>) target(%dma_start3A_303 : memref<1x64xf32, #tpu.memory_space<vmem>>) target_semaphore(%arg12 : memref<!tpu.dma_semaphore, #tpu.memory_space<semaphore_mem>>)
        %mul3A_307 = arith.constant 16 : i32
        %mul3A_308 = arith.muli %scan3A_122, %mul3A_307 : i32
        %add3A_309 = arith.constant 10 : i32
        %add3A_310 = arith.addi %mul3A_308, %add3A_309 : i32
        %dma_start3A_311 = arith.constant 0 : i32
        %dma_start3A_312 = arith.constant 0 : i32
        %dma_start3A_313 = tpu.memref_slice %arg8[%add3A_310, %dma_start3A_312] : memref<416x64xf32, #tpu.memory_space<vmem>> -> memref<1x64xf32, #tpu.memory_space<vmem>>
        %dma_start3A_314 = arith.constant 0 : i32
        %dma_start3A_315 = tpu.memref_slice %arg2[%dma_start3A_311, %squeeze3A_146, %dma_start3A_314] : memref<1x1000000x64xf32, #tpu.memory_space<hbm>> -> memref<1x1x64xf32, #tpu.memory_space<hbm>>
        %dma_start3A_316 = tpu.memref_squeeze %dma_start3A_315 : memref<1x1x64xf32, #tpu.memory_space<hbm>> -> memref<1x64xf32, #tpu.memory_space<hbm>>
        %dma_start3A_317 = arith.constant 0 : i32
        %dma_start3A_318 = tpu.memref_slice %arg8[%add3A_310, %dma_start3A_317] : memref<416x64xf32, #tpu.memory_space<vmem>> -> memref<1x64xf32, #tpu.memory_space<vmem>>
        %dma_start3A_319 = arith.constant 0 : i32
        %dma_start3A_320 = tpu.memref_slice %arg2[%dma_start3A_311, %squeeze3A_146, %dma_start3A_319] : memref<1x1000000x64xf32, #tpu.memory_space<hbm>> -> memref<1x1x64xf32, #tpu.memory_space<hbm>>
        %dma_start3A_321 = tpu.memref_squeeze %dma_start3A_320 : memref<1x1x64xf32, #tpu.memory_space<hbm>> -> memref<1x64xf32, #tpu.memory_space<hbm>>
        tpu.enqueue_dma source(%dma_start3A_321 : memref<1x64xf32, #tpu.memory_space<hbm>>) target(%dma_start3A_318 : memref<1x64xf32, #tpu.memory_space<vmem>>) target_semaphore(%arg12 : memref<!tpu.dma_semaphore, #tpu.memory_space<semaphore_mem>>)
        %mul3A_322 = arith.constant 16 : i32
        %mul3A_323 = arith.muli %scan3A_122, %mul3A_322 : i32
        %add3A_324 = arith.constant 11 : i32
        %add3A_325 = arith.addi %mul3A_323, %add3A_324 : i32
        %dma_start3A_326 = arith.constant 0 : i32
        %dma_start3A_327 = arith.constant 0 : i32
        %dma_start3A_328 = tpu.memref_slice %arg8[%add3A_325, %dma_start3A_327] : memref<416x64xf32, #tpu.memory_space<vmem>> -> memref<1x64xf32, #tpu.memory_space<vmem>>
        %dma_start3A_329 = arith.constant 0 : i32
        %dma_start3A_330 = tpu.memref_slice %arg2[%dma_start3A_326, %squeeze3A_148, %dma_start3A_329] : memref<1x1000000x64xf32, #tpu.memory_space<hbm>> -> memref<1x1x64xf32, #tpu.memory_space<hbm>>
        %dma_start3A_331 = tpu.memref_squeeze %dma_start3A_330 : memref<1x1x64xf32, #tpu.memory_space<hbm>> -> memref<1x64xf32, #tpu.memory_space<hbm>>
        %dma_start3A_332 = arith.constant 0 : i32
        %dma_start3A_333 = tpu.memref_slice %arg8[%add3A_325, %dma_start3A_332] : memref<416x64xf32, #tpu.memory_space<vmem>> -> memref<1x64xf32, #tpu.memory_space<vmem>>
        %dma_start3A_334 = arith.constant 0 : i32
        %dma_start3A_335 = tpu.memref_slice %arg2[%dma_start3A_326, %squeeze3A_148, %dma_start3A_334] : memref<1x1000000x64xf32, #tpu.memory_space<hbm>> -> memref<1x1x64xf32, #tpu.memory_space<hbm>>
        %dma_start3A_336 = tpu.memref_squeeze %dma_start3A_335 : memref<1x1x64xf32, #tpu.memory_space<hbm>> -> memref<1x64xf32, #tpu.memory_space<hbm>>
        tpu.enqueue_dma source(%dma_start3A_336 : memref<1x64xf32, #tpu.memory_space<hbm>>) target(%dma_start3A_333 : memref<1x64xf32, #tpu.memory_space<vmem>>) target_semaphore(%arg12 : memref<!tpu.dma_semaphore, #tpu.memory_space<semaphore_mem>>)
        %mul3A_337 = arith.constant 16 : i32
        %mul3A_338 = arith.muli %scan3A_122, %mul3A_337 : i32
        %add3A_339 = arith.constant 12 : i32
        %add3A_340 = arith.addi %mul3A_338, %add3A_339 : i32
        %dma_start3A_341 = arith.constant 0 : i32
        %dma_start3A_342 = arith.constant 0 : i32
        %dma_start3A_343 = tpu.memref_slice %arg8[%add3A_340, %dma_start3A_342] : memref<416x64xf32, #tpu.memory_space<vmem>> -> memref<1x64xf32, #tpu.memory_space<vmem>>
        %dma_start3A_344 = arith.constant 0 : i32
        %dma_start3A_345 = tpu.memref_slice %arg2[%dma_start3A_341, %squeeze3A_150, %dma_start3A_344] : memref<1x1000000x64xf32, #tpu.memory_space<hbm>> -> memref<1x1x64xf32, #tpu.memory_space<hbm>>
        %dma_start3A_346 = tpu.memref_squeeze %dma_start3A_345 : memref<1x1x64xf32, #tpu.memory_space<hbm>> -> memref<1x64xf32, #tpu.memory_space<hbm>>
        %dma_start3A_347 = arith.constant 0 : i32
        %dma_start3A_348 = tpu.memref_slice %arg8[%add3A_340, %dma_start3A_347] : memref<416x64xf32, #tpu.memory_space<vmem>> -> memref<1x64xf32, #tpu.memory_space<vmem>>
        %dma_start3A_349 = arith.constant 0 : i32
        %dma_start3A_350 = tpu.memref_slice %arg2[%dma_start3A_341, %squeeze3A_150, %dma_start3A_349] : memref<1x1000000x64xf32, #tpu.memory_space<hbm>> -> memref<1x1x64xf32, #tpu.memory_space<hbm>>
        %dma_start3A_351 = tpu.memref_squeeze %dma_start3A_350 : memref<1x1x64xf32, #tpu.memory_space<hbm>> -> memref<1x64xf32, #tpu.memory_space<hbm>>
        tpu.enqueue_dma source(%dma_start3A_351 : memref<1x64xf32, #tpu.memory_space<hbm>>) target(%dma_start3A_348 : memref<1x64xf32, #tpu.memory_space<vmem>>) target_semaphore(%arg12 : memref<!tpu.dma_semaphore, #tpu.memory_space<semaphore_mem>>)
        %mul3A_352 = arith.constant 16 : i32
        %mul3A_353 = arith.muli %scan3A_122, %mul3A_352 : i32
        %add3A_354 = arith.constant 13 : i32
        %add3A_355 = arith.addi %mul3A_353, %add3A_354 : i32
        %dma_start3A_356 = arith.constant 0 : i32
        %dma_start3A_357 = arith.constant 0 : i32
        %dma_start3A_358 = tpu.memref_slice %arg8[%add3A_355, %dma_start3A_357] : memref<416x64xf32, #tpu.memory_space<vmem>> -> memref<1x64xf32, #tpu.memory_space<vmem>>
        %dma_start3A_359 = arith.constant 0 : i32
        %dma_start3A_360 = tpu.memref_slice %arg2[%dma_start3A_356, %squeeze3A_152, %dma_start3A_359] : memref<1x1000000x64xf32, #tpu.memory_space<hbm>> -> memref<1x1x64xf32, #tpu.memory_space<hbm>>
        %dma_start3A_361 = tpu.memref_squeeze %dma_start3A_360 : memref<1x1x64xf32, #tpu.memory_space<hbm>> -> memref<1x64xf32, #tpu.memory_space<hbm>>
        %dma_start3A_362 = arith.constant 0 : i32
        %dma_start3A_363 = tpu.memref_slice %arg8[%add3A_355, %dma_start3A_362] : memref<416x64xf32, #tpu.memory_space<vmem>> -> memref<1x64xf32, #tpu.memory_space<vmem>>
        %dma_start3A_364 = arith.constant 0 : i32
        %dma_start3A_365 = tpu.memref_slice %arg2[%dma_start3A_356, %squeeze3A_152, %dma_start3A_364] : memref<1x1000000x64xf32, #tpu.memory_space<hbm>> -> memref<1x1x64xf32, #tpu.memory_space<hbm>>
        %dma_start3A_366 = tpu.memref_squeeze %dma_start3A_365 : memref<1x1x64xf32, #tpu.memory_space<hbm>> -> memref<1x64xf32, #tpu.memory_space<hbm>>
        tpu.enqueue_dma source(%dma_start3A_366 : memref<1x64xf32, #tpu.memory_space<hbm>>) target(%dma_start3A_363 : memref<1x64xf32, #tpu.memory_space<vmem>>) target_semaphore(%arg12 : memref<!tpu.dma_semaphore, #tpu.memory_space<semaphore_mem>>)
        %mul3A_367 = arith.constant 16 : i32
        %mul3A_368 = arith.muli %scan3A_122, %mul3A_367 : i32
        %add3A_369 = arith.constant 14 : i32
        %add3A_370 = arith.addi %mul3A_368, %add3A_369 : i32
        %dma_start3A_371 = arith.constant 0 : i32
        %dma_start3A_372 = arith.constant 0 : i32
        %dma_start3A_373 = tpu.memref_slice %arg8[%add3A_370, %dma_start3A_372] : memref<416x64xf32, #tpu.memory_space<vmem>> -> memref<1x64xf32, #tpu.memory_space<vmem>>
        %dma_start3A_374 = arith.constant 0 : i32
        %dma_start3A_375 = tpu.memref_slice %arg2[%dma_start3A_371, %squeeze3A_154, %dma_start3A_374] : memref<1x1000000x64xf32, #tpu.memory_space<hbm>> -> memref<1x1x64xf32, #tpu.memory_space<hbm>>
        %dma_start3A_376 = tpu.memref_squeeze %dma_start3A_375 : memref<1x1x64xf32, #tpu.memory_space<hbm>> -> memref<1x64xf32, #tpu.memory_space<hbm>>
        %dma_start3A_377 = arith.constant 0 : i32
        %dma_start3A_378 = tpu.memref_slice %arg8[%add3A_370, %dma_start3A_377] : memref<416x64xf32, #tpu.memory_space<vmem>> -> memref<1x64xf32, #tpu.memory_space<vmem>>
        %dma_start3A_379 = arith.constant 0 : i32
        %dma_start3A_380 = tpu.memref_slice %arg2[%dma_start3A_371, %squeeze3A_154, %dma_start3A_379] : memref<1x1000000x64xf32, #tpu.memory_space<hbm>> -> memref<1x1x64xf32, #tpu.memory_space<hbm>>
        %dma_start3A_381 = tpu.memref_squeeze %dma_start3A_380 : memref<1x1x64xf32, #tpu.memory_space<hbm>> -> memref<1x64xf32, #tpu.memory_space<hbm>>
        tpu.enqueue_dma source(%dma_start3A_381 : memref<1x64xf32, #tpu.memory_space<hbm>>) target(%dma_start3A_378 : memref<1x64xf32, #tpu.memory_space<vmem>>) target_semaphore(%arg12 : memref<!tpu.dma_semaphore, #tpu.memory_space<semaphore_mem>>)
        %mul3A_382 = arith.constant 16 : i32
        %mul3A_383 = arith.muli %scan3A_122, %mul3A_382 : i32
        %add3A_384 = arith.constant 15 : i32
        %add3A_385 = arith.addi %mul3A_383, %add3A_384 : i32
        %dma_start3A_386 = arith.constant 0 : i32
        %dma_start3A_387 = arith.constant 0 : i32
        %dma_start3A_388 = tpu.memref_slice %arg8[%add3A_385, %dma_start3A_387] : memref<416x64xf32, #tpu.memory_space<vmem>> -> memref<1x64xf32, #tpu.memory_space<vmem>>
        %dma_start3A_389 = arith.constant 0 : i32
        %dma_start3A_390 = tpu.memref_slice %arg2[%dma_start3A_386, %squeeze3A_156, %dma_start3A_389] : memref<1x1000000x64xf32, #tpu.memory_space<hbm>> -> memref<1x1x64xf32, #tpu.memory_space<hbm>>
        %dma_start3A_391 = tpu.memref_squeeze %dma_start3A_390 : memref<1x1x64xf32, #tpu.memory_space<hbm>> -> memref<1x64xf32, #tpu.memory_space<hbm>>
        %dma_start3A_392 = arith.constant 0 : i32
        %dma_start3A_393 = tpu.memref_slice %arg8[%add3A_385, %dma_start3A_392] : memref<416x64xf32, #tpu.memory_space<vmem>> -> memref<1x64xf32, #tpu.memory_space<vmem>>
        %dma_start3A_394 = arith.constant 0 : i32
        %dma_start3A_395 = tpu.memref_slice %arg2[%dma_start3A_386, %squeeze3A_156, %dma_start3A_394] : memref<1x1000000x64xf32, #tpu.memory_space<hbm>> -> memref<1x1x64xf32, #tpu.memory_space<hbm>>
        %dma_start3A_396 = tpu.memref_squeeze %dma_start3A_395 : memref<1x1x64xf32, #tpu.memory_space<hbm>> -> memref<1x64xf32, #tpu.memory_space<hbm>>
        tpu.enqueue_dma source(%dma_start3A_396 : memref<1x64xf32, #tpu.memory_space<hbm>>) target(%dma_start3A_393 : memref<1x64xf32, #tpu.memory_space<vmem>>) target_semaphore(%arg12 : memref<!tpu.dma_semaphore, #tpu.memory_space<semaphore_mem>>)
      }
      %scan3A_69 = arith.constant 26 : i32
      %add3A_70 = arith.constant 2 : i32
      %add3A_71 = arith.addi %mul3A_59, %add3A_70 : i32
      %mul3A_72 = arith.constant 416 : i32
      %mul3A_73 = arith.muli %add3A_71, %mul3A_72 : i32
      %add3A_74 = arith.addi %mul3A_2, %mul3A_73 : i32
      %dma_start3A_75 = tpu.memref_slice %arg3[%add3A_74] : memref<425984xi32, #tpu.memory_space<hbm>> -> memref<416xi32, #tpu.memory_space<hbm>>
      %dma_start3A_76 = tpu.memref_slice %arg3[%add3A_74] : memref<425984xi32, #tpu.memory_space<hbm>> -> memref<416xi32, #tpu.memory_space<hbm>>
      tpu.enqueue_dma source(%dma_start3A_76 : memref<416xi32, #tpu.memory_space<hbm>>) target(%arg5 : memref<416xi32, #tpu.memory_space<vmem>>) target_semaphore(%arg9 : memref<!tpu.dma_semaphore, #tpu.memory_space<semaphore_mem>>)
      %dma_wait3A_77 = arith.constant 0 : i32
      %dma_wait3A_78 = arith.constant 0 : i32
      %dma_wait3A_79 = arith.constant 0 : i32
      %dma_wait3A_80 = tpu.memref_slice %arg2[%dma_wait3A_77, %dma_wait3A_78, %dma_wait3A_79] : memref<1x1000000x64xf32, #tpu.memory_space<hbm>> -> memref<1x416x64xf32, #tpu.memory_space<hbm>>
      %dma_wait3A_81 = tpu.memref_squeeze %dma_wait3A_80 : memref<1x416x64xf32, #tpu.memory_space<hbm>> -> memref<416x64xf32, #tpu.memory_space<hbm>>
      %dma_wait3A_82 = arith.constant 0 : i32
      %dma_wait3A_83 = arith.constant 0 : i32
      %dma_wait3A_84 = tpu.memref_slice %arg2[%dma_wait3A_77, %dma_wait3A_82, %dma_wait3A_83] : memref<1x1000000x64xf32, #tpu.memory_space<hbm>> -> memref<1x416x64xf32, #tpu.memory_space<hbm>>
      %dma_wait3A_85 = tpu.memref_squeeze %dma_wait3A_84 : memref<1x416x64xf32, #tpu.memory_space<hbm>> -> memref<416x64xf32, #tpu.memory_space<hbm>>
      tpu.wait_dma2 semaphore(%arg11 : memref<!tpu.dma_semaphore, #tpu.memory_space<semaphore_mem>>) src(%dma_wait3A_85 : memref<416x64xf32, #tpu.memory_space<hbm>>) dst(%arg7 : memref<416x64xf32, #tpu.memory_space<vmem>>)
      %mul3A_86 = arith.constant 416 : i32
      %mul3A_87 = arith.muli %mul3A_59, %mul3A_86 : i32
      %add3A_88 = arith.addi %mul3A_2, %mul3A_87 : i32
      %run_scoped3A_89 = arith.constant 0 : i32
      "tpu.region"() ({
        %run_scoped3A_122 = tpu.sem_alloc : memref<!tpu.dma_semaphore, #tpu.memory_space<semaphore_mem>>
        %dma_start3A_123 = arith.constant 0 : i32
        %dma_start3A_124 = tpu.memref_slice %arg4[%run_scoped3A_89, %add3A_88, %dma_start3A_123] : memref<1x425984x64xf32, #tpu.memory_space<hbm>> -> memref<1x416x64xf32, #tpu.memory_space<hbm>>
        %dma_start3A_125 = tpu.memref_squeeze %dma_start3A_124 : memref<1x416x64xf32, #tpu.memory_space<hbm>> -> memref<416x64xf32, #tpu.memory_space<hbm>>
        %dma_start3A_126 = arith.constant 0 : i32
        %dma_start3A_127 = tpu.memref_slice %arg4[%run_scoped3A_89, %add3A_88, %dma_start3A_126] : memref<1x425984x64xf32, #tpu.memory_space<hbm>> -> memref<1x416x64xf32, #tpu.memory_space<hbm>>
        %dma_start3A_128 = tpu.memref_squeeze %dma_start3A_127 : memref<1x416x64xf32, #tpu.memory_space<hbm>> -> memref<416x64xf32, #tpu.memory_space<hbm>>
        tpu.enqueue_dma source(%arg7 : memref<416x64xf32, #tpu.memory_space<vmem>>) target(%dma_start3A_128 : memref<416x64xf32, #tpu.memory_space<hbm>>) target_semaphore(%run_scoped3A_122 : memref<!tpu.dma_semaphore, #tpu.memory_space<semaphore_mem>>)
        %dma_wait3A_129 = arith.constant 0 : i32
        %dma_wait3A_130 = tpu.memref_slice %arg4[%run_scoped3A_89, %add3A_88, %dma_wait3A_129] : memref<1x425984x64xf32, #tpu.memory_space<hbm>> -> memref<1x416x64xf32, #tpu.memory_space<hbm>>
        %dma_wait3A_131 = tpu.memref_squeeze %dma_wait3A_130 : memref<1x416x64xf32, #tpu.memory_space<hbm>> -> memref<416x64xf32, #tpu.memory_space<hbm>>
        %dma_wait3A_132 = arith.constant 0 : i32
        %dma_wait3A_133 = tpu.memref_slice %arg4[%run_scoped3A_89, %add3A_88, %dma_wait3A_132] : memref<1x425984x64xf32, #tpu.memory_space<hbm>> -> memref<1x416x64xf32, #tpu.memory_space<hbm>>
        %dma_wait3A_134 = tpu.memref_squeeze %dma_wait3A_133 : memref<1x416x64xf32, #tpu.memory_space<hbm>> -> memref<416x64xf32, #tpu.memory_space<hbm>>
        tpu.wait_dma2 semaphore(%run_scoped3A_122 : memref<!tpu.dma_semaphore, #tpu.memory_space<semaphore_mem>>) src(%arg7 : memref<416x64xf32, #tpu.memory_space<vmem>>) dst(%dma_wait3A_134 : memref<416x64xf32, #tpu.memory_space<hbm>>)
        tpu.yield
      }) : () -> ()
      %dma_wait3A_90 = arith.constant 0 : i32
      %dma_wait3A_91 = tpu.memref_slice %arg3[%dma_wait3A_90] : memref<425984xi32, #tpu.memory_space<hbm>> -> memref<416xi32, #tpu.memory_space<hbm>>
      %dma_wait3A_92 = arith.constant 0 : i32
      %dma_wait3A_93 = tpu.memref_slice %arg3[%dma_wait3A_92] : memref<425984xi32, #tpu.memory_space<hbm>> -> memref<416xi32, #tpu.memory_space<hbm>>
      tpu.wait_dma2 semaphore(%arg9 : memref<!tpu.dma_semaphore, #tpu.memory_space<semaphore_mem>>) src(%dma_wait3A_93 : memref<416xi32, #tpu.memory_space<hbm>>) dst(%arg5 : memref<416xi32, #tpu.memory_space<vmem>>)
      %scan3A_94 = arith.constant 0 : i32
      %scan3A_95 = arith.constant 0 : i32
      %scan3A_96 = arith.constant 26 : i32
      %scan3A_97 = arith.addi %scan3A_95, %scan3A_96 : i32
      %scan3A_98 = arith.constant 1 : i32
      scf.for %scan3A_122 = %scan3A_95 to %scan3A_97 step %scan3A_98  : i32 {
        %mul3A_123 = arith.constant 16 : i32
        %mul3A_124 = arith.muli %scan3A_122, %mul3A_123 : i32
        %get3A = arith.index_cast %mul3A_124 : i32 to index
        %get3A_125 = tpu.vector_load %arg5[%get3A] {strides = array<i32>} : memref<416xi32, #tpu.memory_space<vmem>>, vector<16xi32>,
        %get3A_126 = vector.shape_cast %get3A_125 : vector<16xi32> to vector<16xi32>
        %slice3A = vector.extract_strided_slice %get3A_126 {offsets = [0], sizes = [1], strides = [1]} : vector<16xi32> to vector<1xi32>
        %squeeze3A = vector.extract %slice3A[0] : i32 from vector<1xi32>
        %slice3A_127 = vector.extract_strided_slice %get3A_126 {offsets = [1], sizes = [1], strides = [1]} : vector<16xi32> to vector<1xi32>
        %squeeze3A_128 = vector.extract %slice3A_127[0] : i32 from vector<1xi32>
        %slice3A_129 = vector.extract_strided_slice %get3A_126 {offsets = [2], sizes = [1], strides = [1]} : vector<16xi32> to vector<1xi32>
        %squeeze3A_130 = vector.extract %slice3A_129[0] : i32 from vector<1xi32>
        %slice3A_131 = vector.extract_strided_slice %get3A_126 {offsets = [3], sizes = [1], strides = [1]} : vector<16xi32> to vector<1xi32>
        %squeeze3A_132 = vector.extract %slice3A_131[0] : i32 from vector<1xi32>
        %slice3A_133 = vector.extract_strided_slice %get3A_126 {offsets = [4], sizes = [1], strides = [1]} : vector<16xi32> to vector<1xi32>
        %squeeze3A_134 = vector.extract %slice3A_133[0] : i32 from vector<1xi32>
        %slice3A_135 = vector.extract_strided_slice %get3A_126 {offsets = [5], sizes = [1], strides = [1]} : vector<16xi32> to vector<1xi32>
        %squeeze3A_136 = vector.extract %slice3A_135[0] : i32 from vector<1xi32>
        %slice3A_137 = vector.extract_strided_slice %get3A_126 {offsets = [6], sizes = [1], strides = [1]} : vector<16xi32> to vector<1xi32>
        %squeeze3A_138 = vector.extract %slice3A_137[0] : i32 from vector<1xi32>
        %slice3A_139 = vector.extract_strided_slice %get3A_126 {offsets = [7], sizes = [1], strides = [1]} : vector<16xi32> to vector<1xi32>
        %squeeze3A_140 = vector.extract %slice3A_139[0] : i32 from vector<1xi32>
        %slice3A_141 = vector.extract_strided_slice %get3A_126 {offsets = [8], sizes = [1], strides = [1]} : vector<16xi32> to vector<1xi32>
        %squeeze3A_142 = vector.extract %slice3A_141[0] : i32 from vector<1xi32>
        %slice3A_143 = vector.extract_strided_slice %get3A_126 {offsets = [9], sizes = [1], strides = [1]} : vector<16xi32> to vector<1xi32>
        %squeeze3A_144 = vector.extract %slice3A_143[0] : i32 from vector<1xi32>
        %slice3A_145 = vector.extract_strided_slice %get3A_126 {offsets = [10], sizes = [1], strides = [1]} : vector<16xi32> to vector<1xi32>
        %squeeze3A_146 = vector.extract %slice3A_145[0] : i32 from vector<1xi32>
        %slice3A_147 = vector.extract_strided_slice %get3A_126 {offsets = [11], sizes = [1], strides = [1]} : vector<16xi32> to vector<1xi32>
        %squeeze3A_148 = vector.extract %slice3A_147[0] : i32 from vector<1xi32>
        %slice3A_149 = vector.extract_strided_slice %get3A_126 {offsets = [12], sizes = [1], strides = [1]} : vector<16xi32> to vector<1xi32>
        %squeeze3A_150 = vector.extract %slice3A_149[0] : i32 from vector<1xi32>
        %slice3A_151 = vector.extract_strided_slice %get3A_126 {offsets = [13], sizes = [1], strides = [1]} : vector<16xi32> to vector<1xi32>
        %squeeze3A_152 = vector.extract %slice3A_151[0] : i32 from vector<1xi32>
        %slice3A_153 = vector.extract_strided_slice %get3A_126 {offsets = [14], sizes = [1], strides = [1]} : vector<16xi32> to vector<1xi32>
        %squeeze3A_154 = vector.extract %slice3A_153[0] : i32 from vector<1xi32>
        %slice3A_155 = vector.extract_strided_slice %get3A_126 {offsets = [15], sizes = [1], strides = [1]} : vector<16xi32> to vector<1xi32>
        %squeeze3A_156 = vector.extract %slice3A_155[0] : i32 from vector<1xi32>
        %mul3A_157 = arith.constant 16 : i32
        %mul3A_158 = arith.muli %scan3A_122, %mul3A_157 : i32
        %add3A_159 = arith.constant 0 : i32
        %add3A_160 = arith.addi %mul3A_158, %add3A_159 : i32
        %dma_start3A_161 = arith.constant 0 : i32
        %dma_start3A_162 = arith.constant 0 : i32
        %dma_start3A_163 = tpu.memref_slice %arg7[%add3A_160, %dma_start3A_162] : memref<416x64xf32, #tpu.memory_space<vmem>> -> memref<1x64xf32, #tpu.memory_space<vmem>>
        %dma_start3A_164 = arith.constant 0 : i32
        %dma_start3A_165 = tpu.memref_slice %arg2[%dma_start3A_161, %squeeze3A, %dma_start3A_164] : memref<1x1000000x64xf32, #tpu.memory_space<hbm>> -> memref<1x1x64xf32, #tpu.memory_space<hbm>>
        %dma_start3A_166 = tpu.memref_squeeze %dma_start3A_165 : memref<1x1x64xf32, #tpu.memory_space<hbm>> -> memref<1x64xf32, #tpu.memory_space<hbm>>
        %dma_start3A_167 = arith.constant 0 : i32
        %dma_start3A_168 = tpu.memref_slice %arg7[%add3A_160, %dma_start3A_167] : memref<416x64xf32, #tpu.memory_space<vmem>> -> memref<1x64xf32, #tpu.memory_space<vmem>>
        %dma_start3A_169 = arith.constant 0 : i32
        %dma_start3A_170 = tpu.memref_slice %arg2[%dma_start3A_161, %squeeze3A, %dma_start3A_169] : memref<1x1000000x64xf32, #tpu.memory_space<hbm>> -> memref<1x1x64xf32, #tpu.memory_space<hbm>>
        %dma_start3A_171 = tpu.memref_squeeze %dma_start3A_170 : memref<1x1x64xf32, #tpu.memory_space<hbm>> -> memref<1x64xf32, #tpu.memory_space<hbm>>
        tpu.enqueue_dma source(%dma_start3A_171 : memref<1x64xf32, #tpu.memory_space<hbm>>) target(%dma_start3A_168 : memref<1x64xf32, #tpu.memory_space<vmem>>) target_semaphore(%arg11 : memref<!tpu.dma_semaphore, #tpu.memory_space<semaphore_mem>>)
        %mul3A_172 = arith.constant 16 : i32
        %mul3A_173 = arith.muli %scan3A_122, %mul3A_172 : i32
        %add3A_174 = arith.constant 1 : i32
        %add3A_175 = arith.addi %mul3A_173, %add3A_174 : i32
        %dma_start3A_176 = arith.constant 0 : i32
        %dma_start3A_177 = arith.constant 0 : i32
        %dma_start3A_178 = tpu.memref_slice %arg7[%add3A_175, %dma_start3A_177] : memref<416x64xf32, #tpu.memory_space<vmem>> -> memref<1x64xf32, #tpu.memory_space<vmem>>
        %dma_start3A_179 = arith.constant 0 : i32
        %dma_start3A_180 = tpu.memref_slice %arg2[%dma_start3A_176, %squeeze3A_128, %dma_start3A_179] : memref<1x1000000x64xf32, #tpu.memory_space<hbm>> -> memref<1x1x64xf32, #tpu.memory_space<hbm>>
        %dma_start3A_181 = tpu.memref_squeeze %dma_start3A_180 : memref<1x1x64xf32, #tpu.memory_space<hbm>> -> memref<1x64xf32, #tpu.memory_space<hbm>>
        %dma_start3A_182 = arith.constant 0 : i32
        %dma_start3A_183 = tpu.memref_slice %arg7[%add3A_175, %dma_start3A_182] : memref<416x64xf32, #tpu.memory_space<vmem>> -> memref<1x64xf32, #tpu.memory_space<vmem>>
        %dma_start3A_184 = arith.constant 0 : i32
        %dma_start3A_185 = tpu.memref_slice %arg2[%dma_start3A_176, %squeeze3A_128, %dma_start3A_184] : memref<1x1000000x64xf32, #tpu.memory_space<hbm>> -> memref<1x1x64xf32, #tpu.memory_space<hbm>>
        %dma_start3A_186 = tpu.memref_squeeze %dma_start3A_185 : memref<1x1x64xf32, #tpu.memory_space<hbm>> -> memref<1x64xf32, #tpu.memory_space<hbm>>
        tpu.enqueue_dma source(%dma_start3A_186 : memref<1x64xf32, #tpu.memory_space<hbm>>) target(%dma_start3A_183 : memref<1x64xf32, #tpu.memory_space<vmem>>) target_semaphore(%arg11 : memref<!tpu.dma_semaphore, #tpu.memory_space<semaphore_mem>>)
        %mul3A_187 = arith.constant 16 : i32
        %mul3A_188 = arith.muli %scan3A_122, %mul3A_187 : i32
        %add3A_189 = arith.constant 2 : i32
        %add3A_190 = arith.addi %mul3A_188, %add3A_189 : i32
        %dma_start3A_191 = arith.constant 0 : i32
        %dma_start3A_192 = arith.constant 0 : i32
        %dma_start3A_193 = tpu.memref_slice %arg7[%add3A_190, %dma_start3A_192] : memref<416x64xf32, #tpu.memory_space<vmem>> -> memref<1x64xf32, #tpu.memory_space<vmem>>
        %dma_start3A_194 = arith.constant 0 : i32
        %dma_start3A_195 = tpu.memref_slice %arg2[%dma_start3A_191, %squeeze3A_130, %dma_start3A_194] : memref<1x1000000x64xf32, #tpu.memory_space<hbm>> -> memref<1x1x64xf32, #tpu.memory_space<hbm>>
        %dma_start3A_196 = tpu.memref_squeeze %dma_start3A_195 : memref<1x1x64xf32, #tpu.memory_space<hbm>> -> memref<1x64xf32, #tpu.memory_space<hbm>>
        %dma_start3A_197 = arith.constant 0 : i32
        %dma_start3A_198 = tpu.memref_slice %arg7[%add3A_190, %dma_start3A_197] : memref<416x64xf32, #tpu.memory_space<vmem>> -> memref<1x64xf32, #tpu.memory_space<vmem>>
        %dma_start3A_199 = arith.constant 0 : i32
        %dma_start3A_200 = tpu.memref_slice %arg2[%dma_start3A_191, %squeeze3A_130, %dma_start3A_199] : memref<1x1000000x64xf32, #tpu.memory_space<hbm>> -> memref<1x1x64xf32, #tpu.memory_space<hbm>>
        %dma_start3A_201 = tpu.memref_squeeze %dma_start3A_200 : memref<1x1x64xf32, #tpu.memory_space<hbm>> -> memref<1x64xf32, #tpu.memory_space<hbm>>
        tpu.enqueue_dma source(%dma_start3A_201 : memref<1x64xf32, #tpu.memory_space<hbm>>) target(%dma_start3A_198 : memref<1x64xf32, #tpu.memory_space<vmem>>) target_semaphore(%arg11 : memref<!tpu.dma_semaphore, #tpu.memory_space<semaphore_mem>>)
        %mul3A_202 = arith.constant 16 : i32
        %mul3A_203 = arith.muli %scan3A_122, %mul3A_202 : i32
        %add3A_204 = arith.constant 3 : i32
        %add3A_205 = arith.addi %mul3A_203, %add3A_204 : i32
        %dma_start3A_206 = arith.constant 0 : i32
        %dma_start3A_207 = arith.constant 0 : i32
        %dma_start3A_208 = tpu.memref_slice %arg7[%add3A_205, %dma_start3A_207] : memref<416x64xf32, #tpu.memory_space<vmem>> -> memref<1x64xf32, #tpu.memory_space<vmem>>
        %dma_start3A_209 = arith.constant 0 : i32
        %dma_start3A_210 = tpu.memref_slice %arg2[%dma_start3A_206, %squeeze3A_132, %dma_start3A_209] : memref<1x1000000x64xf32, #tpu.memory_space<hbm>> -> memref<1x1x64xf32, #tpu.memory_space<hbm>>
        %dma_start3A_211 = tpu.memref_squeeze %dma_start3A_210 : memref<1x1x64xf32, #tpu.memory_space<hbm>> -> memref<1x64xf32, #tpu.memory_space<hbm>>
        %dma_start3A_212 = arith.constant 0 : i32
        %dma_start3A_213 = tpu.memref_slice %arg7[%add3A_205, %dma_start3A_212] : memref<416x64xf32, #tpu.memory_space<vmem>> -> memref<1x64xf32, #tpu.memory_space<vmem>>
        %dma_start3A_214 = arith.constant 0 : i32
        %dma_start3A_215 = tpu.memref_slice %arg2[%dma_start3A_206, %squeeze3A_132, %dma_start3A_214] : memref<1x1000000x64xf32, #tpu.memory_space<hbm>> -> memref<1x1x64xf32, #tpu.memory_space<hbm>>
        %dma_start3A_216 = tpu.memref_squeeze %dma_start3A_215 : memref<1x1x64xf32, #tpu.memory_space<hbm>> -> memref<1x64xf32, #tpu.memory_space<hbm>>
        tpu.enqueue_dma source(%dma_start3A_216 : memref<1x64xf32, #tpu.memory_space<hbm>>) target(%dma_start3A_213 : memref<1x64xf32, #tpu.memory_space<vmem>>) target_semaphore(%arg11 : memref<!tpu.dma_semaphore, #tpu.memory_space<semaphore_mem>>)
        %mul3A_217 = arith.constant 16 : i32
        %mul3A_218 = arith.muli %scan3A_122, %mul3A_217 : i32
        %add3A_219 = arith.constant 4 : i32
        %add3A_220 = arith.addi %mul3A_218, %add3A_219 : i32
        %dma_start3A_221 = arith.constant 0 : i32
        %dma_start3A_222 = arith.constant 0 : i32
        %dma_start3A_223 = tpu.memref_slice %arg7[%add3A_220, %dma_start3A_222] : memref<416x64xf32, #tpu.memory_space<vmem>> -> memref<1x64xf32, #tpu.memory_space<vmem>>
        %dma_start3A_224 = arith.constant 0 : i32
        %dma_start3A_225 = tpu.memref_slice %arg2[%dma_start3A_221, %squeeze3A_134, %dma_start3A_224] : memref<1x1000000x64xf32, #tpu.memory_space<hbm>> -> memref<1x1x64xf32, #tpu.memory_space<hbm>>
        %dma_start3A_226 = tpu.memref_squeeze %dma_start3A_225 : memref<1x1x64xf32, #tpu.memory_space<hbm>> -> memref<1x64xf32, #tpu.memory_space<hbm>>
        %dma_start3A_227 = arith.constant 0 : i32
        %dma_start3A_228 = tpu.memref_slice %arg7[%add3A_220, %dma_start3A_227] : memref<416x64xf32, #tpu.memory_space<vmem>> -> memref<1x64xf32, #tpu.memory_space<vmem>>
        %dma_start3A_229 = arith.constant 0 : i32
        %dma_start3A_230 = tpu.memref_slice %arg2[%dma_start3A_221, %squeeze3A_134, %dma_start3A_229] : memref<1x1000000x64xf32, #tpu.memory_space<hbm>> -> memref<1x1x64xf32, #tpu.memory_space<hbm>>
        %dma_start3A_231 = tpu.memref_squeeze %dma_start3A_230 : memref<1x1x64xf32, #tpu.memory_space<hbm>> -> memref<1x64xf32, #tpu.memory_space<hbm>>
        tpu.enqueue_dma source(%dma_start3A_231 : memref<1x64xf32, #tpu.memory_space<hbm>>) target(%dma_start3A_228 : memref<1x64xf32, #tpu.memory_space<vmem>>) target_semaphore(%arg11 : memref<!tpu.dma_semaphore, #tpu.memory_space<semaphore_mem>>)
        %mul3A_232 = arith.constant 16 : i32
        %mul3A_233 = arith.muli %scan3A_122, %mul3A_232 : i32
        %add3A_234 = arith.constant 5 : i32
        %add3A_235 = arith.addi %mul3A_233, %add3A_234 : i32
        %dma_start3A_236 = arith.constant 0 : i32
        %dma_start3A_237 = arith.constant 0 : i32
        %dma_start3A_238 = tpu.memref_slice %arg7[%add3A_235, %dma_start3A_237] : memref<416x64xf32, #tpu.memory_space<vmem>> -> memref<1x64xf32, #tpu.memory_space<vmem>>
        %dma_start3A_239 = arith.constant 0 : i32
        %dma_start3A_240 = tpu.memref_slice %arg2[%dma_start3A_236, %squeeze3A_136, %dma_start3A_239] : memref<1x1000000x64xf32, #tpu.memory_space<hbm>> -> memref<1x1x64xf32, #tpu.memory_space<hbm>>
        %dma_start3A_241 = tpu.memref_squeeze %dma_start3A_240 : memref<1x1x64xf32, #tpu.memory_space<hbm>> -> memref<1x64xf32, #tpu.memory_space<hbm>>
        %dma_start3A_242 = arith.constant 0 : i32
        %dma_start3A_243 = tpu.memref_slice %arg7[%add3A_235, %dma_start3A_242] : memref<416x64xf32, #tpu.memory_space<vmem>> -> memref<1x64xf32, #tpu.memory_space<vmem>>
        %dma_start3A_244 = arith.constant 0 : i32
        %dma_start3A_245 = tpu.memref_slice %arg2[%dma_start3A_236, %squeeze3A_136, %dma_start3A_244] : memref<1x1000000x64xf32, #tpu.memory_space<hbm>> -> memref<1x1x64xf32, #tpu.memory_space<hbm>>
        %dma_start3A_246 = tpu.memref_squeeze %dma_start3A_245 : memref<1x1x64xf32, #tpu.memory_space<hbm>> -> memref<1x64xf32, #tpu.memory_space<hbm>>
        tpu.enqueue_dma source(%dma_start3A_246 : memref<1x64xf32, #tpu.memory_space<hbm>>) target(%dma_start3A_243 : memref<1x64xf32, #tpu.memory_space<vmem>>) target_semaphore(%arg11 : memref<!tpu.dma_semaphore, #tpu.memory_space<semaphore_mem>>)
        %mul3A_247 = arith.constant 16 : i32
        %mul3A_248 = arith.muli %scan3A_122, %mul3A_247 : i32
        %add3A_249 = arith.constant 6 : i32
        %add3A_250 = arith.addi %mul3A_248, %add3A_249 : i32
        %dma_start3A_251 = arith.constant 0 : i32
        %dma_start3A_252 = arith.constant 0 : i32
        %dma_start3A_253 = tpu.memref_slice %arg7[%add3A_250, %dma_start3A_252] : memref<416x64xf32, #tpu.memory_space<vmem>> -> memref<1x64xf32, #tpu.memory_space<vmem>>
        %dma_start3A_254 = arith.constant 0 : i32
        %dma_start3A_255 = tpu.memref_slice %arg2[%dma_start3A_251, %squeeze3A_138, %dma_start3A_254] : memref<1x1000000x64xf32, #tpu.memory_space<hbm>> -> memref<1x1x64xf32, #tpu.memory_space<hbm>>
        %dma_start3A_256 = tpu.memref_squeeze %dma_start3A_255 : memref<1x1x64xf32, #tpu.memory_space<hbm>> -> memref<1x64xf32, #tpu.memory_space<hbm>>
        %dma_start3A_257 = arith.constant 0 : i32
        %dma_start3A_258 = tpu.memref_slice %arg7[%add3A_250, %dma_start3A_257] : memref<416x64xf32, #tpu.memory_space<vmem>> -> memref<1x64xf32, #tpu.memory_space<vmem>>
        %dma_start3A_259 = arith.constant 0 : i32
        %dma_start3A_260 = tpu.memref_slice %arg2[%dma_start3A_251, %squeeze3A_138, %dma_start3A_259] : memref<1x1000000x64xf32, #tpu.memory_space<hbm>> -> memref<1x1x64xf32, #tpu.memory_space<hbm>>
        %dma_start3A_261 = tpu.memref_squeeze %dma_start3A_260 : memref<1x1x64xf32, #tpu.memory_space<hbm>> -> memref<1x64xf32, #tpu.memory_space<hbm>>
        tpu.enqueue_dma source(%dma_start3A_261 : memref<1x64xf32, #tpu.memory_space<hbm>>) target(%dma_start3A_258 : memref<1x64xf32, #tpu.memory_space<vmem>>) target_semaphore(%arg11 : memref<!tpu.dma_semaphore, #tpu.memory_space<semaphore_mem>>)
        %mul3A_262 = arith.constant 16 : i32
        %mul3A_263 = arith.muli %scan3A_122, %mul3A_262 : i32
        %add3A_264 = arith.constant 7 : i32
        %add3A_265 = arith.addi %mul3A_263, %add3A_264 : i32
        %dma_start3A_266 = arith.constant 0 : i32
        %dma_start3A_267 = arith.constant 0 : i32
        %dma_start3A_268 = tpu.memref_slice %arg7[%add3A_265, %dma_start3A_267] : memref<416x64xf32, #tpu.memory_space<vmem>> -> memref<1x64xf32, #tpu.memory_space<vmem>>
        %dma_start3A_269 = arith.constant 0 : i32
        %dma_start3A_270 = tpu.memref_slice %arg2[%dma_start3A_266, %squeeze3A_140, %dma_start3A_269] : memref<1x1000000x64xf32, #tpu.memory_space<hbm>> -> memref<1x1x64xf32, #tpu.memory_space<hbm>>
        %dma_start3A_271 = tpu.memref_squeeze %dma_start3A_270 : memref<1x1x64xf32, #tpu.memory_space<hbm>> -> memref<1x64xf32, #tpu.memory_space<hbm>>
        %dma_start3A_272 = arith.constant 0 : i32
        %dma_start3A_273 = tpu.memref_slice %arg7[%add3A_265, %dma_start3A_272] : memref<416x64xf32, #tpu.memory_space<vmem>> -> memref<1x64xf32, #tpu.memory_space<vmem>>
        %dma_start3A_274 = arith.constant 0 : i32
        %dma_start3A_275 = tpu.memref_slice %arg2[%dma_start3A_266, %squeeze3A_140, %dma_start3A_274] : memref<1x1000000x64xf32, #tpu.memory_space<hbm>> -> memref<1x1x64xf32, #tpu.memory_space<hbm>>
        %dma_start3A_276 = tpu.memref_squeeze %dma_start3A_275 : memref<1x1x64xf32, #tpu.memory_space<hbm>> -> memref<1x64xf32, #tpu.memory_space<hbm>>
        tpu.enqueue_dma source(%dma_start3A_276 : memref<1x64xf32, #tpu.memory_space<hbm>>) target(%dma_start3A_273 : memref<1x64xf32, #tpu.memory_space<vmem>>) target_semaphore(%arg11 : memref<!tpu.dma_semaphore, #tpu.memory_space<semaphore_mem>>)
        %mul3A_277 = arith.constant 16 : i32
        %mul3A_278 = arith.muli %scan3A_122, %mul3A_277 : i32
        %add3A_279 = arith.constant 8 : i32
        %add3A_280 = arith.addi %mul3A_278, %add3A_279 : i32
        %dma_start3A_281 = arith.constant 0 : i32
        %dma_start3A_282 = arith.constant 0 : i32
        %dma_start3A_283 = tpu.memref_slice %arg7[%add3A_280, %dma_start3A_282] : memref<416x64xf32, #tpu.memory_space<vmem>> -> memref<1x64xf32, #tpu.memory_space<vmem>>
        %dma_start3A_284 = arith.constant 0 : i32
        %dma_start3A_285 = tpu.memref_slice %arg2[%dma_start3A_281, %squeeze3A_142, %dma_start3A_284] : memref<1x1000000x64xf32, #tpu.memory_space<hbm>> -> memref<1x1x64xf32, #tpu.memory_space<hbm>>
        %dma_start3A_286 = tpu.memref_squeeze %dma_start3A_285 : memref<1x1x64xf32, #tpu.memory_space<hbm>> -> memref<1x64xf32, #tpu.memory_space<hbm>>
        %dma_start3A_287 = arith.constant 0 : i32
        %dma_start3A_288 = tpu.memref_slice %arg7[%add3A_280, %dma_start3A_287] : memref<416x64xf32, #tpu.memory_space<vmem>> -> memref<1x64xf32, #tpu.memory_space<vmem>>
        %dma_start3A_289 = arith.constant 0 : i32
        %dma_start3A_290 = tpu.memref_slice %arg2[%dma_start3A_281, %squeeze3A_142, %dma_start3A_289] : memref<1x1000000x64xf32, #tpu.memory_space<hbm>> -> memref<1x1x64xf32, #tpu.memory_space<hbm>>
        %dma_start3A_291 = tpu.memref_squeeze %dma_start3A_290 : memref<1x1x64xf32, #tpu.memory_space<hbm>> -> memref<1x64xf32, #tpu.memory_space<hbm>>
        tpu.enqueue_dma source(%dma_start3A_291 : memref<1x64xf32, #tpu.memory_space<hbm>>) target(%dma_start3A_288 : memref<1x64xf32, #tpu.memory_space<vmem>>) target_semaphore(%arg11 : memref<!tpu.dma_semaphore, #tpu.memory_space<semaphore_mem>>)
        %mul3A_292 = arith.constant 16 : i32
        %mul3A_293 = arith.muli %scan3A_122, %mul3A_292 : i32
        %add3A_294 = arith.constant 9 : i32
        %add3A_295 = arith.addi %mul3A_293, %add3A_294 : i32
        %dma_start3A_296 = arith.constant 0 : i32
        %dma_start3A_297 = arith.constant 0 : i32
        %dma_start3A_298 = tpu.memref_slice %arg7[%add3A_295, %dma_start3A_297] : memref<416x64xf32, #tpu.memory_space<vmem>> -> memref<1x64xf32, #tpu.memory_space<vmem>>
        %dma_start3A_299 = arith.constant 0 : i32
        %dma_start3A_300 = tpu.memref_slice %arg2[%dma_start3A_296, %squeeze3A_144, %dma_start3A_299] : memref<1x1000000x64xf32, #tpu.memory_space<hbm>> -> memref<1x1x64xf32, #tpu.memory_space<hbm>>
        %dma_start3A_301 = tpu.memref_squeeze %dma_start3A_300 : memref<1x1x64xf32, #tpu.memory_space<hbm>> -> memref<1x64xf32, #tpu.memory_space<hbm>>
        %dma_start3A_302 = arith.constant 0 : i32
        %dma_start3A_303 = tpu.memref_slice %arg7[%add3A_295, %dma_start3A_302] : memref<416x64xf32, #tpu.memory_space<vmem>> -> memref<1x64xf32, #tpu.memory_space<vmem>>
        %dma_start3A_304 = arith.constant 0 : i32
        %dma_start3A_305 = tpu.memref_slice %arg2[%dma_start3A_296, %squeeze3A_144, %dma_start3A_304] : memref<1x1000000x64xf32, #tpu.memory_space<hbm>> -> memref<1x1x64xf32, #tpu.memory_space<hbm>>
        %dma_start3A_306 = tpu.memref_squeeze %dma_start3A_305 : memref<1x1x64xf32, #tpu.memory_space<hbm>> -> memref<1x64xf32, #tpu.memory_space<hbm>>
        tpu.enqueue_dma source(%dma_start3A_306 : memref<1x64xf32, #tpu.memory_space<hbm>>) target(%dma_start3A_303 : memref<1x64xf32, #tpu.memory_space<vmem>>) target_semaphore(%arg11 : memref<!tpu.dma_semaphore, #tpu.memory_space<semaphore_mem>>)
        %mul3A_307 = arith.constant 16 : i32
        %mul3A_308 = arith.muli %scan3A_122, %mul3A_307 : i32
        %add3A_309 = arith.constant 10 : i32
        %add3A_310 = arith.addi %mul3A_308, %add3A_309 : i32
        %dma_start3A_311 = arith.constant 0 : i32
        %dma_start3A_312 = arith.constant 0 : i32
        %dma_start3A_313 = tpu.memref_slice %arg7[%add3A_310, %dma_start3A_312] : memref<416x64xf32, #tpu.memory_space<vmem>> -> memref<1x64xf32, #tpu.memory_space<vmem>>
        %dma_start3A_314 = arith.constant 0 : i32
        %dma_start3A_315 = tpu.memref_slice %arg2[%dma_start3A_311, %squeeze3A_146, %dma_start3A_314] : memref<1x1000000x64xf32, #tpu.memory_space<hbm>> -> memref<1x1x64xf32, #tpu.memory_space<hbm>>
        %dma_start3A_316 = tpu.memref_squeeze %dma_start3A_315 : memref<1x1x64xf32, #tpu.memory_space<hbm>> -> memref<1x64xf32, #tpu.memory_space<hbm>>
        %dma_start3A_317 = arith.constant 0 : i32
        %dma_start3A_318 = tpu.memref_slice %arg7[%add3A_310, %dma_start3A_317] : memref<416x64xf32, #tpu.memory_space<vmem>> -> memref<1x64xf32, #tpu.memory_space<vmem>>
        %dma_start3A_319 = arith.constant 0 : i32
        %dma_start3A_320 = tpu.memref_slice %arg2[%dma_start3A_311, %squeeze3A_146, %dma_start3A_319] : memref<1x1000000x64xf32, #tpu.memory_space<hbm>> -> memref<1x1x64xf32, #tpu.memory_space<hbm>>
        %dma_start3A_321 = tpu.memref_squeeze %dma_start3A_320 : memref<1x1x64xf32, #tpu.memory_space<hbm>> -> memref<1x64xf32, #tpu.memory_space<hbm>>
        tpu.enqueue_dma source(%dma_start3A_321 : memref<1x64xf32, #tpu.memory_space<hbm>>) target(%dma_start3A_318 : memref<1x64xf32, #tpu.memory_space<vmem>>) target_semaphore(%arg11 : memref<!tpu.dma_semaphore, #tpu.memory_space<semaphore_mem>>)
        %mul3A_322 = arith.constant 16 : i32
        %mul3A_323 = arith.muli %scan3A_122, %mul3A_322 : i32
        %add3A_324 = arith.constant 11 : i32
        %add3A_325 = arith.addi %mul3A_323, %add3A_324 : i32
        %dma_start3A_326 = arith.constant 0 : i32
        %dma_start3A_327 = arith.constant 0 : i32
        %dma_start3A_328 = tpu.memref_slice %arg7[%add3A_325, %dma_start3A_327] : memref<416x64xf32, #tpu.memory_space<vmem>> -> memref<1x64xf32, #tpu.memory_space<vmem>>
        %dma_start3A_329 = arith.constant 0 : i32
        %dma_start3A_330 = tpu.memref_slice %arg2[%dma_start3A_326, %squeeze3A_148, %dma_start3A_329] : memref<1x1000000x64xf32, #tpu.memory_space<hbm>> -> memref<1x1x64xf32, #tpu.memory_space<hbm>>
        %dma_start3A_331 = tpu.memref_squeeze %dma_start3A_330 : memref<1x1x64xf32, #tpu.memory_space<hbm>> -> memref<1x64xf32, #tpu.memory_space<hbm>>
        %dma_start3A_332 = arith.constant 0 : i32
        %dma_start3A_333 = tpu.memref_slice %arg7[%add3A_325, %dma_start3A_332] : memref<416x64xf32, #tpu.memory_space<vmem>> -> memref<1x64xf32, #tpu.memory_space<vmem>>
        %dma_start3A_334 = arith.constant 0 : i32
        %dma_start3A_335 = tpu.memref_slice %arg2[%dma_start3A_326, %squeeze3A_148, %dma_start3A_334] : memref<1x1000000x64xf32, #tpu.memory_space<hbm>> -> memref<1x1x64xf32, #tpu.memory_space<hbm>>
        %dma_start3A_336 = tpu.memref_squeeze %dma_start3A_335 : memref<1x1x64xf32, #tpu.memory_space<hbm>> -> memref<1x64xf32, #tpu.memory_space<hbm>>
        tpu.enqueue_dma source(%dma_start3A_336 : memref<1x64xf32, #tpu.memory_space<hbm>>) target(%dma_start3A_333 : memref<1x64xf32, #tpu.memory_space<vmem>>) target_semaphore(%arg11 : memref<!tpu.dma_semaphore, #tpu.memory_space<semaphore_mem>>)
        %mul3A_337 = arith.constant 16 : i32
        %mul3A_338 = arith.muli %scan3A_122, %mul3A_337 : i32
        %add3A_339 = arith.constant 12 : i32
        %add3A_340 = arith.addi %mul3A_338, %add3A_339 : i32
        %dma_start3A_341 = arith.constant 0 : i32
        %dma_start3A_342 = arith.constant 0 : i32
        %dma_start3A_343 = tpu.memref_slice %arg7[%add3A_340, %dma_start3A_342] : memref<416x64xf32, #tpu.memory_space<vmem>> -> memref<1x64xf32, #tpu.memory_space<vmem>>
        %dma_start3A_344 = arith.constant 0 : i32
        %dma_start3A_345 = tpu.memref_slice %arg2[%dma_start3A_341, %squeeze3A_150, %dma_start3A_344] : memref<1x1000000x64xf32, #tpu.memory_space<hbm>> -> memref<1x1x64xf32, #tpu.memory_space<hbm>>
        %dma_start3A_346 = tpu.memref_squeeze %dma_start3A_345 : memref<1x1x64xf32, #tpu.memory_space<hbm>> -> memref<1x64xf32, #tpu.memory_space<hbm>>
        %dma_start3A_347 = arith.constant 0 : i32
        %dma_start3A_348 = tpu.memref_slice %arg7[%add3A_340, %dma_start3A_347] : memref<416x64xf32, #tpu.memory_space<vmem>> -> memref<1x64xf32, #tpu.memory_space<vmem>>
        %dma_start3A_349 = arith.constant 0 : i32
        %dma_start3A_350 = tpu.memref_slice %arg2[%dma_start3A_341, %squeeze3A_150, %dma_start3A_349] : memref<1x1000000x64xf32, #tpu.memory_space<hbm>> -> memref<1x1x64xf32, #tpu.memory_space<hbm>>
        %dma_start3A_351 = tpu.memref_squeeze %dma_start3A_350 : memref<1x1x64xf32, #tpu.memory_space<hbm>> -> memref<1x64xf32, #tpu.memory_space<hbm>>
        tpu.enqueue_dma source(%dma_start3A_351 : memref<1x64xf32, #tpu.memory_space<hbm>>) target(%dma_start3A_348 : memref<1x64xf32, #tpu.memory_space<vmem>>) target_semaphore(%arg11 : memref<!tpu.dma_semaphore, #tpu.memory_space<semaphore_mem>>)
        %mul3A_352 = arith.constant 16 : i32
        %mul3A_353 = arith.muli %scan3A_122, %mul3A_352 : i32
        %add3A_354 = arith.constant 13 : i32
        %add3A_355 = arith.addi %mul3A_353, %add3A_354 : i32
        %dma_start3A_356 = arith.constant 0 : i32
        %dma_start3A_357 = arith.constant 0 : i32
        %dma_start3A_358 = tpu.memref_slice %arg7[%add3A_355, %dma_start3A_357] : memref<416x64xf32, #tpu.memory_space<vmem>> -> memref<1x64xf32, #tpu.memory_space<vmem>>
        %dma_start3A_359 = arith.constant 0 : i32
        %dma_start3A_360 = tpu.memref_slice %arg2[%dma_start3A_356, %squeeze3A_152, %dma_start3A_359] : memref<1x1000000x64xf32, #tpu.memory_space<hbm>> -> memref<1x1x64xf32, #tpu.memory_space<hbm>>
        %dma_start3A_361 = tpu.memref_squeeze %dma_start3A_360 : memref<1x1x64xf32, #tpu.memory_space<hbm>> -> memref<1x64xf32, #tpu.memory_space<hbm>>
        %dma_start3A_362 = arith.constant 0 : i32
        %dma_start3A_363 = tpu.memref_slice %arg7[%add3A_355, %dma_start3A_362] : memref<416x64xf32, #tpu.memory_space<vmem>> -> memref<1x64xf32, #tpu.memory_space<vmem>>
        %dma_start3A_364 = arith.constant 0 : i32
        %dma_start3A_365 = tpu.memref_slice %arg2[%dma_start3A_356, %squeeze3A_152, %dma_start3A_364] : memref<1x1000000x64xf32, #tpu.memory_space<hbm>> -> memref<1x1x64xf32, #tpu.memory_space<hbm>>
        %dma_start3A_366 = tpu.memref_squeeze %dma_start3A_365 : memref<1x1x64xf32, #tpu.memory_space<hbm>> -> memref<1x64xf32, #tpu.memory_space<hbm>>
        tpu.enqueue_dma source(%dma_start3A_366 : memref<1x64xf32, #tpu.memory_space<hbm>>) target(%dma_start3A_363 : memref<1x64xf32, #tpu.memory_space<vmem>>) target_semaphore(%arg11 : memref<!tpu.dma_semaphore, #tpu.memory_space<semaphore_mem>>)
        %mul3A_367 = arith.constant 16 : i32
        %mul3A_368 = arith.muli %scan3A_122, %mul3A_367 : i32
        %add3A_369 = arith.constant 14 : i32
        %add3A_370 = arith.addi %mul3A_368, %add3A_369 : i32
        %dma_start3A_371 = arith.constant 0 : i32
        %dma_start3A_372 = arith.constant 0 : i32
        %dma_start3A_373 = tpu.memref_slice %arg7[%add3A_370, %dma_start3A_372] : memref<416x64xf32, #tpu.memory_space<vmem>> -> memref<1x64xf32, #tpu.memory_space<vmem>>
        %dma_start3A_374 = arith.constant 0 : i32
        %dma_start3A_375 = tpu.memref_slice %arg2[%dma_start3A_371, %squeeze3A_154, %dma_start3A_374] : memref<1x1000000x64xf32, #tpu.memory_space<hbm>> -> memref<1x1x64xf32, #tpu.memory_space<hbm>>
        %dma_start3A_376 = tpu.memref_squeeze %dma_start3A_375 : memref<1x1x64xf32, #tpu.memory_space<hbm>> -> memref<1x64xf32, #tpu.memory_space<hbm>>
        %dma_start3A_377 = arith.constant 0 : i32
        %dma_start3A_378 = tpu.memref_slice %arg7[%add3A_370, %dma_start3A_377] : memref<416x64xf32, #tpu.memory_space<vmem>> -> memref<1x64xf32, #tpu.memory_space<vmem>>
        %dma_start3A_379 = arith.constant 0 : i32
        %dma_start3A_380 = tpu.memref_slice %arg2[%dma_start3A_371, %squeeze3A_154, %dma_start3A_379] : memref<1x1000000x64xf32, #tpu.memory_space<hbm>> -> memref<1x1x64xf32, #tpu.memory_space<hbm>>
        %dma_start3A_381 = tpu.memref_squeeze %dma_start3A_380 : memref<1x1x64xf32, #tpu.memory_space<hbm>> -> memref<1x64xf32, #tpu.memory_space<hbm>>
        tpu.enqueue_dma source(%dma_start3A_381 : memref<1x64xf32, #tpu.memory_space<hbm>>) target(%dma_start3A_378 : memref<1x64xf32, #tpu.memory_space<vmem>>) target_semaphore(%arg11 : memref<!tpu.dma_semaphore, #tpu.memory_space<semaphore_mem>>)
        %mul3A_382 = arith.constant 16 : i32
        %mul3A_383 = arith.muli %scan3A_122, %mul3A_382 : i32
        %add3A_384 = arith.constant 15 : i32
        %add3A_385 = arith.addi %mul3A_383, %add3A_384 : i32
        %dma_start3A_386 = arith.constant 0 : i32
        %dma_start3A_387 = arith.constant 0 : i32
        %dma_start3A_388 = tpu.memref_slice %arg7[%add3A_385, %dma_start3A_387] : memref<416x64xf32, #tpu.memory_space<vmem>> -> memref<1x64xf32, #tpu.memory_space<vmem>>
        %dma_start3A_389 = arith.constant 0 : i32
        %dma_start3A_390 = tpu.memref_slice %arg2[%dma_start3A_386, %squeeze3A_156, %dma_start3A_389] : memref<1x1000000x64xf32, #tpu.memory_space<hbm>> -> memref<1x1x64xf32, #tpu.memory_space<hbm>>
        %dma_start3A_391 = tpu.memref_squeeze %dma_start3A_390 : memref<1x1x64xf32, #tpu.memory_space<hbm>> -> memref<1x64xf32, #tpu.memory_space<hbm>>
        %dma_start3A_392 = arith.constant 0 : i32
        %dma_start3A_393 = tpu.memref_slice %arg7[%add3A_385, %dma_start3A_392] : memref<416x64xf32, #tpu.memory_space<vmem>> -> memref<1x64xf32, #tpu.memory_space<vmem>>
        %dma_start3A_394 = arith.constant 0 : i32
        %dma_start3A_395 = tpu.memref_slice %arg2[%dma_start3A_386, %squeeze3A_156, %dma_start3A_394] : memref<1x1000000x64xf32, #tpu.memory_space<hbm>> -> memref<1x1x64xf32, #tpu.memory_space<hbm>>
        %dma_start3A_396 = tpu.memref_squeeze %dma_start3A_395 : memref<1x1x64xf32, #tpu.memory_space<hbm>> -> memref<1x64xf32, #tpu.memory_space<hbm>>
        tpu.enqueue_dma source(%dma_start3A_396 : memref<1x64xf32, #tpu.memory_space<hbm>>) target(%dma_start3A_393 : memref<1x64xf32, #tpu.memory_space<vmem>>) target_semaphore(%arg11 : memref<!tpu.dma_semaphore, #tpu.memory_space<semaphore_mem>>)
      }
      %scan3A_99 = arith.constant 26 : i32
      %add3A_100 = arith.constant 3 : i32
      %add3A_101 = arith.addi %mul3A_59, %add3A_100 : i32
      %mul3A_102 = arith.constant 416 : i32
      %mul3A_103 = arith.muli %add3A_101, %mul3A_102 : i32
      %add3A_104 = arith.addi %mul3A_2, %mul3A_103 : i32
      %dma_start3A_105 = tpu.memref_slice %arg3[%add3A_104] : memref<425984xi32, #tpu.memory_space<hbm>> -> memref<416xi32, #tpu.memory_space<hbm>>
      %dma_start3A_106 = tpu.memref_slice %arg3[%add3A_104] : memref<425984xi32, #tpu.memory_space<hbm>> -> memref<416xi32, #tpu.memory_space<hbm>>
      tpu.enqueue_dma source(%dma_start3A_106 : memref<416xi32, #tpu.memory_space<hbm>>) target(%arg6 : memref<416xi32, #tpu.memory_space<vmem>>) target_semaphore(%arg10 : memref<!tpu.dma_semaphore, #tpu.memory_space<semaphore_mem>>)
      %add3A_107 = arith.constant 1 : i32
      %add3A_108 = arith.addi %mul3A_59, %add3A_107 : i32
      %dma_wait3A_109 = arith.constant 0 : i32
      %dma_wait3A_110 = arith.constant 0 : i32
      %dma_wait3A_111 = arith.constant 0 : i32
      %dma_wait3A_112 = tpu.memref_slice %arg2[%dma_wait3A_109, %dma_wait3A_110, %dma_wait3A_111] : memref<1x1000000x64xf32, #tpu.memory_space<hbm>> -> memref<1x416x64xf32, #tpu.memory_space<hbm>>
      %dma_wait3A_113 = tpu.memref_squeeze %dma_wait3A_112 : memref<1x416x64xf32, #tpu.memory_space<hbm>> -> memref<416x64xf32, #tpu.memory_space<hbm>>
      %dma_wait3A_114 = arith.constant 0 : i32
      %dma_wait3A_115 = arith.constant 0 : i32
      %dma_wait3A_116 = tpu.memref_slice %arg2[%dma_wait3A_109, %dma_wait3A_114, %dma_wait3A_115] : memref<1x1000000x64xf32, #tpu.memory_space<hbm>> -> memref<1x416x64xf32, #tpu.memory_space<hbm>>
      %dma_wait3A_117 = tpu.memref_squeeze %dma_wait3A_116 : memref<1x416x64xf32, #tpu.memory_space<hbm>> -> memref<416x64xf32, #tpu.memory_space<hbm>>
      tpu.wait_dma2 semaphore(%arg12 : memref<!tpu.dma_semaphore, #tpu.memory_space<semaphore_mem>>) src(%dma_wait3A_117 : memref<416x64xf32, #tpu.memory_space<hbm>>) dst(%arg8 : memref<416x64xf32, #tpu.memory_space<vmem>>)
      %mul3A_118 = arith.constant 416 : i32
      %mul3A_119 = arith.muli %add3A_108, %mul3A_118 : i32
      %add3A_120 = arith.addi %mul3A_2, %mul3A_119 : i32
      %run_scoped3A_121 = arith.constant 0 : i32
      "tpu.region"() ({
        %run_scoped3A_122 = tpu.sem_alloc : memref<!tpu.dma_semaphore, #tpu.memory_space<semaphore_mem>>
        %dma_start3A_123 = arith.constant 0 : i32
        %dma_start3A_124 = tpu.memref_slice %arg4[%run_scoped3A_121, %add3A_120, %dma_start3A_123] : memref<1x425984x64xf32, #tpu.memory_space<hbm>> -> memref<1x416x64xf32, #tpu.memory_space<hbm>>
        %dma_start3A_125 = tpu.memref_squeeze %dma_start3A_124 : memref<1x416x64xf32, #tpu.memory_space<hbm>> -> memref<416x64xf32, #tpu.memory_space<hbm>>
        %dma_start3A_126 = arith.constant 0 : i32
        %dma_start3A_127 = tpu.memref_slice %arg4[%run_scoped3A_121, %add3A_120, %dma_start3A_126] : memref<1x425984x64xf32, #tpu.memory_space<hbm>> -> memref<1x416x64xf32, #tpu.memory_space<hbm>>
        %dma_start3A_128 = tpu.memref_squeeze %dma_start3A_127 : memref<1x416x64xf32, #tpu.memory_space<hbm>> -> memref<416x64xf32, #tpu.memory_space<hbm>>
        tpu.enqueue_dma source(%arg8 : memref<416x64xf32, #tpu.memory_space<vmem>>) target(%dma_start3A_128 : memref<416x64xf32, #tpu.memory_space<hbm>>) target_semaphore(%run_scoped3A_122 : memref<!tpu.dma_semaphore, #tpu.memory_space<semaphore_mem>>)
        %dma_wait3A_129 = arith.constant 0 : i32
        %dma_wait3A_130 = tpu.memref_slice %arg4[%run_scoped3A_121, %add3A_120, %dma_wait3A_129] : memref<1x425984x64xf32, #tpu.memory_space<hbm>> -> memref<1x416x64xf32, #tpu.memory_space<hbm>>
        %dma_wait3A_131 = tpu.memref_squeeze %dma_wait3A_130 : memref<1x416x64xf32, #tpu.memory_space<hbm>> -> memref<416x64xf32, #tpu.memory_space<hbm>>
        %dma_wait3A_132 = arith.constant 0 : i32
        %dma_wait3A_133 = tpu.memref_slice %arg4[%run_scoped3A_121, %add3A_120, %dma_wait3A_132] : memref<1x425984x64xf32, #tpu.memory_space<hbm>> -> memref<1x416x64xf32, #tpu.memory_space<hbm>>
        %dma_wait3A_134 = tpu.memref_squeeze %dma_wait3A_133 : memref<1x416x64xf32, #tpu.memory_space<hbm>> -> memref<416x64xf32, #tpu.memory_space<hbm>>
        tpu.wait_dma2 semaphore(%run_scoped3A_122 : memref<!tpu.dma_semaphore, #tpu.memory_space<semaphore_mem>>) src(%arg8 : memref<416x64xf32, #tpu.memory_space<vmem>>) dst(%dma_wait3A_134 : memref<416x64xf32, #tpu.memory_space<hbm>>)
        tpu.yield
      }) : () -> ()
    }
    %scan3A_23 = arith.constant 15 : i32
    %dma_wait3A_24 = arith.constant 0 : i32
    %dma_wait3A_25 = tpu.memref_slice %arg3[%dma_wait3A_24] : memref<425984xi32, #tpu.memory_space<hbm>> -> memref<416xi32, #tpu.memory_space<hbm>>
    %dma_wait3A_26 = arith.constant 0 : i32
    %dma_wait3A_27 = tpu.memref_slice %arg3[%dma_wait3A_26] : memref<425984xi32, #tpu.memory_space<hbm>> -> memref<416xi32, #tpu.memory_space<hbm>>
    tpu.wait_dma2 semaphore(%arg10 : memref<!tpu.dma_semaphore, #tpu.memory_space<semaphore_mem>>) src(%dma_wait3A_27 : memref<416xi32, #tpu.memory_space<hbm>>) dst(%arg6 : memref<416xi32, #tpu.memory_space<vmem>>)
    %scan3A_28 = arith.constant 0 : i32
    %scan3A_29 = arith.constant 0 : i32
    %scan3A_30 = arith.constant 26 : i32
    %scan3A_31 = arith.addi %scan3A_29, %scan3A_30 : i32
    %scan3A_32 = arith.constant 1 : i32
    scf.for %scan3A_57 = %scan3A_29 to %scan3A_31 step %scan3A_32  : i32 {
      %mul3A_58 = arith.constant 16 : i32
      %mul3A_59 = arith.muli %scan3A_57, %mul3A_58 : i32
      %get3A = arith.index_cast %mul3A_59 : i32 to index
      %get3A_60 = tpu.vector_load %arg6[%get3A] {strides = array<i32>} : memref<416xi32, #tpu.memory_space<vmem>>, vector<16xi32>,
      %get3A_61 = vector.shape_cast %get3A_60 : vector<16xi32> to vector<16xi32>
      %slice3A = vector.extract_strided_slice %get3A_61 {offsets = [0], sizes = [1], strides = [1]} : vector<16xi32> to vector<1xi32>
      %squeeze3A = vector.extract %slice3A[0] : i32 from vector<1xi32>
      %slice3A_62 = vector.extract_strided_slice %get3A_61 {offsets = [1], sizes = [1], strides = [1]} : vector<16xi32> to vector<1xi32>
      %squeeze3A_63 = vector.extract %slice3A_62[0] : i32 from vector<1xi32>
      %slice3A_64 = vector.extract_strided_slice %get3A_61 {offsets = [2], sizes = [1], strides = [1]} : vector<16xi32> to vector<1xi32>
      %squeeze3A_65 = vector.extract %slice3A_64[0] : i32 from vector<1xi32>
      %slice3A_66 = vector.extract_strided_slice %get3A_61 {offsets = [3], sizes = [1], strides = [1]} : vector<16xi32> to vector<1xi32>
      %squeeze3A_67 = vector.extract %slice3A_66[0] : i32 from vector<1xi32>
      %slice3A_68 = vector.extract_strided_slice %get3A_61 {offsets = [4], sizes = [1], strides = [1]} : vector<16xi32> to vector<1xi32>
      %squeeze3A_69 = vector.extract %slice3A_68[0] : i32 from vector<1xi32>
      %slice3A_70 = vector.extract_strided_slice %get3A_61 {offsets = [5], sizes = [1], strides = [1]} : vector<16xi32> to vector<1xi32>
      %squeeze3A_71 = vector.extract %slice3A_70[0] : i32 from vector<1xi32>
      %slice3A_72 = vector.extract_strided_slice %get3A_61 {offsets = [6], sizes = [1], strides = [1]} : vector<16xi32> to vector<1xi32>
      %squeeze3A_73 = vector.extract %slice3A_72[0] : i32 from vector<1xi32>
      %slice3A_74 = vector.extract_strided_slice %get3A_61 {offsets = [7], sizes = [1], strides = [1]} : vector<16xi32> to vector<1xi32>
      %squeeze3A_75 = vector.extract %slice3A_74[0] : i32 from vector<1xi32>
      %slice3A_76 = vector.extract_strided_slice %get3A_61 {offsets = [8], sizes = [1], strides = [1]} : vector<16xi32> to vector<1xi32>
      %squeeze3A_77 = vector.extract %slice3A_76[0] : i32 from vector<1xi32>
      %slice3A_78 = vector.extract_strided_slice %get3A_61 {offsets = [9], sizes = [1], strides = [1]} : vector<16xi32> to vector<1xi32>
      %squeeze3A_79 = vector.extract %slice3A_78[0] : i32 from vector<1xi32>
      %slice3A_80 = vector.extract_strided_slice %get3A_61 {offsets = [10], sizes = [1], strides = [1]} : vector<16xi32> to vector<1xi32>
      %squeeze3A_81 = vector.extract %slice3A_80[0] : i32 from vector<1xi32>
      %slice3A_82 = vector.extract_strided_slice %get3A_61 {offsets = [11], sizes = [1], strides = [1]} : vector<16xi32> to vector<1xi32>
      %squeeze3A_83 = vector.extract %slice3A_82[0] : i32 from vector<1xi32>
      %slice3A_84 = vector.extract_strided_slice %get3A_61 {offsets = [12], sizes = [1], strides = [1]} : vector<16xi32> to vector<1xi32>
      %squeeze3A_85 = vector.extract %slice3A_84[0] : i32 from vector<1xi32>
      %slice3A_86 = vector.extract_strided_slice %get3A_61 {offsets = [13], sizes = [1], strides = [1]} : vector<16xi32> to vector<1xi32>
      %squeeze3A_87 = vector.extract %slice3A_86[0] : i32 from vector<1xi32>
      %slice3A_88 = vector.extract_strided_slice %get3A_61 {offsets = [14], sizes = [1], strides = [1]} : vector<16xi32> to vector<1xi32>
      %squeeze3A_89 = vector.extract %slice3A_88[0] : i32 from vector<1xi32>
      %slice3A_90 = vector.extract_strided_slice %get3A_61 {offsets = [15], sizes = [1], strides = [1]} : vector<16xi32> to vector<1xi32>
      %squeeze3A_91 = vector.extract %slice3A_90[0] : i32 from vector<1xi32>
      %mul3A_92 = arith.constant 16 : i32
      %mul3A_93 = arith.muli %scan3A_57, %mul3A_92 : i32
      %add3A_94 = arith.constant 0 : i32
      %add3A_95 = arith.addi %mul3A_93, %add3A_94 : i32
      %dma_start3A_96 = arith.constant 0 : i32
      %dma_start3A_97 = arith.constant 0 : i32
      %dma_start3A_98 = tpu.memref_slice %arg8[%add3A_95, %dma_start3A_97] : memref<416x64xf32, #tpu.memory_space<vmem>> -> memref<1x64xf32, #tpu.memory_space<vmem>>
      %dma_start3A_99 = arith.constant 0 : i32
      %dma_start3A_100 = tpu.memref_slice %arg2[%dma_start3A_96, %squeeze3A, %dma_start3A_99] : memref<1x1000000x64xf32, #tpu.memory_space<hbm>> -> memref<1x1x64xf32, #tpu.memory_space<hbm>>
      %dma_start3A_101 = tpu.memref_squeeze %dma_start3A_100 : memref<1x1x64xf32, #tpu.memory_space<hbm>> -> memref<1x64xf32, #tpu.memory_space<hbm>>
      %dma_start3A_102 = arith.constant 0 : i32
      %dma_start3A_103 = tpu.memref_slice %arg8[%add3A_95, %dma_start3A_102] : memref<416x64xf32, #tpu.memory_space<vmem>> -> memref<1x64xf32, #tpu.memory_space<vmem>>
      %dma_start3A_104 = arith.constant 0 : i32
      %dma_start3A_105 = tpu.memref_slice %arg2[%dma_start3A_96, %squeeze3A, %dma_start3A_104] : memref<1x1000000x64xf32, #tpu.memory_space<hbm>> -> memref<1x1x64xf32, #tpu.memory_space<hbm>>
      %dma_start3A_106 = tpu.memref_squeeze %dma_start3A_105 : memref<1x1x64xf32, #tpu.memory_space<hbm>> -> memref<1x64xf32, #tpu.memory_space<hbm>>
      tpu.enqueue_dma source(%dma_start3A_106 : memref<1x64xf32, #tpu.memory_space<hbm>>) target(%dma_start3A_103 : memref<1x64xf32, #tpu.memory_space<vmem>>) target_semaphore(%arg12 : memref<!tpu.dma_semaphore, #tpu.memory_space<semaphore_mem>>)
      %mul3A_107 = arith.constant 16 : i32
      %mul3A_108 = arith.muli %scan3A_57, %mul3A_107 : i32
      %add3A_109 = arith.constant 1 : i32
      %add3A_110 = arith.addi %mul3A_108, %add3A_109 : i32
      %dma_start3A_111 = arith.constant 0 : i32
      %dma_start3A_112 = arith.constant 0 : i32
      %dma_start3A_113 = tpu.memref_slice %arg8[%add3A_110, %dma_start3A_112] : memref<416x64xf32, #tpu.memory_space<vmem>> -> memref<1x64xf32, #tpu.memory_space<vmem>>
      %dma_start3A_114 = arith.constant 0 : i32
      %dma_start3A_115 = tpu.memref_slice %arg2[%dma_start3A_111, %squeeze3A_63, %dma_start3A_114] : memref<1x1000000x64xf32, #tpu.memory_space<hbm>> -> memref<1x1x64xf32, #tpu.memory_space<hbm>>
      %dma_start3A_116 = tpu.memref_squeeze %dma_start3A_115 : memref<1x1x64xf32, #tpu.memory_space<hbm>> -> memref<1x64xf32, #tpu.memory_space<hbm>>
      %dma_start3A_117 = arith.constant 0 : i32
      %dma_start3A_118 = tpu.memref_slice %arg8[%add3A_110, %dma_start3A_117] : memref<416x64xf32, #tpu.memory_space<vmem>> -> memref<1x64xf32, #tpu.memory_space<vmem>>
      %dma_start3A_119 = arith.constant 0 : i32
      %dma_start3A_120 = tpu.memref_slice %arg2[%dma_start3A_111, %squeeze3A_63, %dma_start3A_119] : memref<1x1000000x64xf32, #tpu.memory_space<hbm>> -> memref<1x1x64xf32, #tpu.memory_space<hbm>>
      %dma_start3A_121 = tpu.memref_squeeze %dma_start3A_120 : memref<1x1x64xf32, #tpu.memory_space<hbm>> -> memref<1x64xf32, #tpu.memory_space<hbm>>
      tpu.enqueue_dma source(%dma_start3A_121 : memref<1x64xf32, #tpu.memory_space<hbm>>) target(%dma_start3A_118 : memref<1x64xf32, #tpu.memory_space<vmem>>) target_semaphore(%arg12 : memref<!tpu.dma_semaphore, #tpu.memory_space<semaphore_mem>>)
      %mul3A_122 = arith.constant 16 : i32
      %mul3A_123 = arith.muli %scan3A_57, %mul3A_122 : i32
      %add3A_124 = arith.constant 2 : i32
      %add3A_125 = arith.addi %mul3A_123, %add3A_124 : i32
      %dma_start3A_126 = arith.constant 0 : i32
      %dma_start3A_127 = arith.constant 0 : i32
      %dma_start3A_128 = tpu.memref_slice %arg8[%add3A_125, %dma_start3A_127] : memref<416x64xf32, #tpu.memory_space<vmem>> -> memref<1x64xf32, #tpu.memory_space<vmem>>
      %dma_start3A_129 = arith.constant 0 : i32
      %dma_start3A_130 = tpu.memref_slice %arg2[%dma_start3A_126, %squeeze3A_65, %dma_start3A_129] : memref<1x1000000x64xf32, #tpu.memory_space<hbm>> -> memref<1x1x64xf32, #tpu.memory_space<hbm>>
      %dma_start3A_131 = tpu.memref_squeeze %dma_start3A_130 : memref<1x1x64xf32, #tpu.memory_space<hbm>> -> memref<1x64xf32, #tpu.memory_space<hbm>>
      %dma_start3A_132 = arith.constant 0 : i32
      %dma_start3A_133 = tpu.memref_slice %arg8[%add3A_125, %dma_start3A_132] : memref<416x64xf32, #tpu.memory_space<vmem>> -> memref<1x64xf32, #tpu.memory_space<vmem>>
      %dma_start3A_134 = arith.constant 0 : i32
      %dma_start3A_135 = tpu.memref_slice %arg2[%dma_start3A_126, %squeeze3A_65, %dma_start3A_134] : memref<1x1000000x64xf32, #tpu.memory_space<hbm>> -> memref<1x1x64xf32, #tpu.memory_space<hbm>>
      %dma_start3A_136 = tpu.memref_squeeze %dma_start3A_135 : memref<1x1x64xf32, #tpu.memory_space<hbm>> -> memref<1x64xf32, #tpu.memory_space<hbm>>
      tpu.enqueue_dma source(%dma_start3A_136 : memref<1x64xf32, #tpu.memory_space<hbm>>) target(%dma_start3A_133 : memref<1x64xf32, #tpu.memory_space<vmem>>) target_semaphore(%arg12 : memref<!tpu.dma_semaphore, #tpu.memory_space<semaphore_mem>>)
      %mul3A_137 = arith.constant 16 : i32
      %mul3A_138 = arith.muli %scan3A_57, %mul3A_137 : i32
      %add3A_139 = arith.constant 3 : i32
      %add3A_140 = arith.addi %mul3A_138, %add3A_139 : i32
      %dma_start3A_141 = arith.constant 0 : i32
      %dma_start3A_142 = arith.constant 0 : i32
      %dma_start3A_143 = tpu.memref_slice %arg8[%add3A_140, %dma_start3A_142] : memref<416x64xf32, #tpu.memory_space<vmem>> -> memref<1x64xf32, #tpu.memory_space<vmem>>
      %dma_start3A_144 = arith.constant 0 : i32
      %dma_start3A_145 = tpu.memref_slice %arg2[%dma_start3A_141, %squeeze3A_67, %dma_start3A_144] : memref<1x1000000x64xf32, #tpu.memory_space<hbm>> -> memref<1x1x64xf32, #tpu.memory_space<hbm>>
      %dma_start3A_146 = tpu.memref_squeeze %dma_start3A_145 : memref<1x1x64xf32, #tpu.memory_space<hbm>> -> memref<1x64xf32, #tpu.memory_space<hbm>>
      %dma_start3A_147 = arith.constant 0 : i32
      %dma_start3A_148 = tpu.memref_slice %arg8[%add3A_140, %dma_start3A_147] : memref<416x64xf32, #tpu.memory_space<vmem>> -> memref<1x64xf32, #tpu.memory_space<vmem>>
      %dma_start3A_149 = arith.constant 0 : i32
      %dma_start3A_150 = tpu.memref_slice %arg2[%dma_start3A_141, %squeeze3A_67, %dma_start3A_149] : memref<1x1000000x64xf32, #tpu.memory_space<hbm>> -> memref<1x1x64xf32, #tpu.memory_space<hbm>>
      %dma_start3A_151 = tpu.memref_squeeze %dma_start3A_150 : memref<1x1x64xf32, #tpu.memory_space<hbm>> -> memref<1x64xf32, #tpu.memory_space<hbm>>
      tpu.enqueue_dma source(%dma_start3A_151 : memref<1x64xf32, #tpu.memory_space<hbm>>) target(%dma_start3A_148 : memref<1x64xf32, #tpu.memory_space<vmem>>) target_semaphore(%arg12 : memref<!tpu.dma_semaphore, #tpu.memory_space<semaphore_mem>>)
      %mul3A_152 = arith.constant 16 : i32
      %mul3A_153 = arith.muli %scan3A_57, %mul3A_152 : i32
      %add3A_154 = arith.constant 4 : i32
      %add3A_155 = arith.addi %mul3A_153, %add3A_154 : i32
      %dma_start3A_156 = arith.constant 0 : i32
      %dma_start3A_157 = arith.constant 0 : i32
      %dma_start3A_158 = tpu.memref_slice %arg8[%add3A_155, %dma_start3A_157] : memref<416x64xf32, #tpu.memory_space<vmem>> -> memref<1x64xf32, #tpu.memory_space<vmem>>
      %dma_start3A_159 = arith.constant 0 : i32
      %dma_start3A_160 = tpu.memref_slice %arg2[%dma_start3A_156, %squeeze3A_69, %dma_start3A_159] : memref<1x1000000x64xf32, #tpu.memory_space<hbm>> -> memref<1x1x64xf32, #tpu.memory_space<hbm>>
      %dma_start3A_161 = tpu.memref_squeeze %dma_start3A_160 : memref<1x1x64xf32, #tpu.memory_space<hbm>> -> memref<1x64xf32, #tpu.memory_space<hbm>>
      %dma_start3A_162 = arith.constant 0 : i32
      %dma_start3A_163 = tpu.memref_slice %arg8[%add3A_155, %dma_start3A_162] : memref<416x64xf32, #tpu.memory_space<vmem>> -> memref<1x64xf32, #tpu.memory_space<vmem>>
      %dma_start3A_164 = arith.constant 0 : i32
      %dma_start3A_165 = tpu.memref_slice %arg2[%dma_start3A_156, %squeeze3A_69, %dma_start3A_164] : memref<1x1000000x64xf32, #tpu.memory_space<hbm>> -> memref<1x1x64xf32, #tpu.memory_space<hbm>>
      %dma_start3A_166 = tpu.memref_squeeze %dma_start3A_165 : memref<1x1x64xf32, #tpu.memory_space<hbm>> -> memref<1x64xf32, #tpu.memory_space<hbm>>
      tpu.enqueue_dma source(%dma_start3A_166 : memref<1x64xf32, #tpu.memory_space<hbm>>) target(%dma_start3A_163 : memref<1x64xf32, #tpu.memory_space<vmem>>) target_semaphore(%arg12 : memref<!tpu.dma_semaphore, #tpu.memory_space<semaphore_mem>>)
      %mul3A_167 = arith.constant 16 : i32
      %mul3A_168 = arith.muli %scan3A_57, %mul3A_167 : i32
      %add3A_169 = arith.constant 5 : i32
      %add3A_170 = arith.addi %mul3A_168, %add3A_169 : i32
      %dma_start3A_171 = arith.constant 0 : i32
      %dma_start3A_172 = arith.constant 0 : i32
      %dma_start3A_173 = tpu.memref_slice %arg8[%add3A_170, %dma_start3A_172] : memref<416x64xf32, #tpu.memory_space<vmem>> -> memref<1x64xf32, #tpu.memory_space<vmem>>
      %dma_start3A_174 = arith.constant 0 : i32
      %dma_start3A_175 = tpu.memref_slice %arg2[%dma_start3A_171, %squeeze3A_71, %dma_start3A_174] : memref<1x1000000x64xf32, #tpu.memory_space<hbm>> -> memref<1x1x64xf32, #tpu.memory_space<hbm>>
      %dma_start3A_176 = tpu.memref_squeeze %dma_start3A_175 : memref<1x1x64xf32, #tpu.memory_space<hbm>> -> memref<1x64xf32, #tpu.memory_space<hbm>>
      %dma_start3A_177 = arith.constant 0 : i32
      %dma_start3A_178 = tpu.memref_slice %arg8[%add3A_170, %dma_start3A_177] : memref<416x64xf32, #tpu.memory_space<vmem>> -> memref<1x64xf32, #tpu.memory_space<vmem>>
      %dma_start3A_179 = arith.constant 0 : i32
      %dma_start3A_180 = tpu.memref_slice %arg2[%dma_start3A_171, %squeeze3A_71, %dma_start3A_179] : memref<1x1000000x64xf32, #tpu.memory_space<hbm>> -> memref<1x1x64xf32, #tpu.memory_space<hbm>>
      %dma_start3A_181 = tpu.memref_squeeze %dma_start3A_180 : memref<1x1x64xf32, #tpu.memory_space<hbm>> -> memref<1x64xf32, #tpu.memory_space<hbm>>
      tpu.enqueue_dma source(%dma_start3A_181 : memref<1x64xf32, #tpu.memory_space<hbm>>) target(%dma_start3A_178 : memref<1x64xf32, #tpu.memory_space<vmem>>) target_semaphore(%arg12 : memref<!tpu.dma_semaphore, #tpu.memory_space<semaphore_mem>>)
      %mul3A_182 = arith.constant 16 : i32
      %mul3A_183 = arith.muli %scan3A_57, %mul3A_182 : i32
      %add3A_184 = arith.constant 6 : i32
      %add3A_185 = arith.addi %mul3A_183, %add3A_184 : i32
      %dma_start3A_186 = arith.constant 0 : i32
      %dma_start3A_187 = arith.constant 0 : i32
      %dma_start3A_188 = tpu.memref_slice %arg8[%add3A_185, %dma_start3A_187] : memref<416x64xf32, #tpu.memory_space<vmem>> -> memref<1x64xf32, #tpu.memory_space<vmem>>
      %dma_start3A_189 = arith.constant 0 : i32
      %dma_start3A_190 = tpu.memref_slice %arg2[%dma_start3A_186, %squeeze3A_73, %dma_start3A_189] : memref<1x1000000x64xf32, #tpu.memory_space<hbm>> -> memref<1x1x64xf32, #tpu.memory_space<hbm>>
      %dma_start3A_191 = tpu.memref_squeeze %dma_start3A_190 : memref<1x1x64xf32, #tpu.memory_space<hbm>> -> memref<1x64xf32, #tpu.memory_space<hbm>>
      %dma_start3A_192 = arith.constant 0 : i32
      %dma_start3A_193 = tpu.memref_slice %arg8[%add3A_185, %dma_start3A_192] : memref<416x64xf32, #tpu.memory_space<vmem>> -> memref<1x64xf32, #tpu.memory_space<vmem>>
      %dma_start3A_194 = arith.constant 0 : i32
      %dma_start3A_195 = tpu.memref_slice %arg2[%dma_start3A_186, %squeeze3A_73, %dma_start3A_194] : memref<1x1000000x64xf32, #tpu.memory_space<hbm>> -> memref<1x1x64xf32, #tpu.memory_space<hbm>>
      %dma_start3A_196 = tpu.memref_squeeze %dma_start3A_195 : memref<1x1x64xf32, #tpu.memory_space<hbm>> -> memref<1x64xf32, #tpu.memory_space<hbm>>
      tpu.enqueue_dma source(%dma_start3A_196 : memref<1x64xf32, #tpu.memory_space<hbm>>) target(%dma_start3A_193 : memref<1x64xf32, #tpu.memory_space<vmem>>) target_semaphore(%arg12 : memref<!tpu.dma_semaphore, #tpu.memory_space<semaphore_mem>>)
      %mul3A_197 = arith.constant 16 : i32
      %mul3A_198 = arith.muli %scan3A_57, %mul3A_197 : i32
      %add3A_199 = arith.constant 7 : i32
      %add3A_200 = arith.addi %mul3A_198, %add3A_199 : i32
      %dma_start3A_201 = arith.constant 0 : i32
      %dma_start3A_202 = arith.constant 0 : i32
      %dma_start3A_203 = tpu.memref_slice %arg8[%add3A_200, %dma_start3A_202] : memref<416x64xf32, #tpu.memory_space<vmem>> -> memref<1x64xf32, #tpu.memory_space<vmem>>
      %dma_start3A_204 = arith.constant 0 : i32
      %dma_start3A_205 = tpu.memref_slice %arg2[%dma_start3A_201, %squeeze3A_75, %dma_start3A_204] : memref<1x1000000x64xf32, #tpu.memory_space<hbm>> -> memref<1x1x64xf32, #tpu.memory_space<hbm>>
      %dma_start3A_206 = tpu.memref_squeeze %dma_start3A_205 : memref<1x1x64xf32, #tpu.memory_space<hbm>> -> memref<1x64xf32, #tpu.memory_space<hbm>>
      %dma_start3A_207 = arith.constant 0 : i32
      %dma_start3A_208 = tpu.memref_slice %arg8[%add3A_200, %dma_start3A_207] : memref<416x64xf32, #tpu.memory_space<vmem>> -> memref<1x64xf32, #tpu.memory_space<vmem>>
      %dma_start3A_209 = arith.constant 0 : i32
      %dma_start3A_210 = tpu.memref_slice %arg2[%dma_start3A_201, %squeeze3A_75, %dma_start3A_209] : memref<1x1000000x64xf32, #tpu.memory_space<hbm>> -> memref<1x1x64xf32, #tpu.memory_space<hbm>>
      %dma_start3A_211 = tpu.memref_squeeze %dma_start3A_210 : memref<1x1x64xf32, #tpu.memory_space<hbm>> -> memref<1x64xf32, #tpu.memory_space<hbm>>
      tpu.enqueue_dma source(%dma_start3A_211 : memref<1x64xf32, #tpu.memory_space<hbm>>) target(%dma_start3A_208 : memref<1x64xf32, #tpu.memory_space<vmem>>) target_semaphore(%arg12 : memref<!tpu.dma_semaphore, #tpu.memory_space<semaphore_mem>>)
      %mul3A_212 = arith.constant 16 : i32
      %mul3A_213 = arith.muli %scan3A_57, %mul3A_212 : i32
      %add3A_214 = arith.constant 8 : i32
      %add3A_215 = arith.addi %mul3A_213, %add3A_214 : i32
      %dma_start3A_216 = arith.constant 0 : i32
      %dma_start3A_217 = arith.constant 0 : i32
      %dma_start3A_218 = tpu.memref_slice %arg8[%add3A_215, %dma_start3A_217] : memref<416x64xf32, #tpu.memory_space<vmem>> -> memref<1x64xf32, #tpu.memory_space<vmem>>
      %dma_start3A_219 = arith.constant 0 : i32
      %dma_start3A_220 = tpu.memref_slice %arg2[%dma_start3A_216, %squeeze3A_77, %dma_start3A_219] : memref<1x1000000x64xf32, #tpu.memory_space<hbm>> -> memref<1x1x64xf32, #tpu.memory_space<hbm>>
      %dma_start3A_221 = tpu.memref_squeeze %dma_start3A_220 : memref<1x1x64xf32, #tpu.memory_space<hbm>> -> memref<1x64xf32, #tpu.memory_space<hbm>>
      %dma_start3A_222 = arith.constant 0 : i32
      %dma_start3A_223 = tpu.memref_slice %arg8[%add3A_215, %dma_start3A_222] : memref<416x64xf32, #tpu.memory_space<vmem>> -> memref<1x64xf32, #tpu.memory_space<vmem>>
      %dma_start3A_224 = arith.constant 0 : i32
      %dma_start3A_225 = tpu.memref_slice %arg2[%dma_start3A_216, %squeeze3A_77, %dma_start3A_224] : memref<1x1000000x64xf32, #tpu.memory_space<hbm>> -> memref<1x1x64xf32, #tpu.memory_space<hbm>>
      %dma_start3A_226 = tpu.memref_squeeze %dma_start3A_225 : memref<1x1x64xf32, #tpu.memory_space<hbm>> -> memref<1x64xf32, #tpu.memory_space<hbm>>
      tpu.enqueue_dma source(%dma_start3A_226 : memref<1x64xf32, #tpu.memory_space<hbm>>) target(%dma_start3A_223 : memref<1x64xf32, #tpu.memory_space<vmem>>) target_semaphore(%arg12 : memref<!tpu.dma_semaphore, #tpu.memory_space<semaphore_mem>>)
      %mul3A_227 = arith.constant 16 : i32
      %mul3A_228 = arith.muli %scan3A_57, %mul3A_227 : i32
      %add3A_229 = arith.constant 9 : i32
      %add3A_230 = arith.addi %mul3A_228, %add3A_229 : i32
      %dma_start3A_231 = arith.constant 0 : i32
      %dma_start3A_232 = arith.constant 0 : i32
      %dma_start3A_233 = tpu.memref_slice %arg8[%add3A_230, %dma_start3A_232] : memref<416x64xf32, #tpu.memory_space<vmem>> -> memref<1x64xf32, #tpu.memory_space<vmem>>
      %dma_start3A_234 = arith.constant 0 : i32
      %dma_start3A_235 = tpu.memref_slice %arg2[%dma_start3A_231, %squeeze3A_79, %dma_start3A_234] : memref<1x1000000x64xf32, #tpu.memory_space<hbm>> -> memref<1x1x64xf32, #tpu.memory_space<hbm>>
      %dma_start3A_236 = tpu.memref_squeeze %dma_start3A_235 : memref<1x1x64xf32, #tpu.memory_space<hbm>> -> memref<1x64xf32, #tpu.memory_space<hbm>>
      %dma_start3A_237 = arith.constant 0 : i32
      %dma_start3A_238 = tpu.memref_slice %arg8[%add3A_230, %dma_start3A_237] : memref<416x64xf32, #tpu.memory_space<vmem>> -> memref<1x64xf32, #tpu.memory_space<vmem>>
      %dma_start3A_239 = arith.constant 0 : i32
      %dma_start3A_240 = tpu.memref_slice %arg2[%dma_start3A_231, %squeeze3A_79, %dma_start3A_239] : memref<1x1000000x64xf32, #tpu.memory_space<hbm>> -> memref<1x1x64xf32, #tpu.memory_space<hbm>>
      %dma_start3A_241 = tpu.memref_squeeze %dma_start3A_240 : memref<1x1x64xf32, #tpu.memory_space<hbm>> -> memref<1x64xf32, #tpu.memory_space<hbm>>
      tpu.enqueue_dma source(%dma_start3A_241 : memref<1x64xf32, #tpu.memory_space<hbm>>) target(%dma_start3A_238 : memref<1x64xf32, #tpu.memory_space<vmem>>) target_semaphore(%arg12 : memref<!tpu.dma_semaphore, #tpu.memory_space<semaphore_mem>>)
      %mul3A_242 = arith.constant 16 : i32
      %mul3A_243 = arith.muli %scan3A_57, %mul3A_242 : i32
      %add3A_244 = arith.constant 10 : i32
      %add3A_245 = arith.addi %mul3A_243, %add3A_244 : i32
      %dma_start3A_246 = arith.constant 0 : i32
      %dma_start3A_247 = arith.constant 0 : i32
      %dma_start3A_248 = tpu.memref_slice %arg8[%add3A_245, %dma_start3A_247] : memref<416x64xf32, #tpu.memory_space<vmem>> -> memref<1x64xf32, #tpu.memory_space<vmem>>
      %dma_start3A_249 = arith.constant 0 : i32
      %dma_start3A_250 = tpu.memref_slice %arg2[%dma_start3A_246, %squeeze3A_81, %dma_start3A_249] : memref<1x1000000x64xf32, #tpu.memory_space<hbm>> -> memref<1x1x64xf32, #tpu.memory_space<hbm>>
      %dma_start3A_251 = tpu.memref_squeeze %dma_start3A_250 : memref<1x1x64xf32, #tpu.memory_space<hbm>> -> memref<1x64xf32, #tpu.memory_space<hbm>>
      %dma_start3A_252 = arith.constant 0 : i32
      %dma_start3A_253 = tpu.memref_slice %arg8[%add3A_245, %dma_start3A_252] : memref<416x64xf32, #tpu.memory_space<vmem>> -> memref<1x64xf32, #tpu.memory_space<vmem>>
      %dma_start3A_254 = arith.constant 0 : i32
      %dma_start3A_255 = tpu.memref_slice %arg2[%dma_start3A_246, %squeeze3A_81, %dma_start3A_254] : memref<1x1000000x64xf32, #tpu.memory_space<hbm>> -> memref<1x1x64xf32, #tpu.memory_space<hbm>>
      %dma_start3A_256 = tpu.memref_squeeze %dma_start3A_255 : memref<1x1x64xf32, #tpu.memory_space<hbm>> -> memref<1x64xf32, #tpu.memory_space<hbm>>
      tpu.enqueue_dma source(%dma_start3A_256 : memref<1x64xf32, #tpu.memory_space<hbm>>) target(%dma_start3A_253 : memref<1x64xf32, #tpu.memory_space<vmem>>) target_semaphore(%arg12 : memref<!tpu.dma_semaphore, #tpu.memory_space<semaphore_mem>>)
      %mul3A_257 = arith.constant 16 : i32
      %mul3A_258 = arith.muli %scan3A_57, %mul3A_257 : i32
      %add3A_259 = arith.constant 11 : i32
      %add3A_260 = arith.addi %mul3A_258, %add3A_259 : i32
      %dma_start3A_261 = arith.constant 0 : i32
      %dma_start3A_262 = arith.constant 0 : i32
      %dma_start3A_263 = tpu.memref_slice %arg8[%add3A_260, %dma_start3A_262] : memref<416x64xf32, #tpu.memory_space<vmem>> -> memref<1x64xf32, #tpu.memory_space<vmem>>
      %dma_start3A_264 = arith.constant 0 : i32
      %dma_start3A_265 = tpu.memref_slice %arg2[%dma_start3A_261, %squeeze3A_83, %dma_start3A_264] : memref<1x1000000x64xf32, #tpu.memory_space<hbm>> -> memref<1x1x64xf32, #tpu.memory_space<hbm>>
      %dma_start3A_266 = tpu.memref_squeeze %dma_start3A_265 : memref<1x1x64xf32, #tpu.memory_space<hbm>> -> memref<1x64xf32, #tpu.memory_space<hbm>>
      %dma_start3A_267 = arith.constant 0 : i32
      %dma_start3A_268 = tpu.memref_slice %arg8[%add3A_260, %dma_start3A_267] : memref<416x64xf32, #tpu.memory_space<vmem>> -> memref<1x64xf32, #tpu.memory_space<vmem>>
      %dma_start3A_269 = arith.constant 0 : i32
      %dma_start3A_270 = tpu.memref_slice %arg2[%dma_start3A_261, %squeeze3A_83, %dma_start3A_269] : memref<1x1000000x64xf32, #tpu.memory_space<hbm>> -> memref<1x1x64xf32, #tpu.memory_space<hbm>>
      %dma_start3A_271 = tpu.memref_squeeze %dma_start3A_270 : memref<1x1x64xf32, #tpu.memory_space<hbm>> -> memref<1x64xf32, #tpu.memory_space<hbm>>
      tpu.enqueue_dma source(%dma_start3A_271 : memref<1x64xf32, #tpu.memory_space<hbm>>) target(%dma_start3A_268 : memref<1x64xf32, #tpu.memory_space<vmem>>) target_semaphore(%arg12 : memref<!tpu.dma_semaphore, #tpu.memory_space<semaphore_mem>>)
      %mul3A_272 = arith.constant 16 : i32
      %mul3A_273 = arith.muli %scan3A_57, %mul3A_272 : i32
      %add3A_274 = arith.constant 12 : i32
      %add3A_275 = arith.addi %mul3A_273, %add3A_274 : i32
      %dma_start3A_276 = arith.constant 0 : i32
      %dma_start3A_277 = arith.constant 0 : i32
      %dma_start3A_278 = tpu.memref_slice %arg8[%add3A_275, %dma_start3A_277] : memref<416x64xf32, #tpu.memory_space<vmem>> -> memref<1x64xf32, #tpu.memory_space<vmem>>
      %dma_start3A_279 = arith.constant 0 : i32
      %dma_start3A_280 = tpu.memref_slice %arg2[%dma_start3A_276, %squeeze3A_85, %dma_start3A_279] : memref<1x1000000x64xf32, #tpu.memory_space<hbm>> -> memref<1x1x64xf32, #tpu.memory_space<hbm>>
      %dma_start3A_281 = tpu.memref_squeeze %dma_start3A_280 : memref<1x1x64xf32, #tpu.memory_space<hbm>> -> memref<1x64xf32, #tpu.memory_space<hbm>>
      %dma_start3A_282 = arith.constant 0 : i32
      %dma_start3A_283 = tpu.memref_slice %arg8[%add3A_275, %dma_start3A_282] : memref<416x64xf32, #tpu.memory_space<vmem>> -> memref<1x64xf32, #tpu.memory_space<vmem>>
      %dma_start3A_284 = arith.constant 0 : i32
      %dma_start3A_285 = tpu.memref_slice %arg2[%dma_start3A_276, %squeeze3A_85, %dma_start3A_284] : memref<1x1000000x64xf32, #tpu.memory_space<hbm>> -> memref<1x1x64xf32, #tpu.memory_space<hbm>>
      %dma_start3A_286 = tpu.memref_squeeze %dma_start3A_285 : memref<1x1x64xf32, #tpu.memory_space<hbm>> -> memref<1x64xf32, #tpu.memory_space<hbm>>
      tpu.enqueue_dma source(%dma_start3A_286 : memref<1x64xf32, #tpu.memory_space<hbm>>) target(%dma_start3A_283 : memref<1x64xf32, #tpu.memory_space<vmem>>) target_semaphore(%arg12 : memref<!tpu.dma_semaphore, #tpu.memory_space<semaphore_mem>>)
      %mul3A_287 = arith.constant 16 : i32
      %mul3A_288 = arith.muli %scan3A_57, %mul3A_287 : i32
      %add3A_289 = arith.constant 13 : i32
      %add3A_290 = arith.addi %mul3A_288, %add3A_289 : i32
      %dma_start3A_291 = arith.constant 0 : i32
      %dma_start3A_292 = arith.constant 0 : i32
      %dma_start3A_293 = tpu.memref_slice %arg8[%add3A_290, %dma_start3A_292] : memref<416x64xf32, #tpu.memory_space<vmem>> -> memref<1x64xf32, #tpu.memory_space<vmem>>
      %dma_start3A_294 = arith.constant 0 : i32
      %dma_start3A_295 = tpu.memref_slice %arg2[%dma_start3A_291, %squeeze3A_87, %dma_start3A_294] : memref<1x1000000x64xf32, #tpu.memory_space<hbm>> -> memref<1x1x64xf32, #tpu.memory_space<hbm>>
      %dma_start3A_296 = tpu.memref_squeeze %dma_start3A_295 : memref<1x1x64xf32, #tpu.memory_space<hbm>> -> memref<1x64xf32, #tpu.memory_space<hbm>>
      %dma_start3A_297 = arith.constant 0 : i32
      %dma_start3A_298 = tpu.memref_slice %arg8[%add3A_290, %dma_start3A_297] : memref<416x64xf32, #tpu.memory_space<vmem>> -> memref<1x64xf32, #tpu.memory_space<vmem>>
      %dma_start3A_299 = arith.constant 0 : i32
      %dma_start3A_300 = tpu.memref_slice %arg2[%dma_start3A_291, %squeeze3A_87, %dma_start3A_299] : memref<1x1000000x64xf32, #tpu.memory_space<hbm>> -> memref<1x1x64xf32, #tpu.memory_space<hbm>>
      %dma_start3A_301 = tpu.memref_squeeze %dma_start3A_300 : memref<1x1x64xf32, #tpu.memory_space<hbm>> -> memref<1x64xf32, #tpu.memory_space<hbm>>
      tpu.enqueue_dma source(%dma_start3A_301 : memref<1x64xf32, #tpu.memory_space<hbm>>) target(%dma_start3A_298 : memref<1x64xf32, #tpu.memory_space<vmem>>) target_semaphore(%arg12 : memref<!tpu.dma_semaphore, #tpu.memory_space<semaphore_mem>>)
      %mul3A_302 = arith.constant 16 : i32
      %mul3A_303 = arith.muli %scan3A_57, %mul3A_302 : i32
      %add3A_304 = arith.constant 14 : i32
      %add3A_305 = arith.addi %mul3A_303, %add3A_304 : i32
      %dma_start3A_306 = arith.constant 0 : i32
      %dma_start3A_307 = arith.constant 0 : i32
      %dma_start3A_308 = tpu.memref_slice %arg8[%add3A_305, %dma_start3A_307] : memref<416x64xf32, #tpu.memory_space<vmem>> -> memref<1x64xf32, #tpu.memory_space<vmem>>
      %dma_start3A_309 = arith.constant 0 : i32
      %dma_start3A_310 = tpu.memref_slice %arg2[%dma_start3A_306, %squeeze3A_89, %dma_start3A_309] : memref<1x1000000x64xf32, #tpu.memory_space<hbm>> -> memref<1x1x64xf32, #tpu.memory_space<hbm>>
      %dma_start3A_311 = tpu.memref_squeeze %dma_start3A_310 : memref<1x1x64xf32, #tpu.memory_space<hbm>> -> memref<1x64xf32, #tpu.memory_space<hbm>>
      %dma_start3A_312 = arith.constant 0 : i32
      %dma_start3A_313 = tpu.memref_slice %arg8[%add3A_305, %dma_start3A_312] : memref<416x64xf32, #tpu.memory_space<vmem>> -> memref<1x64xf32, #tpu.memory_space<vmem>>
      %dma_start3A_314 = arith.constant 0 : i32
      %dma_start3A_315 = tpu.memref_slice %arg2[%dma_start3A_306, %squeeze3A_89, %dma_start3A_314] : memref<1x1000000x64xf32, #tpu.memory_space<hbm>> -> memref<1x1x64xf32, #tpu.memory_space<hbm>>
      %dma_start3A_316 = tpu.memref_squeeze %dma_start3A_315 : memref<1x1x64xf32, #tpu.memory_space<hbm>> -> memref<1x64xf32, #tpu.memory_space<hbm>>
      tpu.enqueue_dma source(%dma_start3A_316 : memref<1x64xf32, #tpu.memory_space<hbm>>) target(%dma_start3A_313 : memref<1x64xf32, #tpu.memory_space<vmem>>) target_semaphore(%arg12 : memref<!tpu.dma_semaphore, #tpu.memory_space<semaphore_mem>>)
      %mul3A_317 = arith.constant 16 : i32
      %mul3A_318 = arith.muli %scan3A_57, %mul3A_317 : i32
      %add3A_319 = arith.constant 15 : i32
      %add3A_320 = arith.addi %mul3A_318, %add3A_319 : i32
      %dma_start3A_321 = arith.constant 0 : i32
      %dma_start3A_322 = arith.constant 0 : i32
      %dma_start3A_323 = tpu.memref_slice %arg8[%add3A_320, %dma_start3A_322] : memref<416x64xf32, #tpu.memory_space<vmem>> -> memref<1x64xf32, #tpu.memory_space<vmem>>
      %dma_start3A_324 = arith.constant 0 : i32
      %dma_start3A_325 = tpu.memref_slice %arg2[%dma_start3A_321, %squeeze3A_91, %dma_start3A_324] : memref<1x1000000x64xf32, #tpu.memory_space<hbm>> -> memref<1x1x64xf32, #tpu.memory_space<hbm>>
      %dma_start3A_326 = tpu.memref_squeeze %dma_start3A_325 : memref<1x1x64xf32, #tpu.memory_space<hbm>> -> memref<1x64xf32, #tpu.memory_space<hbm>>
      %dma_start3A_327 = arith.constant 0 : i32
      %dma_start3A_328 = tpu.memref_slice %arg8[%add3A_320, %dma_start3A_327] : memref<416x64xf32, #tpu.memory_space<vmem>> -> memref<1x64xf32, #tpu.memory_space<vmem>>
      %dma_start3A_329 = arith.constant 0 : i32
      %dma_start3A_330 = tpu.memref_slice %arg2[%dma_start3A_321, %squeeze3A_91, %dma_start3A_329] : memref<1x1000000x64xf32, #tpu.memory_space<hbm>> -> memref<1x1x64xf32, #tpu.memory_space<hbm>>
      %dma_start3A_331 = tpu.memref_squeeze %dma_start3A_330 : memref<1x1x64xf32, #tpu.memory_space<hbm>> -> memref<1x64xf32, #tpu.memory_space<hbm>>
      tpu.enqueue_dma source(%dma_start3A_331 : memref<1x64xf32, #tpu.memory_space<hbm>>) target(%dma_start3A_328 : memref<1x64xf32, #tpu.memory_space<vmem>>) target_semaphore(%arg12 : memref<!tpu.dma_semaphore, #tpu.memory_space<semaphore_mem>>)
    }
    %scan3A_33 = arith.constant 26 : i32
    %dma_wait3A_34 = arith.constant 0 : i32
    %dma_wait3A_35 = arith.constant 0 : i32
    %dma_wait3A_36 = arith.constant 0 : i32
    %dma_wait3A_37 = tpu.memref_slice %arg2[%dma_wait3A_34, %dma_wait3A_35, %dma_wait3A_36] : memref<1x1000000x64xf32, #tpu.memory_space<hbm>> -> memref<1x416x64xf32, #tpu.memory_space<hbm>>
    %dma_wait3A_38 = tpu.memref_squeeze %dma_wait3A_37 : memref<1x416x64xf32, #tpu.memory_space<hbm>> -> memref<416x64xf32, #tpu.memory_space<hbm>>
    %dma_wait3A_39 = arith.constant 0 : i32
    %dma_wait3A_40 = arith.constant 0 : i32
    %dma_wait3A_41 = tpu.memref_slice %arg2[%dma_wait3A_34, %dma_wait3A_39, %dma_wait3A_40] : memref<1x1000000x64xf32, #tpu.memory_space<hbm>> -> memref<1x416x64xf32, #tpu.memory_space<hbm>>
    %dma_wait3A_42 = tpu.memref_squeeze %dma_wait3A_41 : memref<1x416x64xf32, #tpu.memory_space<hbm>> -> memref<416x64xf32, #tpu.memory_space<hbm>>
    tpu.wait_dma2 semaphore(%arg11 : memref<!tpu.dma_semaphore, #tpu.memory_space<semaphore_mem>>) src(%dma_wait3A_42 : memref<416x64xf32, #tpu.memory_space<hbm>>) dst(%arg7 : memref<416x64xf32, #tpu.memory_space<vmem>>)
    %add3A_43 = arith.constant 12480 : i32
    %add3A_44 = arith.addi %mul3A_2, %add3A_43 : i32
    %run_scoped3A = arith.constant 0 : i32
    "tpu.region"() ({
      %run_scoped3A_57 = tpu.sem_alloc : memref<!tpu.dma_semaphore, #tpu.memory_space<semaphore_mem>>
      %dma_start3A_58 = arith.constant 0 : i32
      %dma_start3A_59 = tpu.memref_slice %arg4[%run_scoped3A, %add3A_44, %dma_start3A_58] : memref<1x425984x64xf32, #tpu.memory_space<hbm>> -> memref<1x416x64xf32, #tpu.memory_space<hbm>>
      %dma_start3A_60 = tpu.memref_squeeze %dma_start3A_59 : memref<1x416x64xf32, #tpu.memory_space<hbm>> -> memref<416x64xf32, #tpu.memory_space<hbm>>
      %dma_start3A_61 = arith.constant 0 : i32
      %dma_start3A_62 = tpu.memref_slice %arg4[%run_scoped3A, %add3A_44, %dma_start3A_61] : memref<1x425984x64xf32, #tpu.memory_space<hbm>> -> memref<1x416x64xf32, #tpu.memory_space<hbm>>
      %dma_start3A_63 = tpu.memref_squeeze %dma_start3A_62 : memref<1x416x64xf32, #tpu.memory_space<hbm>> -> memref<416x64xf32, #tpu.memory_space<hbm>>
      tpu.enqueue_dma source(%arg7 : memref<416x64xf32, #tpu.memory_space<vmem>>) target(%dma_start3A_63 : memref<416x64xf32, #tpu.memory_space<hbm>>) target_semaphore(%run_scoped3A_57 : memref<!tpu.dma_semaphore, #tpu.memory_space<semaphore_mem>>)
      %dma_wait3A_64 = arith.constant 0 : i32
      %dma_wait3A_65 = tpu.memref_slice %arg4[%run_scoped3A, %add3A_44, %dma_wait3A_64] : memref<1x425984x64xf32, #tpu.memory_space<hbm>> -> memref<1x416x64xf32, #tpu.memory_space<hbm>>
      %dma_wait3A_66 = tpu.memref_squeeze %dma_wait3A_65 : memref<1x416x64xf32, #tpu.memory_space<hbm>> -> memref<416x64xf32, #tpu.memory_space<hbm>>
      %dma_wait3A_67 = arith.constant 0 : i32
      %dma_wait3A_68 = tpu.memref_slice %arg4[%run_scoped3A, %add3A_44, %dma_wait3A_67] : memref<1x425984x64xf32, #tpu.memory_space<hbm>> -> memref<1x416x64xf32, #tpu.memory_space<hbm>>
      %dma_wait3A_69 = tpu.memref_squeeze %dma_wait3A_68 : memref<1x416x64xf32, #tpu.memory_space<hbm>> -> memref<416x64xf32, #tpu.memory_space<hbm>>
      tpu.wait_dma2 semaphore(%run_scoped3A_57 : memref<!tpu.dma_semaphore, #tpu.memory_space<semaphore_mem>>) src(%arg7 : memref<416x64xf32, #tpu.memory_space<vmem>>) dst(%dma_wait3A_69 : memref<416x64xf32, #tpu.memory_space<hbm>>)
      tpu.yield
    }) : () -> ()
    %dma_wait3A_45 = arith.constant 0 : i32
    %dma_wait3A_46 = arith.constant 0 : i32
    %dma_wait3A_47 = arith.constant 0 : i32
    %dma_wait3A_48 = tpu.memref_slice %arg2[%dma_wait3A_45, %dma_wait3A_46, %dma_wait3A_47] : memref<1x1000000x64xf32, #tpu.memory_space<hbm>> -> memref<1x416x64xf32, #tpu.memory_space<hbm>>
    %dma_wait3A_49 = tpu.memref_squeeze %dma_wait3A_48 : memref<1x416x64xf32, #tpu.memory_space<hbm>> -> memref<416x64xf32, #tpu.memory_space<hbm>>
    %dma_wait3A_50 = arith.constant 0 : i32
    %dma_wait3A_51 = arith.constant 0 : i32
    %dma_wait3A_52 = tpu.memref_slice %arg2[%dma_wait3A_45, %dma_wait3A_50, %dma_wait3A_51] : memref<1x1000000x64xf32, #tpu.memory_space<hbm>> -> memref<1x416x64xf32, #tpu.memory_space<hbm>>
    %dma_wait3A_53 = tpu.memref_squeeze %dma_wait3A_52 : memref<1x416x64xf32, #tpu.memory_space<hbm>> -> memref<416x64xf32, #tpu.memory_space<hbm>>
    tpu.wait_dma2 semaphore(%arg12 : memref<!tpu.dma_semaphore, #tpu.memory_space<semaphore_mem>>) src(%dma_wait3A_53 : memref<416x64xf32, #tpu.memory_space<hbm>>) dst(%arg8 : memref<416x64xf32, #tpu.memory_space<vmem>>)
    %add3A_54 = arith.constant 12896 : i32
    %add3A_55 = arith.addi %mul3A_2, %add3A_54 : i32
    %run_scoped3A_56 = arith.constant 0 : i32
    "tpu.region"() ({
      %run_scoped3A_57 = tpu.sem_alloc : memref<!tpu.dma_semaphore, #tpu.memory_space<semaphore_mem>>
      %dma_start3A_58 = arith.constant 0 : i32
      %dma_start3A_59 = tpu.memref_slice %arg4[%run_scoped3A_56, %add3A_55, %dma_start3A_58] : memref<1x425984x64xf32, #tpu.memory_space<hbm>> -> memref<1x416x64xf32, #tpu.memory_space<hbm>>
      %dma_start3A_60 = tpu.memref_squeeze %dma_start3A_59 : memref<1x416x64xf32, #tpu.memory_space<hbm>> -> memref<416x64xf32, #tpu.memory_space<hbm>>
      %dma_start3A_61 = arith.constant 0 : i32
      %dma_start3A_62 = tpu.memref_slice %arg4[%run_scoped3A_56, %add3A_55, %dma_start3A_61] : memref<1x425984x64xf32, #tpu.memory_space<hbm>> -> memref<1x416x64xf32, #tpu.memory_space<hbm>>
      %dma_start3A_63 = tpu.memref_squeeze %dma_start3A_62 : memref<1x416x64xf32, #tpu.memory_space<hbm>> -> memref<416x64xf32, #tpu.memory_space<hbm>>
      tpu.enqueue_dma source(%arg8 : memref<416x64xf32, #tpu.memory_space<vmem>>) target(%dma_start3A_63 : memref<416x64xf32, #tpu.memory_space<hbm>>) target_semaphore(%run_scoped3A_57 : memref<!tpu.dma_semaphore, #tpu.memory_space<semaphore_mem>>)
      %dma_wait3A_64 = arith.constant 0 : i32
      %dma_wait3A_65 = tpu.memref_slice %arg4[%run_scoped3A_56, %add3A_55, %dma_wait3A_64] : memref<1x425984x64xf32, #tpu.memory_space<hbm>> -> memref<1x416x64xf32, #tpu.memory_space<hbm>>
      %dma_wait3A_66 = tpu.memref_squeeze %dma_wait3A_65 : memref<1x416x64xf32, #tpu.memory_space<hbm>> -> memref<416x64xf32, #tpu.memory_space<hbm>>
      %dma_wait3A_67 = arith.constant 0 : i32
      %dma_wait3A_68 = tpu.memref_slice %arg4[%run_scoped3A_56, %add3A_55, %dma_wait3A_67] : memref<1x425984x64xf32, #tpu.memory_space<hbm>> -> memref<1x416x64xf32, #tpu.memory_space<hbm>>
      %dma_wait3A_69 = tpu.memref_squeeze %dma_wait3A_68 : memref<1x416x64xf32, #tpu.memory_space<hbm>> -> memref<416x64xf32, #tpu.memory_space<hbm>>
      tpu.wait_dma2 semaphore(%run_scoped3A_57 : memref<!tpu.dma_semaphore, #tpu.memory_space<semaphore_mem>>) src(%arg8 : memref<416x64xf32, #tpu.memory_space<vmem>>) dst(%dma_wait3A_69 : memref<416x64xf32, #tpu.memory_space<hbm>>)
      tpu.yield
    }) : () -> ()
    return
  }
}

</mosaic_0001>

<sc_bundles>
// kernel: kernel.3.cloned.1.call-start
scs
__scs_entry_jumppad:
0x0: {  	(pc) =	sbr.rel $0x88, $3  }
0x1: {  	(tag) =	ssettag $0x0;
	lr =	simm.s32 $0x1  }
0x2: {  	[smem:$0x3F9F] =	sst lr;
	_ =	strace $0xD0000000  }
0x3: {  	_ = 	snop  }
0x4: {  	_ = 	snop  }
0x5: {  	_ = 	snop  }
0x6: {  	_ = 	snop  }
0x7: {  	_ = 	snop  }
__scs_overlays_trampoline_lowered:
0x8: {  	[smem:$0x3FAE] =	sst s0  }
0x9: {  	[smem:$0x3FAF] =	sst s1  }
0xa: {  	[smem:$0x3FB0] =	sst s2  }
0xb: {  	[smem:$0x3FB1] =	sst s3  }
0xc: {  	[smem:$0x3FB2] =	sst s4  }
0xd: {  	[smem:$0x3FB3] =	sst s5  }
0xe: {  	[smem:$0x3FB4] =	sst s6  }
0xf: {  	[smem:$0x3FB5] =	sst s7  }
0x10: {  	[smem:$0x3FB6] =	sst s8  }
0x11: {  	[smem:$0x3FB7] =	sst s9;
	s0 =	simm.s32 @!p0 $0x0  }
0x12: {  	s1 =	sld [smem:$0x3F9D];
	s0 =	simm.s32 @p0 $0x1  }
0x13: {  	[smem:$0x3FB8] =	sst s0;
	s0 =	simm.s32 @!p1 $0x0  }
0x14: {  	s2 =	sld [smem:$0x3F9C];
	s0 =	simm.s32 @p1 $0x1  }
0x15: {  	[smem:$0x3FB9] =	sst s0;
	s0 =	simm.s32 @!p2 $0x0  }
0x16: {  	s3 =	sld [smem:$0x3FDB];
	s0 =	simm.s32 @p2 $0x1  }
0x17: {  	s4 =	simm.s32 $0x1BF5;
	[smem:$0x3FBB] =	sst s0  }
0x18: {  	s0 =	sld [smem:$0x3F9E];
	_ =	swait.ge [sflag:s4], $0x0  }
0x19: {  	s7 =	sld [smem:$0x3F9F]  }
0x1a: {  	s8 =	sadd.s32 $0xFFFFE003, lr  }
0x1b: {  	s9 =	sadd.s32 $0xFFFFFEF7, lr;
	s5 =	simm.s32 $0xFFFFFFFF;
	p2 =	slt.u32 s8, $0xFFFFF086  }
0x1c: {  	p1 =	slt.u32 s9, $0xF7A;
	s5 =	simm.s32 @!p2 $0x0  }
0x1d: {  	s5 =	simm.s32 @p1 $0x1;
	p0 =	seq.s32 s7, s2  }
0x1e: {  	s7 =	smul.u32 @!p0 $0xF7A, s2;
	p2 =	seq.s32 @!p0 s5, $0x0  }
0x1f: {  	s9 =	smul.u32 $0xF7A, s1;
	s8 =	simm.s32 @!p0 $0x1BF5;
	p2 =	por !p2, p0  }
0x20: {  	[sflag:s8] =	ssyncset.s32 @!p0 $0xFFFFF086;
	s6 =	sadd.s32 @!p0 s3, s7;
	s7 =	simm.s32 @!p0 $0x108  }
0x21: {  	s3 =	sadd.s32 s3, s9;
	s6 =	sadd.s32 @!p0 $0x88, s6;
	s7 =	simm.s32 @p2 $0x1082  }
0x22: {  	[simem:s7], [sflag:s8] =	dma.local @!p0 [hbm:s6], $0xF7A  }
0x23: {  	s9 =	sor.u32 $0xD0000000, s2;
	s6 =	simm.s32 $0x108;
	_ =	swait.ge @!p0 [sflag:s8], $0x0  }
0x24: {  	s3 =	sadd.s32 $0x88, s3;
	s6 =	simm.s32 @!p1 $0x1082;
	[sflag:s4] =	ssyncset.s32 $0xFFFFF086  }
0x25: {  	[simem:s6], [sflag:s4] =	dma.local [hbm:s3], $0xF7A  }
0x26: {  	[smem:$0x3F9F] =	sst s1;
	(tag) =	ssettag s2;
	_ =	strace s9  }
0x27: {  	s1 =	sld [smem:$0x3FAF]  }
0x28: {  	s2 =	sld [smem:$0x3FB0]  }
0x29: {  	s4 =	sld [smem:$0x3FB2]  }
0x2a: {  	p0 =	seq.s32 s5, $0x0;
	s5 =	sld [smem:$0x3FB3]  }
0x2b: {  	s6 =	sld [smem:$0x3FB4]  }
0x2c: {  	s7 =	sld [smem:$0x3FB5]  }
0x2d: {  	s3 =	simm.s32 $0x108;
	s8 =	sld [smem:$0x3FB6]  }
0x2e: {  	s3 =	simm.s32 @!p0 $0x1082;
	s9 =	sld [smem:$0x3FB7]  }
0x2f: {  	lr =	sadd.s32 s0, s3;
	s0 =	sld [smem:$0x3FAE]  }
0x30: {  	s3 =	sld [smem:$0x3FB1]  }
0x31: {  	[smem:$0x3FBA] =	sst s10  }
0x32: {  	s10 =	sld [smem:$0x3FB8];
	_ =	sdelay $0x3  }
0x33: {  	p0 =	seq.s32 s10, $0x1;
	s10 =	sld [smem:$0x3FBA];
	_ =	sdelay $0x3  }
0x34: {  	[smem:$0x3FBA] =	sst s10  }
0x35: {  	s10 =	sld [smem:$0x3FB9];
	_ =	sdelay $0x3  }
0x36: {  	p1 =	seq.s32 s10, $0x1;
	s10 =	sld [smem:$0x3FBA];
	_ =	sdelay $0x3  }
0x37: {  	[smem:$0x3FBA] =	sst s10  }
0x38: {  	s10 =	sld [smem:$0x3FBB]  }
0x39: {  	_ = 	snop;
	(pc) =	sbr.ind lr, $3  }
0x3a: {  	_ = 	snop  }
0x3b: {  	_ = 	snop  }
0x3c: {  	p2 =	seq.s32 s10, $0x1;
	s10 =	sld [smem:$0x3FBA]  }
0x3d: {  	_ =	shalt  }
0x3e: {  	_ =	shalt  }
0x3f: {  	_ =	shalt  }
0x40: {  	_ =	shalt  }
0x41: {  	_ =	shalt  }
0x42: {  	_ =	shalt  }
0x43: {  	_ =	shalt  }
0x44: {  	_ =	shalt  }
0x45: {  	_ =	shalt  }
0x46: {  	_ =	shalt  }
0x47: {  	_ =	shalt  }
0x48: {  	_ =	shalt  }
0x49: {  	_ =	shalt  }
0x4a: {  	_ =	shalt  }
0x4b: {  	_ =	shalt  }
0x4c: {  	_ =	shalt  }
0x4d: {  	_ =	shalt  }
0x4e: {  	_ =	shalt  }
0x4f: {  	_ =	shalt  }
0x50: {  	_ =	shalt  }
0x51: {  	_ =	shalt  }
0x52: {  	_ =	shalt  }
0x53: {  	_ =	shalt  }
0x54: {  	_ =	shalt  }
0x55: {  	_ =	shalt  }
0x56: {  	_ =	shalt  }
0x57: {  	_ =	shalt  }
0x58: {  	_ =	shalt  }
0x59: {  	_ =	shalt  }
0x5a: {  	_ =	shalt  }
0x5b: {  	_ =	shalt  }
0x5c: {  	_ =	shalt  }
0x5d: {  	_ =	shalt  }
0x5e: {  	_ =	shalt  }
0x5f: {  	_ =	shalt  }
0x60: {  	_ =	shalt  }
0x61: {  	_ =	shalt  }
0x62: {  	_ =	shalt  }
0x63: {  	_ =	shalt  }
0x64: {  	_ =	shalt  }
0x65: {  	_ =	shalt  }
0x66: {  	_ =	shalt  }
0x67: {  	_ =	shalt  }
0x68: {  	_ =	shalt  }
0x69: {  	_ =	shalt  }
0x6a: {  	_ =	shalt  }
0x6b: {  	_ =	shalt  }
0x6c: {  	_ =	shalt  }
0x6d: {  	_ =	shalt  }
0x6e: {  	_ =	shalt  }
0x6f: {  	_ =	shalt  }
0x70: {  	_ =	shalt  }
0x71: {  	_ =	shalt  }
0x72: {  	_ =	shalt  }
0x73: {  	_ =	shalt  }
0x74: {  	_ =	shalt  }
0x75: {  	_ =	shalt  }
0x76: {  	_ =	shalt  }
0x77: {  	_ =	shalt  }
0x78: {  	_ =	shalt  }
0x79: {  	_ =	shalt  }
0x7a: {  	_ =	shalt  }
0x7b: {  	_ =	shalt  }
0x7c: {  	_ =	shalt  }
0x7d: {  	_ =	shalt  }
0x7e: {  	_ =	shalt  }
0x7f: {  	_ =	shalt  }
0x80: {  	_ =	shalt  }
0x81: {  	_ =	shalt  }
0x82: {  	_ =	shalt  }
0x83: {  	_ =	shalt  }
0x84: {  	_ =	shalt  }
0x85: {  	_ =	shalt  }
0x86: {  	_ =	shalt  }
0x87: {  	_ =	shalt  }
.Lfunc_end0:
.L_simem_size_0:
called_computation.1_lowered:
.L_overlay_start_0:
0x88: {  	s2 =	sld [smem:$0x3FD9]  }
0x89: {  	s3 =	sld [smem:$0x3FFE];
	_ =	sdelay $0x1  }
0x8a: {  	s1 =	srdreg.scid  }
0x8b: {  	s0 =	sand.u32 $0x1, s1  }
0x8c: {  	s17 =	sshll.u32 s0, $0xA;
	s2 =	sadd.s32 s3, s2  }
0x8d: {  	s2 =	sadd.s32 s2, s17  }
0x8e: {  	[smem:$0x3FC6] =	sst s2  }
0x8f: {  	_ = 	snop  }
0x90: {  	s2 =	sld [smem:$0x3FC8];
	(tm) =	ssettm $0x1  }
0x91: {  	s18 =	sld [smem:$0x3FFB];
	_ =	sdelay $0x3  }
0x92: {  	_ =	strace s18  }
0x93: {  	s3 =	sld [smem:$0x3FFC];
	_ =	sdelay $0x3  }
0x94: {  	_ =	strace s3  }
0x95: {  	s3 =	sld [smem:$0x3FFD];
	_ =	sdelay $0x3  }
0x96: {  	_ =	strace s3  }
0x97: {  	_ =	strace $0x8FFFFFFF  }
0x98: {  	s19 =	sld [smem:$0x3FDB];
	_ =	sdelay $0x1  }
0x99: {  	s4 =	simm.s32 $_scs_section_size  }
0x9a: {  	s5 =	simm.s32 $_size__tile_overlayer_lowered;
	s6 =	simm.s32 $_tile_overlayer_lowered  }
0x9b: {  	s22 =	simm.s32 $0x1BFF;
	s21 =	sshll.u32 s6, $0x1;
	s3 =	sadd.s32 s4, s19  }
0x9c: {  	s7 =	simm.s32 $0x0;
	s20 =	sshll.u32 s5, $0x1;
	s5 =	sadd.s32 s21, s3  }
0x9d: {  	[timem:s7], [sflag:s22] =	dma.local [hbm:s5], s20  }
0x9e: {  	_ =	swait.ge [sflag:s22], s20  }
0x9f: {  	s4 =	ssub.s32 $0x0, s20;
	[sflag:s22] =	ssyncset.done $0x0  }
0xa0: {  	[sflag:s22] =	ssyncadd.s32 s4;
	_ =	sdelay $0x1  }
0xa1: {  	s23 =	simm.s32 $0x1B8B  }
0xa2: {  	_ =	swait.ge [sflag:s23], $0x1  }
0xa3: {  	[sflag:s23] =	ssyncset.done $0x0  }
0xa4: {  	s25 =	simm.s32 $0x1B8E;
	s24 =	sld [smem:$0x3FFE];
	[sflag:s23] =	ssyncadd.s32 $0xFFFFFFFF  }
0xa5: {  	s26 =	simm.s32 $execute0_lowered;
	[smem:$0x3FD2] =	sst s25  }
0xa6: {  	s5 =	sshll.u32 s26, $0x1;
	_ =	strace $0x80000046;
	[dreg:$0x1] =	wrdreg $0xFFFFFFFF  }
0xa7: {  	s28 =	simm.s32 $_size_execute0_lowered;
	s3 =	sadd.s32 s3, s5;
	[dreg:$0x0] =	wrdreg $0x0  }
0xa8: {  	s5 =	sshll.u32 s28, $0x1;
	[dreg:$0x2] =	wrdreg s3  }
0xa9: {  	[dreg:$0x3] =	wrdreg s5  }
0xaa: {  	[dreg:$0x4] =	wrdreg $0xC0  }
0xab: {  	_ =	task [dreg:s7], $0x5FFFF  }
0xac: {  	[dreg:$0x1] =	wrdreg $0xFFFFFFFF  }
0xad: {  	[dreg:$0x0] =	wrdreg $0x60  }
0xae: {  	[dreg:$0x2] =	wrdreg s24  }
0xaf: {  	[dreg:$0x3] =	wrdreg s2  }
0xb0: {  	[dreg:$0x4] =	wrdreg $0x9  }
0xb1: {  	_ =	task.clear_ibuf [dreg:s7], $0x5FFFF;
	_ =	strace $0x90000046  }
0xb2: {  	s29 =	simm.s32 $0x9;
	_ =	strace $0x80000048  }
0xb3: {  	_ =	swait.ge [sflag:s29], $0x1  }
0xb4: {  	[sflag:s29] =	ssyncadd.s32 $0xFFFFFFFF  }
0xb5: {  	_ =	strace $0x90000048  }
0xb6: {  	_ =	sfence  }
0xb7: {  	s30 =	sld [smem:$0x0];
	_ =	sdelay $0x2  }
0xb8: {  	s31 =	sshll.u32 s1, $0xD;
	s1 =	sshrl.u32 s1, $0x2  }
0xb9: {  	s3 =	sand.u32 $0x4000, s31;
	s1 =	sadd.s32 s1, s30  }
0xba: {  	s0 =	sor.u32 s3, s0;
	s1 =	sshll.u32 s1, $0x11  }
0xbb: {  	s0 =	sor.u32 s1, s0  }
0xbc: {  	s0 =	sadd.s32 $0x8F2B, s0  }
0xbd: {  	[sflag:s0] =	ssyncadd.remote.s32 $0x1  }
0xbe: {  	_ =	sfence.sel $0xFFFF  }
0xbf: {  	[dreg:$0x0] =	wrdreg $0xFFFFFFFF;
	(pc) =	sbr.abs _section_cstart, $3  }
0xc0: {  	[dreg:$0x1] =	wrdreg $0xFFFFFFFF  }
0xc1: {  	_ =	task.clear_ibuf [dreg:s7], $0x2FFFF;
	_ =	strace $0x9FFFFFFF  }
0xc2: {  	(tm) =	ssettm $0x7FFFFFFF  }
0xc3: {  	_ =	shalt  }
tec
execute0_lowered:
.L_overlay_start_1:
0x0: {  	(tag) =	ssettag $0x1  }
0x1: {  	s0 =	rddreg [dreg:$0x0];
	s1 =	srdreg.scid  }
0x2: {  	s2 =	stileid.u32;
	s9 =	rddreg [dreg:$0x1]  }
0x3: {  	s3 =	simm.s32 $0x0;
	s1 =	sand.u32 $0x1, s1;
	s4 =	sshll.u32 s2, $0x1  }
0x4: {  	s16 =	simm.s32 $0x1;
	s17 =	simm.s32 $0x2;
	s6 =	sor.u32 s1, s4  }
0x5: {  	[smem:$0x7FF] =	sst s3;
	s1 =	ssub.s32 $0x2, s1;
	s24 =	smul.u32 $0x3400, s6  }
0x6: {  	s5 =	sadd.s32 $0x800, s0;
	_ =	strace $0x80000047;
	s7 =	sshrl.u32 s1, $0x1  }
0x7: {  	s10 =	smul.u32 $0x1A0000, s6;
	s6 =	sadd.s32 $0xF42C00, s0;
	s28 =	sor.u32 $0x340, s24  }
0x8: {  	s25 =	ssub.s32 s1, s7;
	s30 =	sadd.s32 $0x4E0, s24;
	[dreg:$0x5] =	wrdreg s28  }
0x9: {  	s8 =	sshrl.u32 s24, $0x3;
	s2 =	sor.u32 $0x1A0, s24;
	[dreg:$0x6] =	wrdreg s30  }
0xa: {  	s0 =	smax.u32 s25, $0x1;
	s26 =	sadd.s32 s9, s8;
	[dreg:$0x7] =	wrdreg s2  }
0xb: {  	s29 =	sshrl.u32 s10, $0x3;
	[dreg:$0xa] =	wrdreg s0;
	s1 =	sadd.s32 $0x34, s26  }
0xc: {  	s18 =	simm.s32 $0x3;
	[dreg:$0x4] =	wrdreg s1;
	s1 =	sadd.s32 s6, s29  }
0xd: {  	s20 =	simm.s32 $0x5;
	[dreg:$0x3] =	wrdreg s26;
	s31 =	sadd.s32 $0x30C00, s1  }
0xe: {  	s21 =	simm.s32 $0x4;
	s1 =	sadd.s32 $0x32600, s1;
	[dreg:$0x8] =	wrdreg s31  }
0xf: {  	s11 =	smov.u32 s24;
	[dreg:$0x9] =	wrdreg s1;
	s1 =	simm.s32 $0x0  }
.LBB2_1:
0x10: {  	[dreg:$0xb] =	wrdreg s1  }
0x11: {  	s0 =	rddreg [dreg:$0x3]  }
0x12: {  	[tilespmem:s3], [sflag:$0x1] =	stream.linear.gather [hbm4b:s0+s3], $0x1A0, $0x38;
	[tilespmem:$0x1A400] =	vst v63  }
0x13: {  	s30 =	rddreg [dreg:$0x4];
	s31 =	simm.s32 $0x200  }
0x14: {  	[tilespmem:s31], [sflag:$0x2] =	stream.linear.gather [hbm4b:s30+s3], $0x1A0, $0x38;
	[tilespmem:$0x1A400] =	vst v63  }
0x15: {  	_ =	swait.ge [sflag:s16], $0x1A0  }
0x16: {  	[sflag:s16] =	ssyncset.done $0x0  }
0x17: {  	[sflag:s16] =	ssyncadd.s32 $0xFFFFFE60  }
0x18: {  	v0 =	vld [tilespmem:s3+$0x0];
	_ =	sdelay $0x4  }
0x19: {  	v0 =	vshll.u32 v0, $0x4  }
0x1a: {  	(v2sf) =	vpush v0, $0x0  }
0x1b: {  	(v2sf) =	vpush v0, $0x1  }
0x1c: {  	(v2sf) =	vpush v0, $0x2;
	_ =	sdelay $0x1  }
0x1d: {  	(v2sf) =	vpush v0, $0x4;
	_ =	sdelay $0x1  }
0x1e: {  	(v2sf) =	vpush v0, $0x3  }
0x1f: {  	(v2sf) =	vpush v0, $0x5  }
0x20: {  	s26 =	simm.s32 $0x2000;
	s25 =	simm.s32 $0x0;
	s28 =	simm.s32 $0x0;
	(v2sf) =	vpush v0, $0x6  }
.LBB2_2:
0x21: {  	p0 =	sne.s32 s26, $0x32000  }
0x22: {  	s7 =	sadd.s32 $0x480, s25;
	s1 =	sadd.s32 $0x980, s25;
	s29 =	smov.u32 s26  }
0x23: {  	s26 =	sadd.s32 $0x2000, s26;
	s12 =	sadd.s32 $0x780, s25;
	s30 =	sadd.s32 $0xA00, s25;
	(v2sf) =	vpush v0, $0x7  }
0x24: {  	s14 =	sadd.s32 $0x680, s25;
	s0 =	sadd.s32 $0x800, s25;
	s31 =	sadd.s32 $0xA80, s25  }
0x25: {  	s23 =	sadd.s32 $0x400, s25;
	s15 =	sadd.s32 $0x600, s25;
	(v2sf) =	vpush v0, $0x8  }
0x26: {  	s24 =	simm.s32 $0x0;
	s19 =	sadd.s32 $0x700, s25;
	s28 =	sadd.s32 $0x10, s28  }
0x27: {  	s22 =	sadd.s32 $0x500, s25;
	s8 =	sadd.s32 $0x900, s25;
	s13 =	spop (v2sf);
	(v2sf) =	vpush v0, $0x9  }
0x28: {  	s2 =	sand.u32 $0x1FFFFFF0, s13;
	s13 =	sadd.s32 $0x880, s25;
	s4 =	spop (v2sf)  }
0x29: {  	s2 =	sadd.s32 s5, s2;
	s4 =	sand.u32 $0x1FFFFFF0, s4;
	s9 =	spop (v2sf);
	(v2sf) =	vpush v0, $0xA  }
0x2a: {  	[tilespmem:s23], [sflag:$0x3] =	stream.linear.gather [hbm4b:s2+s24], $0x80, $0x38;
	[tilespmem:$0x1A400] =	vst v63  }
0x2b: {  	s2 =	sadd.s32 s5, s4;
	s4 =	sadd.s32 $0x580, s25;
	s23 =	spop (v2sf);
	(v2sf) =	vpush v0, $0xB  }
0x2c: {  	[tilespmem:s7], [sflag:$0x3] =	stream.linear.gather [hbm4b:s2+s24], $0x80, $0x38;
	[tilespmem:$0x1A400] =	vst v63  }
0x2d: {  	s2 =	sand.u32 $0x1FFFFFF0, s9;
	s7 =	sand.u32 $0x1FFFFFF0, s23;
	s9 =	spop (v2sf);
	(v2sf) =	vpush v0, $0xC  }
0x2e: {  	s2 =	sadd.s32 s5, s2;
	s9 =	sand.u32 $0x1FFFFFF0, s9;
	s23 =	spop (v2sf)  }
0x2f: {  	[tilespmem:s22], [sflag:$0x3] =	stream.linear.gather [hbm4b:s2+s24], $0x80, $0x38;
	(v2sf) =	vpush v0, $0xD;
	[tilespmem:$0x1A400] =	vst v63  }
0x30: {  	s2 =	sadd.s32 s5, s9;
	s9 =	sand.u32 $0x1FFFFFF0, s23;
	s22 =	spop (v2sf)  }
0x31: {  	[tilespmem:s4], [sflag:$0x3] =	stream.linear.gather [hbm4b:s2+s24], $0x80, $0x38;
	(v2sf) =	vpush v0, $0xE;
	[tilespmem:$0x1A400] =	vst v63  }
0x32: {  	s2 =	sadd.s32 s5, s7;
	s4 =	sand.u32 $0x1FFFFFF0, s22;
	s7 =	spop (v2sf)  }
0x33: {  	[tilespmem:s15], [sflag:$0x3] =	stream.linear.gather [hbm4b:s2+s24], $0x80, $0x38;
	(v2sf) =	vpush v0, $0xF;
	[tilespmem:$0x1A400] =	vst v63  }
0x34: {  	s2 =	sadd.s32 s5, s9;
	s7 =	sand.u32 $0x1FFFFFF0, s7;
	s9 =	spop (v2sf)  }
0x35: {  	[tilespmem:s14], [sflag:$0x3] =	stream.linear.gather [hbm4b:s2+s24], $0x80, $0x38;
	[tilespmem:$0x1A400] =	vst v63  }
0x36: {  	s2 =	sadd.s32 s5, s4;
	s4 =	sand.u32 $0x1FFFFFF0, s9;
	s9 =	spop (v2sf)  }
0x37: {  	[tilespmem:s19], [sflag:$0x3] =	stream.linear.gather [hbm4b:s2+s24], $0x80, $0x38;
	[tilespmem:$0x1A400] =	vst v63  }
0x38: {  	s2 =	sadd.s32 s5, s7;
	s7 =	sand.u32 $0x1FFFFFF0, s9;
	s9 =	spop (v2sf)  }
0x39: {  	[tilespmem:s12], [sflag:$0x3] =	stream.linear.gather [hbm4b:s2+s24], $0x80, $0x38;
	[tilespmem:$0x1A400] =	vst v63  }
0x3a: {  	s2 =	sadd.s32 s5, s4;
	s4 =	sand.u32 $0x1FFFFFF0, s9;
	s9 =	spop (v2sf)  }
0x3b: {  	[tilespmem:s0], [sflag:$0x3] =	stream.linear.gather [hbm4b:s2+s24], $0x80, $0x38;
	[tilespmem:$0x1A400] =	vst v63  }
0x3c: {  	s0 =	sadd.s32 s5, s7;
	s2 =	sand.u32 $0x1FFFFFF0, s9;
	s7 =	spop (v2sf)  }
0x3d: {  	[tilespmem:s13], [sflag:$0x3] =	stream.linear.gather [hbm4b:s0+s24], $0x80, $0x38;
	[tilespmem:$0x1A400] =	vst v63  }
0x3e: {  	s0 =	sadd.s32 s5, s4;
	s4 =	sand.u32 $0x1FFFFFF0, s7;
	s7 =	spop (v2sf)  }
0x3f: {  	[tilespmem:s8], [sflag:$0x3] =	stream.linear.gather [hbm4b:s0+s24], $0x80, $0x38;
	[tilespmem:$0x1A400] =	vst v63  }
0x40: {  	s0 =	sadd.s32 s5, s2;
	s2 =	sand.u32 $0x1FFFFFF0, s7;
	s7 =	spop (v2sf)  }
0x41: {  	[tilespmem:s1], [sflag:$0x3] =	stream.linear.gather [hbm4b:s0+s24], $0x80, $0x38;
	[tilespmem:$0x1A400] =	vst v63  }
0x42: {  	s0 =	sadd.s32 s5, s4;
	s1 =	sand.u32 $0x1FFFFFF0, s7;
	s4 =	spop (v2sf)  }
0x43: {  	[tilespmem:s30], [sflag:$0x3] =	stream.linear.gather [hbm4b:s0+s24], $0x80, $0x38;
	[tilespmem:$0x1A400] =	vst v63  }
0x44: {  	s0 =	sadd.s32 s5, s2;
	s2 =	sand.u32 $0x1FFFFFF0, s4  }
0x45: {  	[tilespmem:s31], [sflag:$0x3] =	stream.linear.gather [hbm4b:s0+s24], $0x80, $0x38;
	[tilespmem:$0x1A400] =	vst v63  }
0x46: {  	s1 =	sadd.s32 s5, s1;
	s0 =	sadd.s32 $0xB00, s25  }
0x47: {  	[tilespmem:s0], [sflag:$0x3] =	stream.linear.gather [hbm4b:s1+s24], $0x80, $0x38;
	[tilespmem:$0x1A400] =	vst v63  }
0x48: {  	s0 =	sadd.s32 $0xB80, s25;
	s1 =	sadd.s32 s5, s2  }
0x49: {  	[tilespmem:s0], [sflag:$0x3] =	stream.linear.gather [hbm4b:s1+s24], $0x80, $0x38;
	[tilespmem:$0x1A400] =	vst v63  }
0x4a: {  	v0 =	vld [tilespmem:s28+$0x0];
	_ =	sdelay $0x4  }
0x4b: {  	v0 =	vshll.u32 v0, $0x4  }
0x4c: {  	(v2sf) =	vpush v0, $0x0  }
0x4d: {  	(v2sf) =	vpush v0, $0x1  }
0x4e: {  	(v2sf) =	vpush v0, $0x2;
	_ =	sdelay $0x1  }
0x4f: {  	(v2sf) =	vpush v0, $0x4  }
.Ltmp0:
0x50: {  	(pc) =	sbr.rel @p0 .LBB2_2-.Ltmp0, $3  }
0x51: {  	(v2sf) =	vpush v0, $0x3  }
0x52: {  	(v2sf) =	vpush v0, $0x5;
	_ =	sdelay $0x1  }
0x53: {  	s25 =	sshra.s32 s29, $0x2;
	(v2sf) =	vpush v0, $0x6  }
0x54: {  	_ =	sdelay $0x1  }
0x55: {  	s2 =	sadd.s32 $0x480, s25;
	s8 =	sadd.s32 $0x980, s25  }
0x56: {  	s4 =	sadd.s32 $0x780, s25;
	s0 =	sadd.s32 $0xA00, s25;
	(v2sf) =	vpush v0, $0x7;
	s7 =	sadd.s32 $0x680, s25  }
0x57: {  	s9 =	sadd.s32 $0x800, s25;
	s1 =	sadd.s32 $0xA80, s25;
	s12 =	sadd.s32 $0x400, s25  }
0x58: {  	s13 =	sadd.s32 $0x600, s25;
	s14 =	sadd.s32 $0x700, s25;
	(v2sf) =	vpush v0, $0x8;
	s15 =	spop (v2sf)  }
0x59: {  	s19 =	sadd.s32 $0x500, s25;
	s15 =	sand.u32 $0x1FFFFFF0, s15;
	s22 =	spop (v2sf)  }
0x5a: {  	(v2sf) =	vpush v0, $0x9;
	s15 =	sadd.s32 s5, s15;
	s22 =	sand.u32 $0x1FFFFFF0, s22;
	s23 =	spop (v2sf)  }
0x5b: {  	[tilespmem:s12], [sflag:$0x3] =	stream.linear.gather [hbm4b:s15+s24], $0x80, $0x38;
	[tilespmem:$0x1A400] =	vst v63  }
0x5c: {  	s26 =	sadd.s32 $0x580, s25;
	(v2sf) =	vpush v0, $0xA;
	s31 =	sadd.s32 s5, s22;
	s10 =	spop (v2sf)  }
0x5d: {  	[tilespmem:s2], [sflag:$0x3] =	stream.linear.gather [hbm4b:s31+s24], $0x80, $0x38;
	[tilespmem:$0x1A400] =	vst v63  }
0x5e: {  	s12 =	sadd.s32 $0x900, s25;
	s23 =	sand.u32 $0x1FFFFFF0, s23;
	(v2sf) =	vpush v0, $0xB;
	s28 =	spop (v2sf)  }
0x5f: {  	s15 =	sadd.s32 s5, s23;
	s2 =	sadd.s32 $0x880, s25;
	s23 =	sand.u32 $0x1FFFFFF0, s28  }
0x60: {  	(v2sf) =	vpush v0, $0xC;
	[tilespmem:s19], [sflag:$0x3] =	stream.linear.gather [hbm4b:s15+s24], $0x80, $0x38;
	[tilespmem:$0x1A400] =	vst v63  }
0x61: {  	s29 =	sand.u32 $0x1FFFFFF0, s10;
	s30 =	spop (v2sf);
	s31 =	sadd.s32 s5, s23  }
0x62: {  	(v2sf) =	vpush v0, $0xD;
	[tilespmem:s26], [sflag:$0x3] =	stream.linear.gather [hbm4b:s31+s24], $0x80, $0x38;
	[tilespmem:$0x1A400] =	vst v63  }
0x63: {  	s15 =	sadd.s32 s5, s29;
	s19 =	sand.u32 $0x1FFFFFF0, s30;
	s10 =	spop (v2sf)  }
0x64: {  	(v2sf) =	vpush v0, $0xE;
	[tilespmem:s13], [sflag:$0x3] =	stream.linear.gather [hbm4b:s15+s24], $0x80, $0x38;
	[tilespmem:$0x1A400] =	vst v63  }
0x65: {  	s19 =	sadd.s32 s5, s19;
	s22 =	sand.u32 $0x1FFFFFF0, s10;
	s23 =	spop (v2sf)  }
0x66: {  	(v2sf) =	vpush v0, $0xF;
	[tilespmem:s7], [sflag:$0x3] =	stream.linear.gather [hbm4b:s19+s24], $0x80, $0x38;
	[tilespmem:$0x1A400] =	vst v63  }
0x67: {  	s26 =	sand.u32 $0x1FFFFFF0, s23;
	s28 =	spop (v2sf);
	s13 =	sadd.s32 s5, s22  }
0x68: {  	[tilespmem:s14], [sflag:$0x3] =	stream.linear.gather [hbm4b:s13+s24], $0x80, $0x38;
	[tilespmem:$0x1A400] =	vst v63  }
0x69: {  	s29 =	sand.u32 $0x1FFFFFF0, s28;
	s7 =	sadd.s32 s5, s26;
	s30 =	spop (v2sf)  }
0x6a: {  	[tilespmem:s4], [sflag:$0x3] =	stream.linear.gather [hbm4b:s7+s24], $0x80, $0x38;
	[tilespmem:$0x1A400] =	vst v63  }
0x6b: {  	s13 =	sadd.s32 s5, s29;
	s31 =	sand.u32 $0x1FFFFFF0, s30;
	s10 =	spop (v2sf)  }
0x6c: {  	[tilespmem:s9], [sflag:$0x3] =	stream.linear.gather [hbm4b:s13+s24], $0x80, $0x38;
	[tilespmem:$0x1A400] =	vst v63  }
0x6d: {  	s7 =	sand.u32 $0x1FFFFFF0, s10;
	s4 =	sadd.s32 s5, s31;
	s13 =	spop (v2sf)  }
0x6e: {  	[tilespmem:s2], [sflag:$0x3] =	stream.linear.gather [hbm4b:s4+s24], $0x80, $0x38;
	[tilespmem:$0x1A400] =	vst v63  }
0x6f: {  	s7 =	sadd.s32 s5, s7;
	s14 =	sand.u32 $0x1FFFFFF0, s13;
	s15 =	spop (v2sf)  }
0x70: {  	[tilespmem:s12], [sflag:$0x3] =	stream.linear.gather [hbm4b:s7+s24], $0x80, $0x38;
	[tilespmem:$0x1A400] =	vst v63  }
0x71: {  	s2 =	sadd.s32 s5, s14;
	s4 =	sand.u32 $0x1FFFFFF0, s15;
	s19 =	spop (v2sf)  }
0x72: {  	[tilespmem:s8], [sflag:$0x3] =	stream.linear.gather [hbm4b:s2+s24], $0x80, $0x38;
	[tilespmem:$0x1A400] =	vst v63  }
0x73: {  	s22 =	sand.u32 $0x1FFFFFF0, s19;
	s4 =	sadd.s32 s5, s4;
	s23 =	spop (v2sf)  }
0x74: {  	[tilespmem:s0], [sflag:$0x3] =	stream.linear.gather [hbm4b:s4+s24], $0x80, $0x38;
	[tilespmem:$0x1A400] =	vst v63  }
0x75: {  	s26 =	sand.u32 $0x1FFFFFF0, s23;
	s28 =	spop (v2sf);
	s2 =	sadd.s32 s5, s22  }
0x76: {  	[tilespmem:s1], [sflag:$0x3] =	stream.linear.gather [hbm4b:s2+s24], $0x80, $0x38;
	[tilespmem:$0x1A400] =	vst v63  }
0x77: {  	s30 =	sadd.s32 $0xB00, s25;
	s29 =	sand.u32 $0x1FFFFFF0, s28;
	s0 =	sadd.s32 s5, s26  }
0x78: {  	[tilespmem:s30], [sflag:$0x3] =	stream.linear.gather [hbm4b:s0+s24], $0x80, $0x38;
	[tilespmem:$0x1A400] =	vst v63  }
0x79: {  	s31 =	sadd.s32 $0xB80, s25;
	s1 =	sadd.s32 s5, s29  }
0x7a: {  	[tilespmem:s31], [sflag:$0x3] =	stream.linear.gather [hbm4b:s1+s24], $0x80, $0x38;
	[tilespmem:$0x1A400] =	vst v63  }
.LBB2_4:
0x7b: {  	_ =	swait.ge [sflag:s17], $0x1A0  }
0x7c: {  	[sflag:s17] =	ssyncset.done $0x0  }
0x7d: {  	s26 =	simm.s32 $0x200;
	[sflag:s17] =	ssyncadd.s32 $0xFFFFFE60  }
0x7e: {  	v0 =	vld [tilespmem:s26+$0x0];
	_ =	sdelay $0x4  }
0x7f: {  	v0 =	vshll.u32 v0, $0x4  }
0x80: {  	(v2sf) =	vpush v0, $0x0  }
0x81: {  	(v2sf) =	vpush v0, $0x1  }
0x82: {  	(v2sf) =	vpush v0, $0x2;
	_ =	sdelay $0x1  }
0x83: {  	(v2sf) =	vpush v0, $0x4;
	_ =	sdelay $0x1  }
0x84: {  	(v2sf) =	vpush v0, $0x3  }
0x85: {  	(v2sf) =	vpush v0, $0x5  }
0x86: {  	s28 =	simm.s32 $0x2000;
	s25 =	simm.s32 $0x0;
	(v2sf) =	vpush v0, $0x6  }
.LBB2_5:
0x87: {  	p0 =	sne.s32 s28, $0x32000  }
0x88: {  	s2 =	sadd.s32 $0xD480, s25;
	s31 =	sadd.s32 $0xD980, s25;
	s29 =	smov.u32 s28  }
0x89: {  	s28 =	sadd.s32 $0x2000, s28;
	s12 =	sadd.s32 $0xD780, s25;
	s1 =	sadd.s32 $0xDA00, s25;
	(v2sf) =	vpush v0, $0x7  }
0x8a: {  	s14 =	sadd.s32 $0xD680, s25;
	s8 =	sadd.s32 $0xD800, s25;
	s30 =	sadd.s32 $0xDA80, s25  }
0x8b: {  	s4 =	sadd.s32 $0xD400, s25;
	s7 =	sadd.s32 $0xD600, s25;
	(v2sf) =	vpush v0, $0x8  }
0x8c: {  	s9 =	sadd.s32 $0xD700, s25;
	s26 =	sadd.s32 $0x10, s26  }
0x8d: {  	s15 =	sadd.s32 $0xD500, s25;
	s0 =	sadd.s32 $0xD900, s25;
	s13 =	spop (v2sf);
	(v2sf) =	vpush v0, $0x9  }
0x8e: {  	s19 =	sand.u32 $0x1FFFFFF0, s13;
	s13 =	sadd.s32 $0xD880, s25;
	s22 =	spop (v2sf)  }
0x8f: {  	s19 =	sadd.s32 s5, s19;
	s22 =	sand.u32 $0x1FFFFFF0, s22;
	s23 =	spop (v2sf);
	(v2sf) =	vpush v0, $0xA  }
0x90: {  	[tilespmem:s4], [sflag:$0x4] =	stream.linear.gather [hbm4b:s19+s3], $0x80, $0x38;
	[tilespmem:$0x1A400] =	vst v63  }
0x91: {  	s4 =	sadd.s32 s5, s22;
	s19 =	sadd.s32 $0xD580, s25;
	s22 =	spop (v2sf);
	(v2sf) =	vpush v0, $0xB  }
0x92: {  	[tilespmem:s2], [sflag:$0x4] =	stream.linear.gather [hbm4b:s4+s3], $0x80, $0x38;
	[tilespmem:$0x1A400] =	vst v63  }
0x93: {  	s2 =	sand.u32 $0x1FFFFFF0, s23;
	s4 =	sand.u32 $0x1FFFFFF0, s22;
	s22 =	spop (v2sf);
	(v2sf) =	vpush v0, $0xC  }
0x94: {  	s2 =	sadd.s32 s5, s2;
	s22 =	sand.u32 $0x1FFFFFF0, s22;
	s23 =	spop (v2sf)  }
0x95: {  	[tilespmem:s15], [sflag:$0x4] =	stream.linear.gather [hbm4b:s2+s3], $0x80, $0x38;
	(v2sf) =	vpush v0, $0xD;
	[tilespmem:$0x1A400] =	vst v63  }
0x96: {  	s2 =	sadd.s32 s5, s22;
	s15 =	sand.u32 $0x1FFFFFF0, s23;
	s22 =	spop (v2sf)  }
0x97: {  	[tilespmem:s19], [sflag:$0x4] =	stream.linear.gather [hbm4b:s2+s3], $0x80, $0x38;
	(v2sf) =	vpush v0, $0xE;
	[tilespmem:$0x1A400] =	vst v63  }
0x98: {  	s2 =	sadd.s32 s5, s4;
	s4 =	sand.u32 $0x1FFFFFF0, s22;
	s19 =	spop (v2sf)  }
0x99: {  	[tilespmem:s7], [sflag:$0x4] =	stream.linear.gather [hbm4b:s2+s3], $0x80, $0x38;
	(v2sf) =	vpush v0, $0xF;
	[tilespmem:$0x1A400] =	vst v63  }
0x9a: {  	s2 =	sadd.s32 s5, s15;
	s7 =	sand.u32 $0x1FFFFFF0, s19;
	s15 =	spop (v2sf)  }
0x9b: {  	[tilespmem:s14], [sflag:$0x4] =	stream.linear.gather [hbm4b:s2+s3], $0x80, $0x38;
	[tilespmem:$0x1A400] =	vst v63  }
0x9c: {  	s2 =	sadd.s32 s5, s4;
	s4 =	sand.u32 $0x1FFFFFF0, s15;
	s14 =	spop (v2sf)  }
0x9d: {  	[tilespmem:s9], [sflag:$0x4] =	stream.linear.gather [hbm4b:s2+s3], $0x80, $0x38;
	[tilespmem:$0x1A400] =	vst v63  }
0x9e: {  	s2 =	sadd.s32 s5, s7;
	s7 =	sand.u32 $0x1FFFFFF0, s14;
	s9 =	spop (v2sf)  }
0x9f: {  	[tilespmem:s12], [sflag:$0x4] =	stream.linear.gather [hbm4b:s2+s3], $0x80, $0x38;
	[tilespmem:$0x1A400] =	vst v63  }
0xa0: {  	s2 =	sadd.s32 s5, s4;
	s4 =	sand.u32 $0x1FFFFFF0, s9;
	s9 =	spop (v2sf)  }
0xa1: {  	[tilespmem:s8], [sflag:$0x4] =	stream.linear.gather [hbm4b:s2+s3], $0x80, $0x38;
	[tilespmem:$0x1A400] =	vst v63  }
0xa2: {  	s2 =	sadd.s32 s5, s7;
	s7 =	sand.u32 $0x1FFFFFF0, s9;
	s8 =	spop (v2sf)  }
0xa3: {  	[tilespmem:s13], [sflag:$0x4] =	stream.linear.gather [hbm4b:s2+s3], $0x80, $0x38;
	[tilespmem:$0x1A400] =	vst v63  }
0xa4: {  	s2 =	sadd.s32 s5, s4;
	s4 =	sand.u32 $0x1FFFFFF0, s8;
	s8 =	spop (v2sf)  }
0xa5: {  	[tilespmem:s0], [sflag:$0x4] =	stream.linear.gather [hbm4b:s2+s3], $0x80, $0x38;
	[tilespmem:$0x1A400] =	vst v63  }
0xa6: {  	s0 =	sadd.s32 s5, s7;
	s2 =	sand.u32 $0x1FFFFFF0, s8;
	s7 =	spop (v2sf)  }
0xa7: {  	[tilespmem:s31], [sflag:$0x4] =	stream.linear.gather [hbm4b:s0+s3], $0x80, $0x38;
	[tilespmem:$0x1A400] =	vst v63  }
0xa8: {  	s0 =	sadd.s32 s5, s4;
	s4 =	sand.u32 $0x1FFFFFF0, s7;
	s7 =	spop (v2sf)  }
0xa9: {  	[tilespmem:s1], [sflag:$0x4] =	stream.linear.gather [hbm4b:s0+s3], $0x80, $0x38;
	[tilespmem:$0x1A400] =	vst v63  }
0xaa: {  	s0 =	sadd.s32 s5, s2;
	s1 =	sand.u32 $0x1FFFFFF0, s7  }
0xab: {  	[tilespmem:s30], [sflag:$0x4] =	stream.linear.gather [hbm4b:s0+s3], $0x80, $0x38;
	[tilespmem:$0x1A400] =	vst v63  }
0xac: {  	s2 =	sadd.s32 s5, s4;
	s0 =	sadd.s32 $0xDB00, s25  }
0xad: {  	[tilespmem:s0], [sflag:$0x4] =	stream.linear.gather [hbm4b:s2+s3], $0x80, $0x38;
	[tilespmem:$0x1A400] =	vst v63  }
0xae: {  	s1 =	sadd.s32 s5, s1;
	s0 =	sadd.s32 $0xDB80, s25  }
0xaf: {  	[tilespmem:s0], [sflag:$0x4] =	stream.linear.gather [hbm4b:s1+s3], $0x80, $0x38;
	[tilespmem:$0x1A400] =	vst v63  }
0xb0: {  	v0 =	vld [tilespmem:s26+$0x0];
	_ =	sdelay $0x4  }
0xb1: {  	v0 =	vshll.u32 v0, $0x4  }
0xb2: {  	(v2sf) =	vpush v0, $0x0  }
0xb3: {  	(v2sf) =	vpush v0, $0x1  }
0xb4: {  	(v2sf) =	vpush v0, $0x2;
	_ =	sdelay $0x1  }
0xb5: {  	(v2sf) =	vpush v0, $0x4  }
.Ltmp1:
0xb6: {  	(pc) =	sbr.rel @p0 .LBB2_5-.Ltmp1, $3  }
0xb7: {  	(v2sf) =	vpush v0, $0x3  }
0xb8: {  	(v2sf) =	vpush v0, $0x5;
	_ =	sdelay $0x1  }
0xb9: {  	s25 =	sshra.s32 s29, $0x2;
	(v2sf) =	vpush v0, $0x6  }
0xba: {  	_ =	sdelay $0x4  }
0xbb: {  	s2 =	sadd.s32 $0xD400, s25;
	s0 =	spop (v2sf)  }
0xbc: {  	s12 =	sadd.s32 $0xD480, s25;
	s0 =	sand.u32 $0x1FFFFFF0, s0;
	s1 =	spop (v2sf)  }
0xbd: {  	(v2sf) =	vpush v0, $0x7;
	s0 =	sadd.s32 s5, s0;
	s1 =	sand.u32 $0x1FFFFFF0, s1;
	s13 =	spop (v2sf)  }
0xbe: {  	(v2sf) =	vpush v0, $0x8;
	[tilespmem:s2], [sflag:$0x4] =	stream.linear.gather [hbm4b:s0+s3], $0x80, $0x38;
	[tilespmem:$0x1A400] =	vst v63  }
0xbf: {  	s1 =	sadd.s32 s5, s1;
	s14 =	sand.u32 $0x1FFFFFF0, s13;
	s19 =	spop (v2sf)  }
0xc0: {  	[tilespmem:s12], [sflag:$0x4] =	stream.linear.gather [hbm4b:s1+s3], $0x80, $0x38;
	[tilespmem:$0x1A400] =	vst v63  }
0xc1: {  	s15 =	sadd.s32 $0xD500, s25;
	s0 =	sadd.s32 s5, s14;
	(v2sf) =	vpush v0, $0x9;
	s22 =	spop (v2sf)  }
0xc2: {  	[tilespmem:s15], [sflag:$0x4] =	stream.linear.gather [hbm4b:s0+s3], $0x80, $0x38;
	[tilespmem:$0x1A400] =	vst v63  }
0xc3: {  	s23 =	sadd.s32 $0xD580, s25;
	s31 =	sadd.s32 $0xD600, s25;
	(v2sf) =	vpush v0, $0xA;
	s0 =	sand.u32 $0x1FFFFFF0, s22  }
0xc4: {  	s26 =	sand.u32 $0x1FFFFFF0, s19;
	(v2sf) =	vpush v0, $0xB;
	s30 =	spop (v2sf);
	s0 =	sadd.s32 s5, s0  }
0xc5: {  	[tilespmem:s23], [sflag:$0x4] =	stream.linear.gather [hbm4b:s0+s3], $0x80, $0x38;
	[tilespmem:$0x1A400] =	vst v63  }
0xc6: {  	s1 =	sand.u32 $0x1FFFFFF0, s30;
	(v2sf) =	vpush v0, $0xC;
	s0 =	sadd.s32 s5, s26;
	s7 =	spop (v2sf)  }
0xc7: {  	[tilespmem:s31], [sflag:$0x4] =	stream.linear.gather [hbm4b:s0+s3], $0x80, $0x38;
	[tilespmem:$0x1A400] =	vst v63  }
0xc8: {  	s4 =	sadd.s32 $0xD680, s25;
	s1 =	sadd.s32 s5, s1;
	(v2sf) =	vpush v0, $0xD;
	s8 =	sand.u32 $0x1FFFFFF0, s7  }
0xc9: {  	[tilespmem:s4], [sflag:$0x4] =	stream.linear.gather [hbm4b:s1+s3], $0x80, $0x38;
	[tilespmem:$0x1A400] =	vst v63  }
0xca: {  	s10 =	sadd.s32 $0xD700, s25;
	s0 =	sadd.s32 s5, s8  }
0xcb: {  	[tilespmem:s10], [sflag:$0x4] =	stream.linear.gather [hbm4b:s0+s3], $0x80, $0x38;
	[tilespmem:$0x1A400] =	vst v63  }
0xcc: {  	s12 =	sadd.s32 $0xD780, s25;
	s19 =	sadd.s32 $0xD800, s25;
	s9 =	spop (v2sf);
	(v2sf) =	vpush v0, $0xE  }
0xcd: {  	s22 =	sadd.s32 $0xD880, s25;
	s1 =	sand.u32 $0x1FFFFFF0, s9;
	s13 =	spop (v2sf)  }
0xce: {  	s31 =	sadd.s32 $0xD900, s25;
	s1 =	sadd.s32 s5, s1;
	s14 =	sand.u32 $0x1FFFFFF0, s13  }
0xcf: {  	(v2sf) =	vpush v0, $0xF;
	[tilespmem:s12], [sflag:$0x4] =	stream.linear.gather [hbm4b:s1+s3], $0x80, $0x38;
	[tilespmem:$0x1A400] =	vst v63  }
0xd0: {  	s4 =	sadd.s32 $0xD980, s25;
	s15 =	spop (v2sf);
	s0 =	sadd.s32 s5, s14  }
0xd1: {  	[tilespmem:s19], [sflag:$0x4] =	stream.linear.gather [hbm4b:s0+s3], $0x80, $0x38;
	[tilespmem:$0x1A400] =	vst v63  }
0xd2: {  	s10 =	sadd.s32 $0xDA00, s25;
	s1 =	sand.u32 $0x1FFFFFF0, s15;
	s23 =	spop (v2sf)  }
0xd3: {  	s1 =	sadd.s32 s5, s1;
	s26 =	sand.u32 $0x1FFFFFF0, s23;
	s30 =	spop (v2sf)  }
0xd4: {  	[tilespmem:s22], [sflag:$0x4] =	stream.linear.gather [hbm4b:s1+s3], $0x80, $0x38;
	[tilespmem:$0x1A400] =	vst v63  }
0xd5: {  	s1 =	sand.u32 $0x1FFFFFF0, s30;
	s0 =	sadd.s32 s5, s26;
	s7 =	spop (v2sf)  }
0xd6: {  	[tilespmem:s31], [sflag:$0x4] =	stream.linear.gather [hbm4b:s0+s3], $0x80, $0x38;
	[tilespmem:$0x1A400] =	vst v63  }
0xd7: {  	s1 =	sadd.s32 s5, s1;
	s8 =	sand.u32 $0x1FFFFFF0, s7;
	s9 =	spop (v2sf)  }
0xd8: {  	[tilespmem:s4], [sflag:$0x4] =	stream.linear.gather [hbm4b:s1+s3], $0x80, $0x38;
	[tilespmem:$0x1A400] =	vst v63  }
0xd9: {  	s12 =	sadd.s32 $0xDA80, s25;
	s0 =	sadd.s32 s5, s8;
	s1 =	sand.u32 $0x1FFFFFF0, s9  }
0xda: {  	[tilespmem:s10], [sflag:$0x4] =	stream.linear.gather [hbm4b:s0+s3], $0x80, $0x38;
	[tilespmem:$0x1A400] =	vst v63  }
0xdb: {  	s19 =	sadd.s32 $0xDB00, s25;
	s1 =	sadd.s32 s5, s1;
	s13 =	spop (v2sf)  }
0xdc: {  	[tilespmem:s12], [sflag:$0x4] =	stream.linear.gather [hbm4b:s1+s3], $0x80, $0x38;
	[tilespmem:$0x1A400] =	vst v63  }
0xdd: {  	s23 =	rddreg [dreg:$0x5];
	s22 =	sadd.s32 $0xDB80, s25;
	s14 =	sand.u32 $0x1FFFFFF0, s13  }
0xde: {  	s25 =	smul.u32 $0x340, s24;
	s15 =	spop (v2sf);
	s0 =	sadd.s32 s5, s14  }
0xdf: {  	[tilespmem:s19], [sflag:$0x4] =	stream.linear.gather [hbm4b:s0+s3], $0x80, $0x38;
	[tilespmem:$0x1A400] =	vst v63  }
0xe0: {  	s1 =	sand.u32 $0x1FFFFFF0, s15;
	s0 =	sadd.s32 s25, s23  }
0xe1: {  	s26 =	rddreg [dreg:$0x1];
	s1 =	sadd.s32 s5, s1;
	s0 =	sshrl.u32 s0, $0x3  }
0xe2: {  	[tilespmem:s22], [sflag:$0x4] =	stream.linear.gather [hbm4b:s1+s3], $0x80, $0x38;
	[tilespmem:$0x1A400] =	vst v63  }
0xe3: {  	s28 =	simm.s32 $0x0;
	s0 =	sadd.s32 s26, s0  }
0xe4: {  	[tilespmem:s28], [sflag:$0x1] =	stream.linear.gather [hbm4b:s0+s28], $0x1A0, $0x38;
	[tilespmem:$0x1A400] =	vst v63  }
0xe5: {  	s30 =	sadd.s32 s11, s25;
	_ =	swait.ge [sflag:s18], $0xD000  }
0xe6: {  	s0 =	sshll.u32 s30, $0x4;
	[sflag:s18] =	ssyncset.done $0x0  }
0xe7: {  	s31 =	simm.s32 $0x400;
	s0 =	sadd.s32 s6, s0;
	[sflag:s18] =	ssyncadd.s32 $0xFFFF3000  }
0xe8: {  	[hbm4b:s0+s28] =	stream.linear.scatter [tilespmem:s31], [sflag:$0x5], $0xD000, $0x38;
	[tilespmem:$0x1A400] =	vst v63  }
0xe9: {  	_ =	swait.ge [sflag:s20], $0xD000  }
0xea: {  	[sflag:s20] =	ssyncset.done $0x0  }
0xeb: {  	[sflag:s20] =	ssyncadd.s32 $0xFFFF3000  }
0xec: {  	_ =	swait.ge [sflag:s16], $0x1A0  }
0xed: {  	[sflag:s16] =	ssyncset.done $0x0  }
0xee: {  	[sflag:s16] =	ssyncadd.s32 $0xFFFFFE60  }
0xef: {  	v0 =	vld [tilespmem:s28+$0x0];
	_ =	sdelay $0x4  }
0xf0: {  	v0 =	vshll.u32 v0, $0x4  }
0xf1: {  	(v2sf) =	vpush v0, $0x0  }
0xf2: {  	(v2sf) =	vpush v0, $0x1  }
0xf3: {  	(v2sf) =	vpush v0, $0x2;
	_ =	sdelay $0x1  }
0xf4: {  	(v2sf) =	vpush v0, $0x4;
	_ =	sdelay $0x1  }
0xf5: {  	(v2sf) =	vpush v0, $0x3  }
0xf6: {  	(v2sf) =	vpush v0, $0x5  }
0xf7: {  	s29 =	simm.s32 $0x2000;
	s26 =	simm.s32 $0x0;
	(v2sf) =	vpush v0, $0x6  }
.LBB2_7:
0xf8: {  	p0 =	sne.s32 s29, $0x32000  }
0xf9: {  	s2 =	sadd.s32 $0x480, s26;
	s0 =	sadd.s32 $0x980, s26;
	s30 =	smov.u32 s29  }
0xfa: {  	s29 =	sadd.s32 $0x2000, s29;
	s13 =	sadd.s32 $0x780, s26;
	s1 =	sadd.s32 $0xA00, s26;
	(v2sf) =	vpush v0, $0x7  }
0xfb: {  	s7 =	sadd.s32 $0x680, s26;
	s12 =	sadd.s32 $0x800, s26;
	s31 =	sadd.s32 $0xA80, s26  }
0xfc: {  	s4 =	sadd.s32 $0x400, s26;
	s9 =	sadd.s32 $0x600, s26;
	(v2sf) =	vpush v0, $0x8  }
0xfd: {  	s15 =	sadd.s32 $0x700, s26;
	s28 =	sadd.s32 $0x10, s28  }
0xfe: {  	s19 =	sadd.s32 $0x500, s26;
	s8 =	sadd.s32 $0x900, s26;
	s14 =	spop (v2sf);
	(v2sf) =	vpush v0, $0x9  }
0xff: {  	s22 =	sand.u32 $0x1FFFFFF0, s14;
	s14 =	sadd.s32 $0x880, s26;
	s23 =	spop (v2sf)  }
0x100: {  	s22 =	sadd.s32 s5, s22;
	s23 =	sand.u32 $0x1FFFFFF0, s23;
	s10 =	spop (v2sf);
	(v2sf) =	vpush v0, $0xA  }
0x101: {  	[tilespmem:s4], [sflag:$0x3] =	stream.linear.gather [hbm4b:s22+s3], $0x80, $0x38;
	[tilespmem:$0x1A400] =	vst v63  }
0x102: {  	s4 =	sadd.s32 s5, s23;
	s22 =	sadd.s32 $0x580, s26;
	s23 =	spop (v2sf);
	(v2sf) =	vpush v0, $0xB  }
0x103: {  	[tilespmem:s2], [sflag:$0x3] =	stream.linear.gather [hbm4b:s4+s3], $0x80, $0x38;
	[tilespmem:$0x1A400] =	vst v63  }
0x104: {  	s2 =	sand.u32 $0x1FFFFFF0, s10;
	s4 =	sand.u32 $0x1FFFFFF0, s23;
	s10 =	spop (v2sf);
	(v2sf) =	vpush v0, $0xC  }
0x105: {  	s2 =	sadd.s32 s5, s2;
	s10 =	sand.u32 $0x1FFFFFF0, s10;
	s23 =	spop (v2sf)  }
0x106: {  	[tilespmem:s19], [sflag:$0x3] =	stream.linear.gather [hbm4b:s2+s3], $0x80, $0x38;
	(v2sf) =	vpush v0, $0xD;
	[tilespmem:$0x1A400] =	vst v63  }
0x107: {  	s2 =	sadd.s32 s5, s10;
	s10 =	sand.u32 $0x1FFFFFF0, s23;
	s19 =	spop (v2sf)  }
0x108: {  	[tilespmem:s22], [sflag:$0x3] =	stream.linear.gather [hbm4b:s2+s3], $0x80, $0x38;
	(v2sf) =	vpush v0, $0xE;
	[tilespmem:$0x1A400] =	vst v63  }
0x109: {  	s2 =	sadd.s32 s5, s4;
	s4 =	sand.u32 $0x1FFFFFF0, s19;
	s19 =	spop (v2sf)  }
0x10a: {  	[tilespmem:s9], [sflag:$0x3] =	stream.linear.gather [hbm4b:s2+s3], $0x80, $0x38;
	(v2sf) =	vpush v0, $0xF;
	[tilespmem:$0x1A400] =	vst v63  }
0x10b: {  	s2 =	sadd.s32 s5, s10;
	s9 =	sand.u32 $0x1FFFFFF0, s19;
	s10 =	spop (v2sf)  }
0x10c: {  	[tilespmem:s7], [sflag:$0x3] =	stream.linear.gather [hbm4b:s2+s3], $0x80, $0x38;
	[tilespmem:$0x1A400] =	vst v63  }
0x10d: {  	s2 =	sadd.s32 s5, s4;
	s4 =	sand.u32 $0x1FFFFFF0, s10;
	s7 =	spop (v2sf)  }
0x10e: {  	[tilespmem:s15], [sflag:$0x3] =	stream.linear.gather [hbm4b:s2+s3], $0x80, $0x38;
	[tilespmem:$0x1A400] =	vst v63  }
0x10f: {  	s2 =	sadd.s32 s5, s9;
	s7 =	sand.u32 $0x1FFFFFF0, s7;
	s9 =	spop (v2sf)  }
0x110: {  	[tilespmem:s13], [sflag:$0x3] =	stream.linear.gather [hbm4b:s2+s3], $0x80, $0x38;
	[tilespmem:$0x1A400] =	vst v63  }
0x111: {  	s2 =	sadd.s32 s5, s4;
	s4 =	sand.u32 $0x1FFFFFF0, s9;
	s9 =	spop (v2sf)  }
0x112: {  	[tilespmem:s12], [sflag:$0x3] =	stream.linear.gather [hbm4b:s2+s3], $0x80, $0x38;
	[tilespmem:$0x1A400] =	vst v63  }
0x113: {  	s2 =	sadd.s32 s5, s7;
	s7 =	sand.u32 $0x1FFFFFF0, s9;
	s9 =	spop (v2sf)  }
0x114: {  	[tilespmem:s14], [sflag:$0x3] =	stream.linear.gather [hbm4b:s2+s3], $0x80, $0x38;
	[tilespmem:$0x1A400] =	vst v63  }
0x115: {  	s2 =	sadd.s32 s5, s4;
	s4 =	sand.u32 $0x1FFFFFF0, s9;
	s9 =	spop (v2sf)  }
0x116: {  	[tilespmem:s8], [sflag:$0x3] =	stream.linear.gather [hbm4b:s2+s3], $0x80, $0x38;
	[tilespmem:$0x1A400] =	vst v63  }
0x117: {  	s2 =	sadd.s32 s5, s7;
	s7 =	sand.u32 $0x1FFFFFF0, s9;
	s8 =	spop (v2sf)  }
0x118: {  	[tilespmem:s0], [sflag:$0x3] =	stream.linear.gather [hbm4b:s2+s3], $0x80, $0x38;
	[tilespmem:$0x1A400] =	vst v63  }
0x119: {  	s0 =	sadd.s32 s5, s4;
	s2 =	sand.u32 $0x1FFFFFF0, s8;
	s4 =	spop (v2sf)  }
0x11a: {  	[tilespmem:s1], [sflag:$0x3] =	stream.linear.gather [hbm4b:s0+s3], $0x80, $0x38;
	[tilespmem:$0x1A400] =	vst v63  }
0x11b: {  	s0 =	sadd.s32 s5, s7;
	s1 =	sand.u32 $0x1FFFFFF0, s4  }
0x11c: {  	[tilespmem:s31], [sflag:$0x3] =	stream.linear.gather [hbm4b:s0+s3], $0x80, $0x38;
	[tilespmem:$0x1A400] =	vst v63  }
0x11d: {  	s2 =	sadd.s32 s5, s2;
	s0 =	sadd.s32 $0xB00, s26  }
0x11e: {  	[tilespmem:s0], [sflag:$0x3] =	stream.linear.gather [hbm4b:s2+s3], $0x80, $0x38;
	[tilespmem:$0x1A400] =	vst v63  }
0x11f: {  	s1 =	sadd.s32 s5, s1;
	s0 =	sadd.s32 $0xB80, s26  }
0x120: {  	[tilespmem:s0], [sflag:$0x3] =	stream.linear.gather [hbm4b:s1+s3], $0x80, $0x38;
	[tilespmem:$0x1A400] =	vst v63  }
0x121: {  	v0 =	vld [tilespmem:s28+$0x0];
	_ =	sdelay $0x4  }
0x122: {  	v0 =	vshll.u32 v0, $0x4  }
0x123: {  	(v2sf) =	vpush v0, $0x0  }
0x124: {  	(v2sf) =	vpush v0, $0x1  }
0x125: {  	(v2sf) =	vpush v0, $0x2;
	_ =	sdelay $0x1  }
0x126: {  	(v2sf) =	vpush v0, $0x4  }
.Ltmp2:
0x127: {  	(pc) =	sbr.rel @p0 .LBB2_7-.Ltmp2, $3  }
0x128: {  	(v2sf) =	vpush v0, $0x3  }
0x129: {  	(v2sf) =	vpush v0, $0x5;
	_ =	sdelay $0x1  }
0x12a: {  	s26 =	sshra.s32 s30, $0x2;
	(v2sf) =	vpush v0, $0x6  }
0x12b: {  	_ =	sdelay $0x5  }
0x12c: {  	s0 =	spop (v2sf)  }
0x12d: {  	s1 =	spop (v2sf)  }
0x12e: {  	s4 =	spop (v2sf)  }
0x12f: {  	s9 =	spop (v2sf);
	(v2sf) =	vpush v0, $0x7  }
0x130: {  	s0 =	sand.u32 $0x1FFFFFF0, s0  }
0x131: {  	s2 =	sadd.s32 $0x400, s26;
	s0 =	sadd.s32 s5, s0  }
0x132: {  	[tilespmem:s2], [sflag:$0x3] =	stream.linear.gather [hbm4b:s0+s3], $0x80, $0x38;
	[tilespmem:$0x1A400] =	vst v63  }
0x133: {  	s1 =	sand.u32 $0x1FFFFFF0, s1;
	s10 =	spop (v2sf);
	(v2sf) =	vpush v0, $0x8  }
0x134: {  	s2 =	sadd.s32 $0x480, s26;
	s1 =	sadd.s32 s5, s1  }
0x135: {  	[tilespmem:s2], [sflag:$0x3] =	stream.linear.gather [hbm4b:s1+s3], $0x80, $0x38;
	[tilespmem:$0x1A400] =	vst v63  }
0x136: {  	s7 =	sand.u32 $0x1FFFFFF0, s4;
	s15 =	spop (v2sf);
	(v2sf) =	vpush v0, $0x9  }
0x137: {  	s8 =	sadd.s32 $0x500, s26;
	s0 =	sadd.s32 s5, s7  }
0x138: {  	[tilespmem:s8], [sflag:$0x3] =	stream.linear.gather [hbm4b:s0+s3], $0x80, $0x38;
	[tilespmem:$0x1A400] =	vst v63  }
0x139: {  	s0 =	sand.u32 $0x1FFFFFF0, s10;
	s22 =	spop (v2sf);
	(v2sf) =	vpush v0, $0xA  }
0x13a: {  	s12 =	sadd.s32 $0x580, s26;
	s13 =	sand.u32 $0x1FFFFFF0, s9;
	s0 =	sadd.s32 s5, s0  }
0x13b: {  	[tilespmem:s12], [sflag:$0x3] =	stream.linear.gather [hbm4b:s0+s3], $0x80, $0x38;
	[tilespmem:$0x1A400] =	vst v63  }
0x13c: {  	s14 =	sadd.s32 $0x600, s26;
	s0 =	sadd.s32 s5, s13  }
0x13d: {  	[tilespmem:s14], [sflag:$0x3] =	stream.linear.gather [hbm4b:s0+s3], $0x80, $0x38;
	[tilespmem:$0x1A400] =	vst v63  }
0x13e: {  	s0 =	sand.u32 $0x1FFFFFF0, s15;
	s28 =	spop (v2sf);
	(v2sf) =	vpush v0, $0xB  }
0x13f: {  	s19 =	sadd.s32 $0x680, s26;
	s0 =	sadd.s32 s5, s0  }
0x140: {  	[tilespmem:s19], [sflag:$0x3] =	stream.linear.gather [hbm4b:s0+s3], $0x80, $0x38;
	[tilespmem:$0x1A400] =	vst v63  }
0x141: {  	s0 =	sand.u32 $0x1FFFFFF0, s22  }
0x142: {  	s23 =	sadd.s32 $0x700, s26;
	s0 =	sadd.s32 s5, s0;
	s30 =	spop (v2sf);
	(v2sf) =	vpush v0, $0xC  }
0x143: {  	[tilespmem:s23], [sflag:$0x3] =	stream.linear.gather [hbm4b:s0+s3], $0x80, $0x38;
	[tilespmem:$0x1A400] =	vst v63  }
0x144: {  	s0 =	sand.u32 $0x1FFFFFF0, s28  }
0x145: {  	s29 =	sadd.s32 $0x780, s26;
	s0 =	sadd.s32 s5, s0;
	s1 =	spop (v2sf);
	(v2sf) =	vpush v0, $0xD  }
0x146: {  	[tilespmem:s29], [sflag:$0x3] =	stream.linear.gather [hbm4b:s0+s3], $0x80, $0x38;
	[tilespmem:$0x1A400] =	vst v63  }
0x147: {  	s0 =	sand.u32 $0x1FFFFFF0, s30  }
0x148: {  	s31 =	sadd.s32 $0x800, s26;
	s0 =	sadd.s32 s5, s0;
	s4 =	spop (v2sf);
	(v2sf) =	vpush v0, $0xE  }
0x149: {  	[tilespmem:s31], [sflag:$0x3] =	stream.linear.gather [hbm4b:s0+s3], $0x80, $0x38;
	[tilespmem:$0x1A400] =	vst v63  }
0x14a: {  	s0 =	sand.u32 $0x1FFFFFF0, s1  }
0x14b: {  	s2 =	sadd.s32 $0x880, s26;
	s0 =	sadd.s32 s5, s0  }
0x14c: {  	[tilespmem:s2], [sflag:$0x3] =	stream.linear.gather [hbm4b:s0+s3], $0x80, $0x38;
	[tilespmem:$0x1A400] =	vst v63  }
0x14d: {  	s0 =	sand.u32 $0x1FFFFFF0, s4;
	s8 =	spop (v2sf);
	(v2sf) =	vpush v0, $0xF  }
0x14e: {  	s7 =	sadd.s32 $0x900, s26;
	s0 =	sadd.s32 s5, s0  }
0x14f: {  	[tilespmem:s7], [sflag:$0x3] =	stream.linear.gather [hbm4b:s0+s3], $0x80, $0x38;
	[tilespmem:$0x1A400] =	vst v63  }
0x150: {  	s0 =	sand.u32 $0x1FFFFFF0, s8  }
0x151: {  	s9 =	sadd.s32 $0x980, s26;
	s0 =	sadd.s32 s5, s0;
	s10 =	spop (v2sf)  }
0x152: {  	[tilespmem:s9], [sflag:$0x3] =	stream.linear.gather [hbm4b:s0+s3], $0x80, $0x38;
	[tilespmem:$0x1A400] =	vst v63  }
0x153: {  	s0 =	sand.u32 $0x1FFFFFF0, s10  }
0x154: {  	s12 =	sadd.s32 $0xA00, s26;
	s13 =	spop (v2sf);
	s0 =	sadd.s32 s5, s0  }
0x155: {  	[tilespmem:s12], [sflag:$0x3] =	stream.linear.gather [hbm4b:s0+s3], $0x80, $0x38;
	[tilespmem:$0x1A400] =	vst v63  }
0x156: {  	s0 =	sand.u32 $0x1FFFFFF0, s13  }
0x157: {  	s14 =	sadd.s32 $0xA80, s26;
	s15 =	spop (v2sf);
	s0 =	sadd.s32 s5, s0  }
0x158: {  	[tilespmem:s14], [sflag:$0x3] =	stream.linear.gather [hbm4b:s0+s3], $0x80, $0x38;
	[tilespmem:$0x1A400] =	vst v63  }
0x159: {  	s0 =	sand.u32 $0x1FFFFFF0, s15  }
0x15a: {  	s19 =	sadd.s32 $0xB00, s26;
	s0 =	sadd.s32 s5, s0  }
0x15b: {  	[tilespmem:s19], [sflag:$0x3] =	stream.linear.gather [hbm4b:s0+s3], $0x80, $0x38;
	[tilespmem:$0x1A400] =	vst v63  }
0x15c: {  	s22 =	spop (v2sf)  }
0x15d: {  	s0 =	sand.u32 $0x1FFFFFF0, s22  }
0x15e: {  	s23 =	sadd.s32 $0xB80, s26;
	s26 =	rddreg [dreg:$0x6];
	s0 =	sadd.s32 s5, s0  }
0x15f: {  	[tilespmem:s23], [sflag:$0x3] =	stream.linear.gather [hbm4b:s0+s3], $0x80, $0x38;
	[tilespmem:$0x1A400] =	vst v63  }
0x160: {  	s0 =	sadd.s32 s25, s26  }
0x161: {  	s28 =	rddreg [dreg:$0x1];
	s0 =	sshrl.u32 s0, $0x3  }
0x162: {  	s29 =	simm.s32 $0x200;
	s0 =	sadd.s32 s28, s0  }
0x163: {  	[tilespmem:s29], [sflag:$0x2] =	stream.linear.gather [hbm4b:s0+s3], $0x1A0, $0x38;
	[tilespmem:$0x1A400] =	vst v63  }
0x164: {  	_ =	swait.ge [sflag:s21], $0xD000  }
0x165: {  	s24 =	sadd.s32 $0x1, s24;
	s30 =	rddreg [dreg:$0x7]  }
0x166: {  	p0 =	sne.s32 s24, $0xF;
	s0 =	sadd.s32 s25, s30  }
0x167: {  	s31 =	simm.s32 $0xD400;
	[sflag:s21] =	ssyncset.done $0x0;
	s0 =	sshll.u32 s0, $0x4  }
.Ltmp3:
0x168: {  	[sflag:s21] =	ssyncadd.s32 $0xFFFF3000;
	s0 =	sadd.s32 s6, s0;
	(pc) =	sbr.rel @p0 .LBB2_4-.Ltmp3, $4  }
0x169: {  	[hbm4b:s0+s3] =	stream.linear.scatter [tilespmem:s31], [sflag:$0x5], $0xD000, $0x38;
	[tilespmem:$0x1A400] =	vst v63  }
0x16a: {  	_ =	swait.ge [sflag:s20], $0xD000  }
0x16b: {  	[sflag:s20] =	ssyncset.done $0x0  }
0x16c: {  	[sflag:s20] =	ssyncadd.s32 $0xFFFF3000  }
0x16d: {  	_ =	swait.ge [sflag:s17], $0x1A0  }
0x16e: {  	[sflag:s17] =	ssyncset.done $0x0  }
0x16f: {  	s25 =	simm.s32 $0x200;
	[sflag:s17] =	ssyncadd.s32 $0xFFFFFE60  }
0x170: {  	v0 =	vld [tilespmem:s25+$0x0];
	_ =	sdelay $0x4  }
0x171: {  	v0 =	vshll.u32 v0, $0x4  }
0x172: {  	(v2sf) =	vpush v0, $0x0  }
0x173: {  	(v2sf) =	vpush v0, $0x1  }
0x174: {  	(v2sf) =	vpush v0, $0x2;
	_ =	sdelay $0x1  }
0x175: {  	(v2sf) =	vpush v0, $0x4;
	_ =	sdelay $0x1  }
0x176: {  	(v2sf) =	vpush v0, $0x3  }
0x177: {  	(v2sf) =	vpush v0, $0x5  }
0x178: {  	s26 =	simm.s32 $0x2000;
	s24 =	simm.s32 $0x0;
	(v2sf) =	vpush v0, $0x6  }
.LBB2_10:
0x179: {  	p0 =	sne.s32 s26, $0x32000  }
0x17a: {  	s2 =	sadd.s32 $0xD480, s24;
	s0 =	sadd.s32 $0xD980, s24;
	s28 =	smov.u32 s26  }
0x17b: {  	s26 =	sadd.s32 $0x2000, s26;
	s13 =	sadd.s32 $0xD780, s24;
	s1 =	sadd.s32 $0xDA00, s24;
	(v2sf) =	vpush v0, $0x7  }
0x17c: {  	s7 =	sadd.s32 $0xD680, s24;
	s12 =	sadd.s32 $0xD800, s24;
	s29 =	sadd.s32 $0xDA80, s24  }
0x17d: {  	s4 =	sadd.s32 $0xD400, s24;
	s9 =	sadd.s32 $0xD600, s24;
	(v2sf) =	vpush v0, $0x8  }
0x17e: {  	s10 =	sadd.s32 $0xD700, s24;
	s25 =	sadd.s32 $0x10, s25  }
0x17f: {  	s15 =	sadd.s32 $0xD500, s24;
	s8 =	sadd.s32 $0xD900, s24;
	s14 =	spop (v2sf);
	(v2sf) =	vpush v0, $0x9  }
0x180: {  	s19 =	sand.u32 $0x1FFFFFF0, s14;
	s14 =	sadd.s32 $0xD880, s24;
	s22 =	spop (v2sf)  }
0x181: {  	s19 =	sadd.s32 s5, s19;
	s22 =	sand.u32 $0x1FFFFFF0, s22;
	s23 =	spop (v2sf);
	(v2sf) =	vpush v0, $0xA  }
0x182: {  	[tilespmem:s4], [sflag:$0x4] =	stream.linear.gather [hbm4b:s19+s3], $0x80, $0x38;
	[tilespmem:$0x1A400] =	vst v63  }
0x183: {  	s4 =	sadd.s32 s5, s22;
	s19 =	sadd.s32 $0xD580, s24;
	s22 =	spop (v2sf);
	(v2sf) =	vpush v0, $0xB  }
0x184: {  	[tilespmem:s2], [sflag:$0x4] =	stream.linear.gather [hbm4b:s4+s3], $0x80, $0x38;
	[tilespmem:$0x1A400] =	vst v63  }
0x185: {  	s2 =	sand.u32 $0x1FFFFFF0, s23;
	s4 =	sand.u32 $0x1FFFFFF0, s22;
	s22 =	spop (v2sf);
	(v2sf) =	vpush v0, $0xC  }
0x186: {  	s2 =	sadd.s32 s5, s2;
	s22 =	sand.u32 $0x1FFFFFF0, s22;
	s23 =	spop (v2sf)  }
0x187: {  	[tilespmem:s15], [sflag:$0x4] =	stream.linear.gather [hbm4b:s2+s3], $0x80, $0x38;
	(v2sf) =	vpush v0, $0xD;
	[tilespmem:$0x1A400] =	vst v63  }
0x188: {  	s2 =	sadd.s32 s5, s22;
	s15 =	sand.u32 $0x1FFFFFF0, s23;
	s22 =	spop (v2sf)  }
0x189: {  	[tilespmem:s19], [sflag:$0x4] =	stream.linear.gather [hbm4b:s2+s3], $0x80, $0x38;
	(v2sf) =	vpush v0, $0xE;
	[tilespmem:$0x1A400] =	vst v63  }
0x18a: {  	s2 =	sadd.s32 s5, s4;
	s4 =	sand.u32 $0x1FFFFFF0, s22;
	s19 =	spop (v2sf)  }
0x18b: {  	[tilespmem:s9], [sflag:$0x4] =	stream.linear.gather [hbm4b:s2+s3], $0x80, $0x38;
	(v2sf) =	vpush v0, $0xF;
	[tilespmem:$0x1A400] =	vst v63  }
0x18c: {  	s2 =	sadd.s32 s5, s15;
	s9 =	sand.u32 $0x1FFFFFF0, s19;
	s15 =	spop (v2sf)  }
0x18d: {  	[tilespmem:s7], [sflag:$0x4] =	stream.linear.gather [hbm4b:s2+s3], $0x80, $0x38;
	[tilespmem:$0x1A400] =	vst v63  }
0x18e: {  	s2 =	sadd.s32 s5, s4;
	s4 =	sand.u32 $0x1FFFFFF0, s15;
	s7 =	spop (v2sf)  }
0x18f: {  	[tilespmem:s10], [sflag:$0x4] =	stream.linear.gather [hbm4b:s2+s3], $0x80, $0x38;
	[tilespmem:$0x1A400] =	vst v63  }
0x190: {  	s2 =	sadd.s32 s5, s9;
	s7 =	sand.u32 $0x1FFFFFF0, s7;
	s9 =	spop (v2sf)  }
0x191: {  	[tilespmem:s13], [sflag:$0x4] =	stream.linear.gather [hbm4b:s2+s3], $0x80, $0x38;
	[tilespmem:$0x1A400] =	vst v63  }
0x192: {  	s2 =	sadd.s32 s5, s4;
	s4 =	sand.u32 $0x1FFFFFF0, s9;
	s9 =	spop (v2sf)  }
0x193: {  	[tilespmem:s12], [sflag:$0x4] =	stream.linear.gather [hbm4b:s2+s3], $0x80, $0x38;
	[tilespmem:$0x1A400] =	vst v63  }
0x194: {  	s2 =	sadd.s32 s5, s7;
	s7 =	sand.u32 $0x1FFFFFF0, s9;
	s9 =	spop (v2sf)  }
0x195: {  	[tilespmem:s14], [sflag:$0x4] =	stream.linear.gather [hbm4b:s2+s3], $0x80, $0x38;
	[tilespmem:$0x1A400] =	vst v63  }
0x196: {  	s2 =	sadd.s32 s5, s4;
	s4 =	sand.u32 $0x1FFFFFF0, s9;
	s9 =	spop (v2sf)  }
0x197: {  	[tilespmem:s8], [sflag:$0x4] =	stream.linear.gather [hbm4b:s2+s3], $0x80, $0x38;
	[tilespmem:$0x1A400] =	vst v63  }
0x198: {  	s2 =	sadd.s32 s5, s7;
	s7 =	sand.u32 $0x1FFFFFF0, s9;
	s8 =	spop (v2sf)  }
0x199: {  	[tilespmem:s0], [sflag:$0x4] =	stream.linear.gather [hbm4b:s2+s3], $0x80, $0x38;
	[tilespmem:$0x1A400] =	vst v63  }
0x19a: {  	s0 =	sadd.s32 s5, s4;
	s2 =	sand.u32 $0x1FFFFFF0, s8;
	s4 =	spop (v2sf)  }
0x19b: {  	[tilespmem:s1], [sflag:$0x4] =	stream.linear.gather [hbm4b:s0+s3], $0x80, $0x38;
	[tilespmem:$0x1A400] =	vst v63  }
0x19c: {  	s0 =	sadd.s32 s5, s7;
	s1 =	sand.u32 $0x1FFFFFF0, s4  }
0x19d: {  	[tilespmem:s29], [sflag:$0x4] =	stream.linear.gather [hbm4b:s0+s3], $0x80, $0x38;
	[tilespmem:$0x1A400] =	vst v63  }
0x19e: {  	s2 =	sadd.s32 s5, s2;
	s0 =	sadd.s32 $0xDB00, s24  }
0x19f: {  	[tilespmem:s0], [sflag:$0x4] =	stream.linear.gather [hbm4b:s2+s3], $0x80, $0x38;
	[tilespmem:$0x1A400] =	vst v63  }
0x1a0: {  	s1 =	sadd.s32 s5, s1;
	s0 =	sadd.s32 $0xDB80, s24  }
0x1a1: {  	[tilespmem:s0], [sflag:$0x4] =	stream.linear.gather [hbm4b:s1+s3], $0x80, $0x38;
	[tilespmem:$0x1A400] =	vst v63  }
0x1a2: {  	v0 =	vld [tilespmem:s25+$0x0];
	_ =	sdelay $0x4  }
0x1a3: {  	v0 =	vshll.u32 v0, $0x4  }
0x1a4: {  	(v2sf) =	vpush v0, $0x0  }
0x1a5: {  	(v2sf) =	vpush v0, $0x1  }
0x1a6: {  	(v2sf) =	vpush v0, $0x2;
	_ =	sdelay $0x1  }
0x1a7: {  	(v2sf) =	vpush v0, $0x4  }
.Ltmp4:
0x1a8: {  	(pc) =	sbr.rel @p0 .LBB2_10-.Ltmp4, $3  }
0x1a9: {  	(v2sf) =	vpush v0, $0x3  }
0x1aa: {  	(v2sf) =	vpush v0, $0x5;
	_ =	sdelay $0x1  }
0x1ab: {  	s24 =	sshra.s32 s28, $0x2;
	(v2sf) =	vpush v0, $0x6  }
0x1ac: {  	_ =	sdelay $0x5  }
0x1ad: {  	s0 =	spop (v2sf)  }
0x1ae: {  	s1 =	spop (v2sf)  }
0x1af: {  	s8 =	spop (v2sf)  }
0x1b0: {  	s12 =	spop (v2sf);
	(v2sf) =	vpush v0, $0x7  }
0x1b1: {  	s0 =	sand.u32 $0x1FFFFFF0, s0  }
0x1b2: {  	s2 =	sadd.s32 $0xD400, s24;
	s0 =	sadd.s32 s5, s0  }
0x1b3: {  	[tilespmem:s2], [sflag:$0x4] =	stream.linear.gather [hbm4b:s0+s3], $0x80, $0x38;
	[tilespmem:$0x1A400] =	vst v63  }
0x1b4: {  	s1 =	sand.u32 $0x1FFFFFF0, s1;
	s13 =	spop (v2sf);
	(v2sf) =	vpush v0, $0x8  }
0x1b5: {  	s7 =	sadd.s32 $0xD480, s24;
	s1 =	sadd.s32 s5, s1  }
0x1b6: {  	[tilespmem:s7], [sflag:$0x4] =	stream.linear.gather [hbm4b:s1+s3], $0x80, $0x38;
	[tilespmem:$0x1A400] =	vst v63  }
0x1b7: {  	s9 =	sand.u32 $0x1FFFFFF0, s8;
	s22 =	spop (v2sf);
	(v2sf) =	vpush v0, $0x9  }
0x1b8: {  	s10 =	sadd.s32 $0xD500, s24;
	s0 =	sadd.s32 s5, s9  }
0x1b9: {  	[tilespmem:s10], [sflag:$0x4] =	stream.linear.gather [hbm4b:s0+s3], $0x80, $0x38;
	[tilespmem:$0x1A400] =	vst v63  }
0x1ba: {  	s0 =	sand.u32 $0x1FFFFFF0, s13;
	s25 =	spop (v2sf);
	(v2sf) =	vpush v0, $0xA  }
0x1bb: {  	s14 =	sadd.s32 $0xD580, s24;
	s15 =	sand.u32 $0x1FFFFFF0, s12;
	s0 =	sadd.s32 s5, s0  }
0x1bc: {  	[tilespmem:s14], [sflag:$0x4] =	stream.linear.gather [hbm4b:s0+s3], $0x80, $0x38;
	[tilespmem:$0x1A400] =	vst v63  }
0x1bd: {  	s19 =	sadd.s32 $0xD600, s24;
	s0 =	sadd.s32 s5, s15  }
0x1be: {  	[tilespmem:s19], [sflag:$0x4] =	stream.linear.gather [hbm4b:s0+s3], $0x80, $0x38;
	[tilespmem:$0x1A400] =	vst v63  }
0x1bf: {  	s0 =	sand.u32 $0x1FFFFFF0, s22;
	s28 =	spop (v2sf);
	(v2sf) =	vpush v0, $0xB  }
0x1c0: {  	s23 =	sadd.s32 $0xD680, s24;
	s0 =	sadd.s32 s5, s0  }
0x1c1: {  	[tilespmem:s23], [sflag:$0x4] =	stream.linear.gather [hbm4b:s0+s3], $0x80, $0x38;
	[tilespmem:$0x1A400] =	vst v63  }
0x1c2: {  	s0 =	sand.u32 $0x1FFFFFF0, s25  }
0x1c3: {  	s26 =	sadd.s32 $0xD700, s24;
	s0 =	sadd.s32 s5, s0;
	s30 =	spop (v2sf);
	(v2sf) =	vpush v0, $0xC  }
0x1c4: {  	[tilespmem:s26], [sflag:$0x4] =	stream.linear.gather [hbm4b:s0+s3], $0x80, $0x38;
	[tilespmem:$0x1A400] =	vst v63  }
0x1c5: {  	s0 =	sand.u32 $0x1FFFFFF0, s28  }
0x1c6: {  	s29 =	sadd.s32 $0xD780, s24;
	s0 =	sadd.s32 s5, s0;
	s2 =	spop (v2sf);
	(v2sf) =	vpush v0, $0xD  }
0x1c7: {  	[tilespmem:s29], [sflag:$0x4] =	stream.linear.gather [hbm4b:s0+s3], $0x80, $0x38;
	[tilespmem:$0x1A400] =	vst v63  }
0x1c8: {  	s0 =	sand.u32 $0x1FFFFFF0, s30  }
0x1c9: {  	s31 =	sadd.s32 $0xD800, s24;
	s0 =	sadd.s32 s5, s0;
	s7 =	spop (v2sf);
	(v2sf) =	vpush v0, $0xE  }
0x1ca: {  	[tilespmem:s31], [sflag:$0x4] =	stream.linear.gather [hbm4b:s0+s3], $0x80, $0x38;
	[tilespmem:$0x1A400] =	vst v63  }
0x1cb: {  	s0 =	sand.u32 $0x1FFFFFF0, s2  }
0x1cc: {  	s4 =	sadd.s32 $0xD880, s24;
	s0 =	sadd.s32 s5, s0  }
0x1cd: {  	[tilespmem:s4], [sflag:$0x4] =	stream.linear.gather [hbm4b:s0+s3], $0x80, $0x38;
	[tilespmem:$0x1A400] =	vst v63  }
0x1ce: {  	s0 =	sand.u32 $0x1FFFFFF0, s7;
	s9 =	spop (v2sf);
	(v2sf) =	vpush v0, $0xF  }
0x1cf: {  	s8 =	sadd.s32 $0xD900, s24;
	s0 =	sadd.s32 s5, s0  }
0x1d0: {  	[tilespmem:s8], [sflag:$0x4] =	stream.linear.gather [hbm4b:s0+s3], $0x80, $0x38;
	[tilespmem:$0x1A400] =	vst v63  }
0x1d1: {  	s0 =	sand.u32 $0x1FFFFFF0, s9  }
0x1d2: {  	s10 =	sadd.s32 $0xD980, s24;
	s0 =	sadd.s32 s5, s0;
	s12 =	spop (v2sf)  }
0x1d3: {  	[tilespmem:s10], [sflag:$0x4] =	stream.linear.gather [hbm4b:s0+s3], $0x80, $0x38;
	[tilespmem:$0x1A400] =	vst v63  }
0x1d4: {  	s0 =	sand.u32 $0x1FFFFFF0, s12  }
0x1d5: {  	s13 =	sadd.s32 $0xDA00, s24;
	s14 =	spop (v2sf);
	s0 =	sadd.s32 s5, s0  }
0x1d6: {  	[tilespmem:s13], [sflag:$0x4] =	stream.linear.gather [hbm4b:s0+s3], $0x80, $0x38;
	[tilespmem:$0x1A400] =	vst v63  }
0x1d7: {  	s0 =	sand.u32 $0x1FFFFFF0, s14  }
0x1d8: {  	s15 =	sadd.s32 $0xDA80, s24;
	s19 =	spop (v2sf);
	s0 =	sadd.s32 s5, s0  }
0x1d9: {  	[tilespmem:s15], [sflag:$0x4] =	stream.linear.gather [hbm4b:s0+s3], $0x80, $0x38;
	[tilespmem:$0x1A400] =	vst v63  }
0x1da: {  	s0 =	sand.u32 $0x1FFFFFF0, s19  }
0x1db: {  	s22 =	sadd.s32 $0xDB00, s24;
	s0 =	sadd.s32 s5, s0  }
0x1dc: {  	[tilespmem:s22], [sflag:$0x4] =	stream.linear.gather [hbm4b:s0+s3], $0x80, $0x38;
	[tilespmem:$0x1A400] =	vst v63  }
0x1dd: {  	s23 =	spop (v2sf)  }
0x1de: {  	s0 =	sand.u32 $0x1FFFFFF0, s23  }
0x1df: {  	s24 =	sadd.s32 $0xDB80, s24;
	s0 =	sadd.s32 s5, s0  }
0x1e0: {  	[tilespmem:s24], [sflag:$0x4] =	stream.linear.gather [hbm4b:s0+s3], $0x80, $0x38;
	[tilespmem:$0x1A400] =	vst v63  }
0x1e1: {  	_ =	swait.ge [sflag:s18], $0xD000  }
0x1e2: {  	[sflag:s18] =	ssyncset.done $0x0  }
0x1e3: {  	s26 =	simm.s32 $0x400;
	s25 =	rddreg [dreg:$0x8];
	[sflag:s18] =	ssyncadd.s32 $0xFFFF3000  }
0x1e4: {  	[hbm4b:s25+s3] =	stream.linear.scatter [tilespmem:s26], [sflag:$0x5], $0xD000, $0x38;
	[tilespmem:$0x1A400] =	vst v63  }
0x1e5: {  	_ =	swait.ge [sflag:s20], $0xD000  }
0x1e6: {  	[sflag:s20] =	ssyncset.done $0x0  }
0x1e7: {  	[sflag:s20] =	ssyncadd.s32 $0xFFFF3000  }
0x1e8: {  	_ =	swait.ge [sflag:s21], $0xD000  }
0x1e9: {  	[sflag:s21] =	ssyncset.done $0x0  }
0x1ea: {  	s29 =	simm.s32 $0xD400;
	s28 =	rddreg [dreg:$0x9];
	[sflag:s21] =	ssyncadd.s32 $0xFFFF3000  }
0x1eb: {  	[hbm4b:s28+s3] =	stream.linear.scatter [tilespmem:s29], [sflag:$0x5], $0xD000, $0x38;
	[tilespmem:$0x1A400] =	vst v63  }
0x1ec: {  	_ =	swait.ge [sflag:s20], $0xD000  }
0x1ed: {  	s30 =	rddreg [dreg:$0xb]  }
0x1ee: {  	s31 =	rddreg [dreg:$0xa];
	s1 =	sadd.s32 $0x1, s30  }
0x1ef: {  	p0 =	sne.s32 s1, s31  }
.Ltmp5:
0x1f0: {  	_ = 	snop;
	(pc) =	sbr.rel @p0 .LBB2_1-.Ltmp5, $3  }
0x1f1: {  	_ =	sdelay $0x1  }
0x1f2: {  	[sflag:s20] =	ssyncset.done $0x0  }
0x1f3: {  	[sflag:s20] =	ssyncadd.s32 $0xFFFF3000  }
0x1f4: {  	_ =	sfence.sel $0x180000  }
0x1f5: {  	[bflag:$0x0] =	sbarrier.arrive $0xFFFF  }
0x1f6: {  	_ =	strace $0x90000047  }
0x1f7: {  	s0 =	stileid.u32;
	[bflag:$0x2] =	sbarrier.arrive $0xFFFF  }
0x1f8: {  	p0 =	sne.s32 s0, $0x0;
	s0 =	rddreg [dreg:$0x2]  }
0x1f9: {  	s0 =	sadd.s32 @!p0 $0x100000, s0  }
0x1fa: {  	[sflag:s0] =	ssyncadd.tile.s32 @!p0 $0x1;
	_ =	shalt  }
.Lfunc_end2:
_tile_overlayer_lowered:
.L_overlay_start_2:
0x1fb: {  	(tag) =	ssettag $0x2  }
0x1fc: {  	s0 =	rddreg [dreg:$0x0];
	s2 =	stileid.u32  }
0x1fd: {  	s1 =	rddreg [dreg:$0x1];
	p0 =	sne.s32 s2, $0x0  }
0x1fe: {  	s3 =	rddreg [dreg:$0x2];
	[bflag:$0x3] =	sbarrier.arrive $0xFFFF;
	s2 =	simm.s32 @!p0 $0x1C05  }
0x1ff: {  	[timem:s3], [sflag:s2] =	dma.local @!p0 [hbm:s0], s1  }
0x200: {  	s0 =	simm.s32 @!p0 $0x5  }
0x201: {  	_ =	swait.ge @!p0 [sflag:s0], s1  }
0x202: {  	s1 =	ssub.s32 @!p0 $0x0, s1;
	[sflag:s0] =	ssyncset.done @!p0 $0x0  }
0x203: {  	[sflag:s0] =	ssyncadd.s32 @!p0 s1  }
0x204: {  	[bflag:$0x3] =	sbarrier.arrive $0xFFFF  }
0x205: {  	_ =	shalt  }

// kernel: sparse-core-data-format-call.cloned.1.call-start
scs
called_computation_lowered:
.L_overlay_start_0:
0x0: {  	s2 =	sld [smem:$0x3FD9]  }
0x1: {  	s3 =	sld [smem:$0x3FFE];
	_ =	sdelay $0x1  }
0x2: {  	s1 =	srdreg.scid  }
0x3: {  	s0 =	sand.u32 $0x1, s1  }
0x4: {  	s18 =	sshll.u32 s0, $0xA;
	s2 =	sadd.s32 s3, s2  }
0x5: {  	s2 =	sadd.s32 s2, s18  }
0x6: {  	[smem:$0x3FC6] =	sst s2  }
0x7: {  	_ = 	snop  }
0x8: {  	s2 =	sld [smem:$0x3FD0];
	(tm) =	ssettm $0x1  }
0x9: {  	s19 =	sld [smem:$0x3FFB];
	_ =	sdelay $0x3  }
0xa: {  	_ =	strace s19  }
0xb: {  	s3 =	sld [smem:$0x3FFC];
	_ =	sdelay $0x3  }
0xc: {  	_ =	strace s3  }
0xd: {  	s3 =	sld [smem:$0x3FFD];
	_ =	sdelay $0x3  }
0xe: {  	_ =	strace s3  }
0xf: {  	_ =	strace $0x8FFFFFFF  }
0x10: {  	s20 =	sld [smem:$0x3FDB];
	_ =	sdelay $0x1  }
0x11: {  	s4 =	simm.s32 $_scs_section_size  }
0x12: {  	s5 =	simm.s32 $_size__tile_overlayer_lowered;
	s6 =	simm.s32 $_tile_overlayer_lowered  }
0x13: {  	s23 =	simm.s32 $0x1BFF;
	s22 =	sshll.u32 s6, $0x1;
	s3 =	sadd.s32 s4, s20  }
0x14: {  	s7 =	simm.s32 $0x0;
	s21 =	sshll.u32 s5, $0x1;
	s5 =	sadd.s32 s22, s3  }
0x15: {  	[timem:s7], [sflag:s23] =	dma.local [hbm:s5], s21  }
0x16: {  	_ =	swait.ge [sflag:s23], s21  }
0x17: {  	s4 =	ssub.s32 $0x0, s21;
	[sflag:s23] =	ssyncset.done $0x0  }
0x18: {  	[sflag:s23] =	ssyncadd.s32 s4;
	_ =	sdelay $0x1  }
0x19: {  	s24 =	simm.s32 $0x1B8B  }
0x1a: {  	_ =	swait.ge [sflag:s24], $0x1  }
0x1b: {  	[sflag:s24] =	ssyncset.done $0x0  }
0x1c: {  	s26 =	simm.s32 $0x1B8E;
	s25 =	sld [smem:$0x3FFE];
	[sflag:s24] =	ssyncadd.s32 $0xFFFFFFFF  }
0x1d: {  	s27 =	simm.s32 $execute0_lowered;
	[smem:$0x3FD2] =	sst s26  }
0x1e: {  	s5 =	sshll.u32 s27, $0x1;
	_ =	strace $0x80000049;
	[dreg:$0x1] =	wrdreg $0xFFFFFFFF  }
0x1f: {  	s28 =	simm.s32 $_size_execute0_lowered;
	s3 =	sadd.s32 s3, s5;
	[dreg:$0x0] =	wrdreg $0x0  }
0x20: {  	s5 =	sshll.u32 s28, $0x1;
	[dreg:$0x2] =	wrdreg s3  }
0x21: {  	[dreg:$0x3] =	wrdreg s5  }
0x22: {  	[dreg:$0x4] =	wrdreg $0xC0  }
0x23: {  	_ =	task [dreg:s7], $0x5FFFF  }
0x24: {  	[dreg:$0x1] =	wrdreg $0xFFFFFFFF  }
0x25: {  	[dreg:$0x0] =	wrdreg $0x60  }
0x26: {  	[dreg:$0x2] =	wrdreg s25  }
0x27: {  	[dreg:$0x3] =	wrdreg s2  }
0x28: {  	[dreg:$0x4] =	wrdreg $0x9  }
0x29: {  	_ =	task.clear_ibuf [dreg:s7], $0x5FFFF;
	_ =	strace $0x90000049  }
0x2a: {  	s29 =	simm.s32 $0x9;
	_ =	strace $0x8000004B  }
0x2b: {  	_ =	swait.ge [sflag:s29], $0x1  }
0x2c: {  	[sflag:s29] =	ssyncadd.s32 $0xFFFFFFFF  }
0x2d: {  	_ =	strace $0x9000004B  }
0x2e: {  	_ =	sfence  }
0x2f: {  	s30 =	sld [smem:$0x0];
	_ =	sdelay $0x2  }
0x30: {  	s31 =	sshll.u32 s1, $0xD;
	s1 =	sshrl.u32 s1, $0x2  }
0x31: {  	s3 =	sand.u32 $0x4000, s31;
	s1 =	sadd.s32 s1, s30  }
0x32: {  	s0 =	sor.u32 s3, s0;
	s1 =	sshll.u32 s1, $0x11  }
0x33: {  	s0 =	sor.u32 s1, s0  }
0x34: {  	s0 =	sadd.s32 $0x8F2B, s0  }
0x35: {  	[sflag:s0] =	ssyncadd.remote.s32 $0x1  }
0x36: {  	_ =	sfence.sel $0xFFFF  }
0x37: {  	[dreg:$0x0] =	wrdreg $0xFFFFFFFF;
	(pc) =	sbr.abs _section_cstart, $3  }
0x38: {  	[dreg:$0x1] =	wrdreg $0xFFFFFFFF  }
0x39: {  	_ =	task.clear_ibuf [dreg:s7], $0x2FFFF;
	_ =	strace $0x9FFFFFFF  }
0x3a: {  	(tm) =	ssettm $0x7FFFFFFF  }
0x3b: {  	_ =	shalt  }
tec
execute0_lowered:
.L_overlay_start_1:
0x0: {  	(tag) =	ssettag $0x1  }
0x1: {  	s0 =	srdreg.scid  }
0x2: {  	s1 =	sshll.u32 s0, $0x4  }
0x3: {  	s4 =	rddreg [dreg:$0x0];
	s0 =	stileid.u32;
	s1 =	sand.u32 $0x10, s1  }
0x4: {  	s2 =	rddreg [dreg:$0x1];
	s7 =	simm.s32 $0x1;
	s1 =	sor.u32 s0, s1  }
0x5: {  	s8 =	simm.s32 $0x2;
	s11 =	simm.s32 $0x0;
	s3 =	sshll.u32 s1, $0x7  }
0x6: {  	s10 =	simm.s32 $0x0;
	s4 =	sadd.s32 $0xF42C00, s4;
	s6 =	ssub.s32 $0x68000, s3  }
.Ltmp0:
0x7: {  	s1 =	rddreg [dreg:$0x2];
	s5 =	sand.u32 $0xF80, s6;
	(pc) =	sbr.rel .LBB1_1-.Ltmp0, $4  }
0x8: {  	_ =	strace $0x8000004A;
	s9 =	smov.u32 s3;
	p0 =	sne.s32 s5, $0x0  }
0x9: {  	s6 =	sshrl.u32 s6, $0xC;
	s5 =	simm.s32 $0x1;
	s7 =	simm.s32 @!p0 $0x0  }
0xa: {  	[sflag:s5] =	ssyncpa.u1 $0x0;
	p0 =	por $0x0, $0x0;
	s6 =	sadd.s32 s7, s6  }
0xb: {  	[sflag:s8] =	ssyncpa.u1 $0x0;
	s8 =	simm.s32 $0x340000;
	s7 =	sadd.s32 $0x1, s6  }
.LBB1_4:
0xc: {  	s14 =	sshll.u32 s11, $0x3  }
0xd: {  	s30 =	sand.u32 $0x7F, s11;
	s15 =	sand.u32 $0xFFFFFC00, s14  }
0xe: {  	s11 =	sor.u32 s30, s15  }
0xf: {  	s15 =	smulhi.u32 $0x4EC4EC4F, s11  }
0x10: {  	s14 =	smulhi.u32 $0x4EC4EC4F, s14  }
0x11: {  	s15 =	sshrl.u32 s15, $0x11  }
0x12: {  	s14 =	sshrl.u32 s14, $0x11;
	s15 =	smul.u32 $0x68000, s15  }
0x13: {  	s14 =	sand.u32 $0x3F, s14  }
0x14: {  	s14 =	smul.u32 $0xD000, s14;
	s11 =	ssub.s32 s11, s15  }
0x15: {  	[tilespmem:s13+$0x810 ss:$0x81] =	vst.msk $0xffff, v2;
	s15 =	sand.u32 $0x7, s11  }
0x16: {  	[tilespmem:s13+$0x1020 ss:$0x81] =	vst.msk $0xffff, v0;
	s14 =	sadd.s32 s2, s14;
	s11 =	sshrl.u32 s11, $0x3;
	s15 =	sshll.u32 s15, $0x12  }
0x17: {  	[tilespmem:s13+$0x0 ss:$0x81] =	vst.msk $0xffff, v1;
	s11 =	sadd.s32 s11, s14;
	s31 =	sor.u32 $0x400, s15  }
0x18: {  	[hbm4b:s11+s31] =	stream.strided.scatter [tilespmem:s12], [sflag:$0x2], $0x2000, s8, s31, $0x20;
	[tilespmem:$0x8080] =	vst v63  }
.LBB1_5:
0x19: {  	s13 =	sadd.s32 $0x1000, s9  }
0x1a: {  	p2 =	sgt.s32 s13, $0x67FFF  }
0x1b: {  	s13 =	smov.u32 @p2 s3;
	p2 =	sne.s32 s10, s7  }
.Ltmp1:
0x1c: {  	p1 =	slt.u32 s10, $0x2;
	(pc) =	sbr.rel @!p2 .LBB1_6-.Ltmp1, $4  }
0x1d: {  	s12 =	simm.s32 @!p1 $0x2  }
0x1e: {  	s14 =	sadd.s32 $0x1, s10;
	_ =	swait.ge @!p1 [sflag:s12], $0x2000  }
0x1f: {  	s11 =	smov.u32 s9;
	p0 =	por !p0, !p0;
	[sflag:s12] =	ssyncset.done @!p1 $0x0  }
0x20: {  	s10 =	smov.u32 s14;
	s9 =	smov.u32 s13;
	[sflag:s12] =	ssyncadd.s32 @!p1 $0xFFFFE000  }
.LBB1_1:
0x21: {  	p1 =	sge.u32 s10, s6  }
0x22: {  	s12 =	sand.u32 @!p1 $0x1FFFFFF, s9  }
0x23: {  	s13 =	smulhi.u32 @!p1 $0x2762763, s12;
	_ =	sdelay $0x1  }
0x24: {  	s13 =	sshrl.u32 @!p1 s13, $0xC  }
0x25: {  	s13 =	smul.u32 @!p1 $0x68000, s13;
	_ =	sdelay $0x1  }
0x26: {  	s31 =	sadd.s32 $0xFFFFFFFF, s10;
	s14 =	sxor.u32 @!p1 $0xFFFFFFFF, s10;
	s12 =	ssub.s32 @!p1 s12, s13  }
0x27: {  	s15 =	simm.s32 @!p1 $0x80;
	s14 =	sshll.u32 @!p1 s14, $0xD;
	s12 =	sshll.u32 @!p1 s12, $0x4  }
0x28: {  	s13 =	sand.u32 @!p1 $0x2000, s14;
	s14 =	simm.s32 @!p1 $0x40;
	s12 =	sadd.s32 @!p1 s4, s12  }
0x29: {  	[tilespmem:s13], [sflag:$0x1] =	stream.strided.gather @!p1 [hbm4b:s12+s14], $0x2000, s15, s14, $0x38;
	[tilespmem:$0x8080] =	vst v63  }
0x2a: {  	p1 =	sge.u32 s31, s6  }
.Ltmp2:
0x2b: {  	_ = 	snop;
	(pc) =	sbr.rel @p1 .LBB1_5-.Ltmp2, $1  }
0x2c: {  	_ =	sdelay $0x3  }
0x2d: {  	s12 =	simm.s32 $0x1  }
0x2e: {  	_ =	swait.ge [sflag:s5], $0x2000;
	s12 =	simm.s32 @!p0 $0x0  }
0x2f: {  	[sflag:s5] =	ssyncset.done $0x0;
	s13 =	sshll.u32 s12, $0xD  }
0x30: {  	[sflag:s5] =	ssyncadd.s32 $0xFFFFE000;
	s16 =	sor.u32 $0x20, s13  }
0x31: {  	s12 =	smul.u32 $0x8100, s12;
	v3 =	vld [tilespmem:s16+$0x10]  }
0x32: {  	s30 =	sand.u32 $0x1, s10;
	v2 =	vld [tilespmem:s16+$0xFFFFFFF0]  }
0x33: {  	s13 =	smul.u32 $0x8100, s30;
	s12 =	sshrl.u32 s12, $0x2;
	v0 =	vld [tilespmem:s16+$0x0]  }
0x34: {  	v1 =	vld [tilespmem:s16+$0xFFFFFFE0];
	s14 =	sor.u32 $0x4000, s12  }
0x35: {  	s31 =	sshrl.u32 s13, $0x2;
	s13 =	sadd.s32 $0x0, s14  }
0x36: {  	s15 =	simm.s32 $0x4;
	s16 =	sadd.s32 $0x40, s16;
	s12 =	sor.u32 $0x4000, s31;
	[tilespmem:s13+$0x1830 ss:$0x81] =	vst.msk $0xffff, v3  }
.LBB1_3:
0x37: {  	v3 =	vld [tilespmem:s16+$0x10];
	p1 =	sne.s32 s15, $0x1FC;
	[tilespmem:s13+$0x810 ss:$0x81] =	vst.msk $0xffff, v2;
	s17 =	smov.u32 s15;
	s15 =	sadd.s32 $0x4, s15  }
.Ltmp3:
0x38: {  	v2 =	vld [tilespmem:s16+$0xFFFFFFF0];
	[tilespmem:s13+$0x1020 ss:$0x81] =	vst.msk $0xffff, v0;
	(pc) =	sbr.rel @p1 .LBB1_3-.Ltmp3, $4  }
0x39: {  	v0 =	vld [tilespmem:s16+$0x0];
	[tilespmem:s13+$0x0 ss:$0x81] =	vst.msk $0xffff, v1  }
0x3a: {  	s13 =	sshra.s32 s17, $0x2;
	v1 =	vld [tilespmem:s16+$0xFFFFFFE0]  }
0x3b: {  	s13 =	sadd.s32 s13, s14  }
0x3c: {  	s16 =	sadd.s32 $0x40, s16;
	[tilespmem:s13+$0x1830 ss:$0x81] =	vst.msk $0xffff, v3  }
.Ltmp4:
0x3d: {  	_ = 	snop;
	(pc) =	sbr.rel .LBB1_4-.Ltmp4, $1  }
0x3e: {  	_ =	sdelay $0x3  }
.LBB1_6:
0x3f: {  	_ =	sfence.sel $0x180000  }
0x40: {  	s2 =	simm.s32 $0x1;
	[bflag:$0x0] =	sbarrier.arrive $0xFFFF  }
0x41: {  	s31 =	simm.s32 $0x2;
	[sflag:s2] =	ssyncpa.u1 $0x1  }
0x42: {  	[sflag:s31] =	ssyncpa.u1 $0x1  }
0x43: {  	p0 =	sne.s32 s0, $0x0;
	_ =	strace $0x9000004A  }
0x44: {  	s0 =	sadd.s32 @!p0 $0x100000, s1;
	[bflag:$0x2] =	sbarrier.arrive $0xFFFF  }
0x45: {  	[sflag:s0] =	ssyncadd.tile.s32 @!p0 $0x1;
	_ =	shalt  }
.Lfunc_end1:
_tile_overlayer_lowered:
.L_overlay_start_2:
0x46: {  	(tag) =	ssettag $0x2  }
0x47: {  	s0 =	rddreg [dreg:$0x0];
	s2 =	stileid.u32  }
0x48: {  	s1 =	rddreg [dreg:$0x1];
	p0 =	sne.s32 s2, $0x0  }
0x49: {  	s3 =	rddreg [dreg:$0x2];
	[bflag:$0x3] =	sbarrier.arrive $0xFFFF;
	s2 =	simm.s32 @!p0 $0x1C01  }
0x4a: {  	[timem:s3], [sflag:s2] =	dma.local @!p0 [hbm:s0], s1  }
0x4b: {  	s0 =	simm.s32 @!p0 $0x1  }
0x4c: {  	_ =	swait.ge @!p0 [sflag:s0], s1  }
0x4d: {  	s1 =	ssub.s32 @!p0 $0x0, s1;
	[sflag:s0] =	ssyncset.done @!p0 $0x0  }
0x4e: {  	[sflag:s0] =	ssyncadd.s32 @!p0 s1  }
0x4f: {  	[bflag:$0x3] =	sbarrier.arrive $0xFFFF  }
0x50: {  	_ =	shalt  }

</sc_bundles>
